<compile_context>
chip_gen: v7x
topology: tpu7x:2x2x1
jax: 0.10.2.dev20260603
libtpu: 0.0.44.dev20260713+nightly
codegen_flags: <defaults>
</compile_context>

<pallas_src>
import functools

import jax
import jax.numpy as jnp
from jax import lax
from jax.experimental import pallas as pl
from jax.experimental.pallas import tpu as pltpu
from jax.experimental.pallas import tpu_sc as plsc

_N = 10000
_E = 320000
_D = 128
_H1 = 128
_H2 = 64
_G = 64
_C = 10

_NC = 2
_NS = 16
_NW = _NC * _NS
_CHUNK = 80
_CPW = _E // (_NW * _CHUNK)
_NTRI = (_CPW - 2) // 3
_DW = 16
_RPT = _N // _NS

_RB = 2000


def _sc_mesh():
    return plsc.VectorSubcoreMesh(
        core_axis_name="c", subcore_axis_name="s",
        num_cores=_NC, num_subcores=_NS)


def _zero_acc(buf, acc, sid, d):
    z16 = jnp.zeros((16,), jnp.float32)
    for r in range(8):
        for c in range(d // 16):
            buf[r, pl.ds(c * 16, 16)] = z16

    def zb(i, carry):
        pltpu.sync_copy(buf.at[pl.ds(0, 8)],
                        acc.at[pl.ds(sid * _RPT + i * 8, 8)])
        return carry

    lax.fori_loop(0, _RPT // 8, zb, 0)
    pltpu.sync_copy(buf.at[pl.ds(0, 1)],
                    acc.at[pl.ds(sid * _RPT + (_RPT // 8) * 8, 1)])


def _make_deg_kernel():
    @functools.partial(
        pl.kernel,
        mesh=_sc_mesh(),
        compiler_params=pltpu.CompilerParams(use_tc_tiling_on_sc=False),
        out_type=jax.ShapeDtypeStruct((_NC, _N, _DW), jnp.float32),
        scratch_types=[
            pltpu.VMEM((_CPW, _CHUNK), jnp.int32),
            pltpu.VMEM((_CHUNK, _DW), jnp.float32),
            pltpu.VMEM_SHARED((_N, _DW), jnp.float32),
            pltpu.SemaphoreType.DMA,
        ],
    )
    def deg_kernel(dst_hbm, ones_hbm, out_hbm, dst_v, ones_v, acc, sem):
        cid = lax.axis_index("c")
        sid = lax.axis_index("s")
        wid = sid * _NC + cid
        pltpu.sync_copy(dst_hbm.at[wid], dst_v)
        pltpu.sync_copy(ones_hbm, ones_v)
        _zero_acc(ones_v, acc, sid, _DW)
        pltpu.sync_copy(ones_hbm, ones_v)
        plsc.subcore_barrier()

        def fire_s(j):
            pltpu.async_copy(ones_v, acc.at[dst_v.at[j]], sem, add=True)

        def wait_s():
            pltpu.make_async_copy(ones_v, acc.at[dst_v.at[0]], sem).wait()

        def body(j, carry):
            fire_s(j)

            @pl.when(j > 0)
            def _():
                wait_s()

            return carry

        lax.fori_loop(0, _CPW, body, 0)
        wait_s()
        plsc.subcore_barrier()
        pltpu.sync_copy(acc.at[pl.ds(sid * _RPT, _RPT)],
                        out_hbm.at[cid, pl.ds(sid * _RPT, _RPT)])

    return deg_kernel


def _make_spmm_kernel(d):
    @functools.partial(
        pl.kernel,
        mesh=_sc_mesh(),
        compiler_params=pltpu.CompilerParams(use_tc_tiling_on_sc=False),
        out_type=jax.ShapeDtypeStruct((_NC, _N, d), jnp.float32),
        scratch_types=[
            pltpu.VMEM((_CPW, _CHUNK), jnp.int32),
            pltpu.VMEM((_CPW, _CHUNK), jnp.int32),
            pltpu.VMEM((_CHUNK, d), jnp.float32),
            pltpu.VMEM((_CHUNK, d), jnp.float32),
            pltpu.VMEM((_CHUNK, d), jnp.float32),
            pltpu.VMEM_SHARED((_N, d), jnp.float32),
            pltpu.SemaphoreType.DMA,
            pltpu.SemaphoreType.DMA,
            pltpu.SemaphoreType.DMA,
            pltpu.SemaphoreType.DMA,
            pltpu.SemaphoreType.DMA,
            pltpu.SemaphoreType.DMA,
        ],
    )
    def spmm_kernel(g_hbm, src_hbm, dst_hbm, out_hbm,
                    src_v, dst_v, b0, b1, b2, acc,
                    g0, g1, g2, s0, s1, s2):
        cid = lax.axis_index("c")
        sid = lax.axis_index("s")
        wid = sid * _NC + cid
        bufs = (b0, b1, b2)
        gsems = (g0, g1, g2)
        ssems = (s0, s1, s2)
        _zero_acc(b0, acc, sid, d)
        pltpu.sync_copy(src_hbm.at[wid], src_v)
        pltpu.sync_copy(dst_hbm.at[wid], dst_v)
        plsc.subcore_barrier()

        def fire_g(j, b):
            pltpu.async_copy(g_hbm.at[src_v.at[j]], bufs[b], gsems[b])

        def wait_g(j, b):
            pltpu.make_async_copy(g_hbm.at[src_v.at[j]], bufs[b], gsems[b]).wait()

        def fire_s(j, b):
            pltpu.async_copy(bufs[b], acc.at[dst_v.at[j]], ssems[b], add=True)

        def wait_s(b):
            pltpu.make_async_copy(bufs[b], acc.at[dst_v.at[0]], ssems[b]).wait()

        fire_g(0, 0)
        fire_g(1, 1)

        def body(m, carry):
            j0 = 3 * m

            wait_g(j0, 0)
            fire_s(j0, 0)

            @pl.when(m > 0)
            def _():
                wait_s(2)

            fire_g(j0 + 2, 2)

            wait_g(j0 + 1, 1)
            fire_s(j0 + 1, 1)
            wait_s(0)
            fire_g(j0 + 3, 0)

            wait_g(j0 + 2, 2)
            fire_s(j0 + 2, 2)
            wait_s(1)
            fire_g(j0 + 4, 1)
            return carry

        lax.fori_loop(0, _NTRI, body, 0)
        wait_g(_CPW - 2, 0)
        fire_s(_CPW - 2, 0)
        wait_g(_CPW - 1, 1)
        fire_s(_CPW - 1, 1)
        wait_s(2)
        wait_s(0)
        wait_s(1)
        plsc.subcore_barrier()
        pltpu.sync_copy(acc.at[pl.ds(sid * _RPT, _RPT)],
                        out_hbm.at[cid, pl.ds(sid * _RPT, _RPT)])

    return spmm_kernel


_deg_kernel = _make_deg_kernel()
_spmm128 = _make_spmm_kernel(_H1)
_spmm64 = _make_spmm_kernel(_H2)



def _g1_body(degp_ref, x_ref, w1_ref, g1_ref, dinv_ref):
    deg = degp_ref[0, :, 0:1] + degp_ref[1, :, 0:1] + 1.0
    dinv = lax.rsqrt(deg)
    h = jnp.dot(x_ref[...], w1_ref[...], preferred_element_type=jnp.float32)
    g1_ref[...] = h * dinv
    dinv_ref[...] = dinv


def _layer2_body(s1p_ref, g1_ref, dinv_ref, b1_ref, w2_ref, g2_ref):
    s = s1p_ref[0] + s1p_ref[1] + g1_ref[...]
    h1 = jnp.maximum(s * dinv_ref[...] + b1_ref[...], 0.0)
    g2_ref[...] = jnp.dot(h1, w2_ref[...],
                          preferred_element_type=jnp.float32) * dinv_ref[...]


def _pool_body(s2p_ref, g2_ref, dinv_ref, b2_ref, batch_ref, wfc_ref, bfc_ref,
               out_ref, pooled, counts):
    i = pl.program_id(0)

    @pl.when(i == 0)
    def _init():
        pooled[...] = jnp.zeros_like(pooled)
        counts[...] = jnp.zeros_like(counts)

    h2 = (s2p_ref[0] + s2p_ref[1] + g2_ref[...]) * dinv_ref[...] + b2_ref[...]
    gid = lax.broadcasted_iota(jnp.int32, (_G, _RB), 0)
    mask = jnp.where(gid == batch_ref[0], 1.0, 0.0)
    pooled[...] += jnp.dot(mask, h2, preferred_element_type=jnp.float32)
    counts[...] += jnp.sum(mask, axis=1, keepdims=True)

    @pl.when(i == pl.num_programs(0) - 1)
    def _fin():
        p = pooled[...] / jnp.maximum(counts[...], 1.0)
        out_ref[...] = jnp.dot(p, wfc_ref[...],
                               preferred_element_type=jnp.float32) + bfc_ref[...]


def kernel(x, edge_index, batch, W1, b1, W2, b2, Wfc, bfc):
    grid = _N // _RB

    src3 = edge_index[0].reshape(_NW, _CPW, _CHUNK)
    dst3 = edge_index[1].reshape(_NW, _CPW, _CHUNK)

    ones_dw = jnp.ones((_CHUNK, _DW), jnp.float32)

    degp = _deg_kernel(dst3, ones_dw)

    g1, dinv = pl.pallas_call(
        _g1_body,
        grid=(grid,),
        in_specs=[
            pl.BlockSpec((_NC, _RB, _DW), lambda i: (0, i, 0)),
            pl.BlockSpec((_RB, _D), lambda i: (i, 0)),
            pl.BlockSpec((_D, _H1), lambda i: (0, 0)),
        ],
        out_specs=[
            pl.BlockSpec((_RB, _H1), lambda i: (i, 0)),
            pl.BlockSpec((_RB, 1), lambda i: (i, 0)),
        ],
        out_shape=[
            jax.ShapeDtypeStruct((_N, _H1), jnp.float32),
            jax.ShapeDtypeStruct((_N, 1), jnp.float32),
        ],
    )(degp, x, W1)

    s1p = _spmm128(g1, src3, dst3)

    g2 = pl.pallas_call(
        _layer2_body,
        grid=(grid,),
        in_specs=[
            pl.BlockSpec((_NC, _RB, _H1), lambda i: (0, i, 0)),
            pl.BlockSpec((_RB, _H1), lambda i: (i, 0)),
            pl.BlockSpec((_RB, 1), lambda i: (i, 0)),
            pl.BlockSpec((1, _H1), lambda i: (0, 0)),
            pl.BlockSpec((_H1, _H2), lambda i: (0, 0)),
        ],
        out_specs=pl.BlockSpec((_RB, _H2), lambda i: (i, 0)),
        out_shape=jax.ShapeDtypeStruct((_N, _H2), jnp.float32),
    )(s1p, g1, dinv, b1.reshape(1, _H1), W2)

    s2p = _spmm64(g2, src3, dst3)

    out = pl.pallas_call(
        _pool_body,
        grid=(grid,),
        in_specs=[
            pl.BlockSpec((_NC, _RB, _H2), lambda i: (0, i, 0)),
            pl.BlockSpec((_RB, _H2), lambda i: (i, 0)),
            pl.BlockSpec((_RB, 1), lambda i: (i, 0)),
            pl.BlockSpec((1, _H2), lambda i: (0, 0)),
            pl.BlockSpec((1, 1, _RB), lambda i: (i, 0, 0)),
            pl.BlockSpec((_H2, _C), lambda i: (0, 0)),
            pl.BlockSpec((1, _C), lambda i: (0, 0)),
        ],
        out_specs=pl.BlockSpec((_G, _C), lambda i: (0, 0)),
        out_shape=jax.ShapeDtypeStruct((_G, _C), jnp.float32),
        scratch_shapes=[
            pltpu.VMEM((_G, _H2), jnp.float32),
            pltpu.VMEM((_G, 1), jnp.float32),
        ],
    )(s2p, g2, dinv, b2.reshape(1, _H2), batch.reshape(grid, 1, _RB), Wfc,
      bfc.reshape(1, _C))

    return out

# --- scband reference (transcript-rebuilt; emitter-appended) ---
"""Pipeline reference for scband-gcnmodel-84404697301756 (READ-ONLY COPY).

The authoritative reference and input builder live on the scoring server;
editing this copy changes nothing except your own understanding.
"""

import jax, jax.numpy as jnp
import numpy as np

N = 10000
E = 320000
D = 128
H1 = 128
H2 = 64
NUM_GRAPHS = 64
NUM_CLASSES = 10


def gcn_conv(x, edge_index, W, b, num_nodes):
    # PyG-style GCNConv: add self-loops, symmetric normalization, scatter-add aggregation
    src = edge_index[0]
    dst = edge_index[1]
    loop = jnp.arange(num_nodes, dtype=src.dtype)
    src = jnp.concatenate([src, loop])
    dst = jnp.concatenate([dst, loop])
    h = x @ W
    ones = jnp.ones(src.shape[0], dtype=h.dtype)
    deg = jax.ops.segment_sum(ones, dst, num_segments=num_nodes)
    dinv = jnp.where(deg > 0, deg ** -0.5, 0.0)
    norm = dinv[src] * dinv[dst]
    msg = h[src] * norm[:, None]
    out = jax.ops.segment_sum(msg, dst, num_segments=num_nodes)
    return out + b


def global_mean_pool(x, batch, num_graphs):
    sums = jax.ops.segment_sum(x, batch, num_segments=num_graphs)
    counts = jax.ops.segment_sum(jnp.ones(x.shape[0], dtype=x.dtype), batch, num_segments=num_graphs)
    return sums / jnp.clip(counts, 1.0)[:, None]


def setup_inputs(seed: int = 0) -> dict:
    key = jax.random.key(seed)
    ks = jax.random.split(key, 10)
    x = jax.random.normal(ks[0], (N, D), dtype=jnp.float32)
    edge_index = jax.random.randint(ks[1], (2, E), 0, N, dtype=jnp.int32)
    batch = jnp.sort(jax.random.randint(ks[2], (N,), 0, NUM_GRAPHS, dtype=jnp.int32))
    W1 = jax.random.normal(ks[3], (D, H1), dtype=jnp.float32) * (1.0 / np.sqrt(D))
    b1 = jnp.zeros((H1,), dtype=jnp.float32)
    W2 = jax.random.normal(ks[4], (H1, H2), dtype=jnp.float32) * (1.0 / np.sqrt(H1))
    b2 = jnp.zeros((H2,), dtype=jnp.float32)
    Wfc = jax.random.normal(ks[5], (H2, NUM_CLASSES), dtype=jnp.float32) * (1.0 / np.sqrt(H2))
    bfc = jnp.zeros((NUM_CLASSES,), dtype=jnp.float32)
    return {"x": x, "edge_index": edge_index, "batch": batch, "W1": W1, "b1": b1, "W2": W2, "b2": b2, "Wfc": Wfc, "bfc": bfc}


def reference(x, edge_index, batch, W1, b1, W2, b2, Wfc, bfc):
    h = gcn_conv(x, edge_index, W1, b1, N)
    h = jax.nn.relu(h)
    # dropout is identity in eval mode
    h = gcn_conv(h, edge_index, W2, b2, N)
    pooled = global_mean_pool(h, batch, NUM_GRAPHS)
    out = pooled @ Wfc + bfc
    return out

if __name__ == "__main__":
    import jax
    _d = setup_inputs()
    print(jax.jit(kernel)(*tuple(_d.values())))

</pallas_src>

<mosaic_0001>
#map = affine_map<(d0, d1) -> (0, 0)>
#map1 = affine_map<(d0, d1) -> (0, 0, 0)>
module attributes {stable_mosaic.version = 14 : i64} {
  func.func @spmm_kernel(%arg0: i32, %arg1: i32, %arg2: memref<10000x64xf32, #tpu.memory_space<hbm>>, %arg3: memref<32x125x80xi32, #tpu.memory_space<hbm>>, %arg4: memref<32x125x80xi32, #tpu.memory_space<hbm>>, %arg5: memref<2x10000x64xf32, #tpu.memory_space<hbm>>, %arg6: memref<125x80xi32, #tpu.memory_space<vmem>>, %arg7: memref<125x80xi32, #tpu.memory_space<vmem>>, %arg8: memref<80x64xf32, #tpu.memory_space<vmem>>, %arg9: memref<80x64xf32, #tpu.memory_space<vmem>>, %arg10: memref<80x64xf32, #tpu.memory_space<vmem>>, %arg11: memref<10000x64xf32, #tpu.memory_space<vmem_shared>>, %arg12: memref<!tpu.dma_semaphore, #tpu.memory_space<semaphore_mem>>, %arg13: memref<!tpu.dma_semaphore, #tpu.memory_space<semaphore_mem>>, %arg14: memref<!tpu.dma_semaphore, #tpu.memory_space<semaphore_mem>>, %arg15: memref<!tpu.dma_semaphore, #tpu.memory_space<semaphore_mem>>, %arg16: memref<!tpu.dma_semaphore, #tpu.memory_space<semaphore_mem>>, %arg17: memref<!tpu.dma_semaphore, #tpu.memory_space<semaphore_mem>>) attributes {dimension_semantics = [#tpu.dimension_semantics<core_parallel>, #tpu.dimension_semantics<subcore_parallel>], iteration_bounds = array<i64: 2, 16>, scalar_prefetch = 0 : i64, scratch_operands = 12 : i64, tpu.core_type = #tpu.core_type<sc_vector_subcore>, window_params = [{transform_indices = #map}, {transform_indices = #map1}, {transform_indices = #map1}, {transform_indices = #map1}]} {
    %mul3A = arith.constant 2 : i32
    %mul3A_0 = arith.muli %arg1, %mul3A : i32
    %add3A = arith.addi %mul3A_0, %arg0 : i32
    %broadcast_in_dim3A = arith.constant 0.000000e+00 : f32
    %broadcast_in_dim3A_1 = vector.broadcast %broadcast_in_dim3A : f32 to vector<16xf32>
    %swap3A = arith.constant 0 : i32
    %swap3A_2 = arith.index_cast %swap3A : i32 to index
    %swap3A_3 = arith.constant 0 : index
    %swap3A_4 = tpu.vector_load %arg8[%swap3A_2, %swap3A_3] {strides = array<i32>} : memref<80x64xf32, #tpu.memory_space<vmem>>, vector<1x16xf32>,
    %swap3A_5 = vector.shape_cast %swap3A_4 : vector<1x16xf32> to vector<16xf32>
    %swap3A_6 = vector.shape_cast %broadcast_in_dim3A_1 : vector<16xf32> to vector<1x16xf32>
    tpu.vector_store %arg8[%swap3A_2, %swap3A_3], %swap3A_6 {strides = array<i32>} : memref<80x64xf32, #tpu.memory_space<vmem>>, vector<1x16xf32>,
    %swap3A_7 = arith.constant 0 : i32
    %swap3A_8 = arith.index_cast %swap3A_7 : i32 to index
    %swap3A_9 = arith.constant 16 : index
    %swap3A_10 = tpu.vector_load %arg8[%swap3A_8, %swap3A_9] {strides = array<i32>} : memref<80x64xf32, #tpu.memory_space<vmem>>, vector<1x16xf32>,
    %swap3A_11 = vector.shape_cast %swap3A_10 : vector<1x16xf32> to vector<16xf32>
    %swap3A_12 = vector.shape_cast %broadcast_in_dim3A_1 : vector<16xf32> to vector<1x16xf32>
    tpu.vector_store %arg8[%swap3A_8, %swap3A_9], %swap3A_12 {strides = array<i32>} : memref<80x64xf32, #tpu.memory_space<vmem>>, vector<1x16xf32>,
    %swap3A_13 = arith.constant 0 : i32
    %swap3A_14 = arith.index_cast %swap3A_13 : i32 to index
    %swap3A_15 = arith.constant 32 : index
    %swap3A_16 = tpu.vector_load %arg8[%swap3A_14, %swap3A_15] {strides = array<i32>} : memref<80x64xf32, #tpu.memory_space<vmem>>, vector<1x16xf32>,
    %swap3A_17 = vector.shape_cast %swap3A_16 : vector<1x16xf32> to vector<16xf32>
    %swap3A_18 = vector.shape_cast %broadcast_in_dim3A_1 : vector<16xf32> to vector<1x16xf32>
    tpu.vector_store %arg8[%swap3A_14, %swap3A_15], %swap3A_18 {strides = array<i32>} : memref<80x64xf32, #tpu.memory_space<vmem>>, vector<1x16xf32>,
    %swap3A_19 = arith.constant 0 : i32
    %swap3A_20 = arith.index_cast %swap3A_19 : i32 to index
    %swap3A_21 = arith.constant 48 : index
    %swap3A_22 = tpu.vector_load %arg8[%swap3A_20, %swap3A_21] {strides = array<i32>} : memref<80x64xf32, #tpu.memory_space<vmem>>, vector<1x16xf32>,
    %swap3A_23 = vector.shape_cast %swap3A_22 : vector<1x16xf32> to vector<16xf32>
    %swap3A_24 = vector.shape_cast %broadcast_in_dim3A_1 : vector<16xf32> to vector<1x16xf32>
    tpu.vector_store %arg8[%swap3A_20, %swap3A_21], %swap3A_24 {strides = array<i32>} : memref<80x64xf32, #tpu.memory_space<vmem>>, vector<1x16xf32>,
    %swap3A_25 = arith.constant 1 : i32
    %swap3A_26 = arith.index_cast %swap3A_25 : i32 to index
    %swap3A_27 = arith.constant 0 : index
    %swap3A_28 = tpu.vector_load %arg8[%swap3A_26, %swap3A_27] {strides = array<i32>} : memref<80x64xf32, #tpu.memory_space<vmem>>, vector<1x16xf32>,
    %swap3A_29 = vector.shape_cast %swap3A_28 : vector<1x16xf32> to vector<16xf32>
    %swap3A_30 = vector.shape_cast %broadcast_in_dim3A_1 : vector<16xf32> to vector<1x16xf32>
    tpu.vector_store %arg8[%swap3A_26, %swap3A_27], %swap3A_30 {strides = array<i32>} : memref<80x64xf32, #tpu.memory_space<vmem>>, vector<1x16xf32>,
    %swap3A_31 = arith.constant 1 : i32
    %swap3A_32 = arith.index_cast %swap3A_31 : i32 to index
    %swap3A_33 = arith.constant 16 : index
    %swap3A_34 = tpu.vector_load %arg8[%swap3A_32, %swap3A_33] {strides = array<i32>} : memref<80x64xf32, #tpu.memory_space<vmem>>, vector<1x16xf32>,
    %swap3A_35 = vector.shape_cast %swap3A_34 : vector<1x16xf32> to vector<16xf32>
    %swap3A_36 = vector.shape_cast %broadcast_in_dim3A_1 : vector<16xf32> to vector<1x16xf32>
    tpu.vector_store %arg8[%swap3A_32, %swap3A_33], %swap3A_36 {strides = array<i32>} : memref<80x64xf32, #tpu.memory_space<vmem>>, vector<1x16xf32>,
    %swap3A_37 = arith.constant 1 : i32
    %swap3A_38 = arith.index_cast %swap3A_37 : i32 to index
    %swap3A_39 = arith.constant 32 : index
    %swap3A_40 = tpu.vector_load %arg8[%swap3A_38, %swap3A_39] {strides = array<i32>} : memref<80x64xf32, #tpu.memory_space<vmem>>, vector<1x16xf32>,
    %swap3A_41 = vector.shape_cast %swap3A_40 : vector<1x16xf32> to vector<16xf32>
    %swap3A_42 = vector.shape_cast %broadcast_in_dim3A_1 : vector<16xf32> to vector<1x16xf32>
    tpu.vector_store %arg8[%swap3A_38, %swap3A_39], %swap3A_42 {strides = array<i32>} : memref<80x64xf32, #tpu.memory_space<vmem>>, vector<1x16xf32>,
    %swap3A_43 = arith.constant 1 : i32
    %swap3A_44 = arith.index_cast %swap3A_43 : i32 to index
    %swap3A_45 = arith.constant 48 : index
    %swap3A_46 = tpu.vector_load %arg8[%swap3A_44, %swap3A_45] {strides = array<i32>} : memref<80x64xf32, #tpu.memory_space<vmem>>, vector<1x16xf32>,
    %swap3A_47 = vector.shape_cast %swap3A_46 : vector<1x16xf32> to vector<16xf32>
    %swap3A_48 = vector.shape_cast %broadcast_in_dim3A_1 : vector<16xf32> to vector<1x16xf32>
    tpu.vector_store %arg8[%swap3A_44, %swap3A_45], %swap3A_48 {strides = array<i32>} : memref<80x64xf32, #tpu.memory_space<vmem>>, vector<1x16xf32>,
    %swap3A_49 = arith.constant 2 : i32
    %swap3A_50 = arith.index_cast %swap3A_49 : i32 to index
    %swap3A_51 = arith.constant 0 : index
    %swap3A_52 = tpu.vector_load %arg8[%swap3A_50, %swap3A_51] {strides = array<i32>} : memref<80x64xf32, #tpu.memory_space<vmem>>, vector<1x16xf32>,
    %swap3A_53 = vector.shape_cast %swap3A_52 : vector<1x16xf32> to vector<16xf32>
    %swap3A_54 = vector.shape_cast %broadcast_in_dim3A_1 : vector<16xf32> to vector<1x16xf32>
    tpu.vector_store %arg8[%swap3A_50, %swap3A_51], %swap3A_54 {strides = array<i32>} : memref<80x64xf32, #tpu.memory_space<vmem>>, vector<1x16xf32>,
    %swap3A_55 = arith.constant 2 : i32
    %swap3A_56 = arith.index_cast %swap3A_55 : i32 to index
    %swap3A_57 = arith.constant 16 : index
    %swap3A_58 = tpu.vector_load %arg8[%swap3A_56, %swap3A_57] {strides = array<i32>} : memref<80x64xf32, #tpu.memory_space<vmem>>, vector<1x16xf32>,
    %swap3A_59 = vector.shape_cast %swap3A_58 : vector<1x16xf32> to vector<16xf32>
    %swap3A_60 = vector.shape_cast %broadcast_in_dim3A_1 : vector<16xf32> to vector<1x16xf32>
    tpu.vector_store %arg8[%swap3A_56, %swap3A_57], %swap3A_60 {strides = array<i32>} : memref<80x64xf32, #tpu.memory_space<vmem>>, vector<1x16xf32>,
    %swap3A_61 = arith.constant 2 : i32
    %swap3A_62 = arith.index_cast %swap3A_61 : i32 to index
    %swap3A_63 = arith.constant 32 : index
    %swap3A_64 = tpu.vector_load %arg8[%swap3A_62, %swap3A_63] {strides = array<i32>} : memref<80x64xf32, #tpu.memory_space<vmem>>, vector<1x16xf32>,
    %swap3A_65 = vector.shape_cast %swap3A_64 : vector<1x16xf32> to vector<16xf32>
    %swap3A_66 = vector.shape_cast %broadcast_in_dim3A_1 : vector<16xf32> to vector<1x16xf32>
    tpu.vector_store %arg8[%swap3A_62, %swap3A_63], %swap3A_66 {strides = array<i32>} : memref<80x64xf32, #tpu.memory_space<vmem>>, vector<1x16xf32>,
    %swap3A_67 = arith.constant 2 : i32
    %swap3A_68 = arith.index_cast %swap3A_67 : i32 to index
    %swap3A_69 = arith.constant 48 : index
    %swap3A_70 = tpu.vector_load %arg8[%swap3A_68, %swap3A_69] {strides = array<i32>} : memref<80x64xf32, #tpu.memory_space<vmem>>, vector<1x16xf32>,
    %swap3A_71 = vector.shape_cast %swap3A_70 : vector<1x16xf32> to vector<16xf32>
    %swap3A_72 = vector.shape_cast %broadcast_in_dim3A_1 : vector<16xf32> to vector<1x16xf32>
    tpu.vector_store %arg8[%swap3A_68, %swap3A_69], %swap3A_72 {strides = array<i32>} : memref<80x64xf32, #tpu.memory_space<vmem>>, vector<1x16xf32>,
    %swap3A_73 = arith.constant 3 : i32
    %swap3A_74 = arith.index_cast %swap3A_73 : i32 to index
    %swap3A_75 = arith.constant 0 : index
    %swap3A_76 = tpu.vector_load %arg8[%swap3A_74, %swap3A_75] {strides = array<i32>} : memref<80x64xf32, #tpu.memory_space<vmem>>, vector<1x16xf32>,
    %swap3A_77 = vector.shape_cast %swap3A_76 : vector<1x16xf32> to vector<16xf32>
    %swap3A_78 = vector.shape_cast %broadcast_in_dim3A_1 : vector<16xf32> to vector<1x16xf32>
    tpu.vector_store %arg8[%swap3A_74, %swap3A_75], %swap3A_78 {strides = array<i32>} : memref<80x64xf32, #tpu.memory_space<vmem>>, vector<1x16xf32>,
    %swap3A_79 = arith.constant 3 : i32
    %swap3A_80 = arith.index_cast %swap3A_79 : i32 to index
    %swap3A_81 = arith.constant 16 : index
    %swap3A_82 = tpu.vector_load %arg8[%swap3A_80, %swap3A_81] {strides = array<i32>} : memref<80x64xf32, #tpu.memory_space<vmem>>, vector<1x16xf32>,
    %swap3A_83 = vector.shape_cast %swap3A_82 : vector<1x16xf32> to vector<16xf32>
    %swap3A_84 = vector.shape_cast %broadcast_in_dim3A_1 : vector<16xf32> to vector<1x16xf32>
    tpu.vector_store %arg8[%swap3A_80, %swap3A_81], %swap3A_84 {strides = array<i32>} : memref<80x64xf32, #tpu.memory_space<vmem>>, vector<1x16xf32>,
    %swap3A_85 = arith.constant 3 : i32
    %swap3A_86 = arith.index_cast %swap3A_85 : i32 to index
    %swap3A_87 = arith.constant 32 : index
    %swap3A_88 = tpu.vector_load %arg8[%swap3A_86, %swap3A_87] {strides = array<i32>} : memref<80x64xf32, #tpu.memory_space<vmem>>, vector<1x16xf32>,
    %swap3A_89 = vector.shape_cast %swap3A_88 : vector<1x16xf32> to vector<16xf32>
    %swap3A_90 = vector.shape_cast %broadcast_in_dim3A_1 : vector<16xf32> to vector<1x16xf32>
    tpu.vector_store %arg8[%swap3A_86, %swap3A_87], %swap3A_90 {strides = array<i32>} : memref<80x64xf32, #tpu.memory_space<vmem>>, vector<1x16xf32>,
    %swap3A_91 = arith.constant 3 : i32
    %swap3A_92 = arith.index_cast %swap3A_91 : i32 to index
    %swap3A_93 = arith.constant 48 : index
    %swap3A_94 = tpu.vector_load %arg8[%swap3A_92, %swap3A_93] {strides = array<i32>} : memref<80x64xf32, #tpu.memory_space<vmem>>, vector<1x16xf32>,
    %swap3A_95 = vector.shape_cast %swap3A_94 : vector<1x16xf32> to vector<16xf32>
    %swap3A_96 = vector.shape_cast %broadcast_in_dim3A_1 : vector<16xf32> to vector<1x16xf32>
    tpu.vector_store %arg8[%swap3A_92, %swap3A_93], %swap3A_96 {strides = array<i32>} : memref<80x64xf32, #tpu.memory_space<vmem>>, vector<1x16xf32>,
    %swap3A_97 = arith.constant 4 : i32
    %swap3A_98 = arith.index_cast %swap3A_97 : i32 to index
    %swap3A_99 = arith.constant 0 : index
    %swap3A_100 = tpu.vector_load %arg8[%swap3A_98, %swap3A_99] {strides = array<i32>} : memref<80x64xf32, #tpu.memory_space<vmem>>, vector<1x16xf32>,
    %swap3A_101 = vector.shape_cast %swap3A_100 : vector<1x16xf32> to vector<16xf32>
    %swap3A_102 = vector.shape_cast %broadcast_in_dim3A_1 : vector<16xf32> to vector<1x16xf32>
    tpu.vector_store %arg8[%swap3A_98, %swap3A_99], %swap3A_102 {strides = array<i32>} : memref<80x64xf32, #tpu.memory_space<vmem>>, vector<1x16xf32>,
    %swap3A_103 = arith.constant 4 : i32
    %swap3A_104 = arith.index_cast %swap3A_103 : i32 to index
    %swap3A_105 = arith.constant 16 : index
    %swap3A_106 = tpu.vector_load %arg8[%swap3A_104, %swap3A_105] {strides = array<i32>} : memref<80x64xf32, #tpu.memory_space<vmem>>, vector<1x16xf32>,
    %swap3A_107 = vector.shape_cast %swap3A_106 : vector<1x16xf32> to vector<16xf32>
    %swap3A_108 = vector.shape_cast %broadcast_in_dim3A_1 : vector<16xf32> to vector<1x16xf32>
    tpu.vector_store %arg8[%swap3A_104, %swap3A_105], %swap3A_108 {strides = array<i32>} : memref<80x64xf32, #tpu.memory_space<vmem>>, vector<1x16xf32>,
    %swap3A_109 = arith.constant 4 : i32
    %swap3A_110 = arith.index_cast %swap3A_109 : i32 to index
    %swap3A_111 = arith.constant 32 : index
    %swap3A_112 = tpu.vector_load %arg8[%swap3A_110, %swap3A_111] {strides = array<i32>} : memref<80x64xf32, #tpu.memory_space<vmem>>, vector<1x16xf32>,
    %swap3A_113 = vector.shape_cast %swap3A_112 : vector<1x16xf32> to vector<16xf32>
    %swap3A_114 = vector.shape_cast %broadcast_in_dim3A_1 : vector<16xf32> to vector<1x16xf32>
    tpu.vector_store %arg8[%swap3A_110, %swap3A_111], %swap3A_114 {strides = array<i32>} : memref<80x64xf32, #tpu.memory_space<vmem>>, vector<1x16xf32>,
    %swap3A_115 = arith.constant 4 : i32
    %swap3A_116 = arith.index_cast %swap3A_115 : i32 to index
    %swap3A_117 = arith.constant 48 : index
    %swap3A_118 = tpu.vector_load %arg8[%swap3A_116, %swap3A_117] {strides = array<i32>} : memref<80x64xf32, #tpu.memory_space<vmem>>, vector<1x16xf32>,
    %swap3A_119 = vector.shape_cast %swap3A_118 : vector<1x16xf32> to vector<16xf32>
    %swap3A_120 = vector.shape_cast %broadcast_in_dim3A_1 : vector<16xf32> to vector<1x16xf32>
    tpu.vector_store %arg8[%swap3A_116, %swap3A_117], %swap3A_120 {strides = array<i32>} : memref<80x64xf32, #tpu.memory_space<vmem>>, vector<1x16xf32>,
    %swap3A_121 = arith.constant 5 : i32
    %swap3A_122 = arith.index_cast %swap3A_121 : i32 to index
    %swap3A_123 = arith.constant 0 : index
    %swap3A_124 = tpu.vector_load %arg8[%swap3A_122, %swap3A_123] {strides = array<i32>} : memref<80x64xf32, #tpu.memory_space<vmem>>, vector<1x16xf32>,
    %swap3A_125 = vector.shape_cast %swap3A_124 : vector<1x16xf32> to vector<16xf32>
    %swap3A_126 = vector.shape_cast %broadcast_in_dim3A_1 : vector<16xf32> to vector<1x16xf32>
    tpu.vector_store %arg8[%swap3A_122, %swap3A_123], %swap3A_126 {strides = array<i32>} : memref<80x64xf32, #tpu.memory_space<vmem>>, vector<1x16xf32>,
    %swap3A_127 = arith.constant 5 : i32
    %swap3A_128 = arith.index_cast %swap3A_127 : i32 to index
    %swap3A_129 = arith.constant 16 : index
    %swap3A_130 = tpu.vector_load %arg8[%swap3A_128, %swap3A_129] {strides = array<i32>} : memref<80x64xf32, #tpu.memory_space<vmem>>, vector<1x16xf32>,
    %swap3A_131 = vector.shape_cast %swap3A_130 : vector<1x16xf32> to vector<16xf32>
    %swap3A_132 = vector.shape_cast %broadcast_in_dim3A_1 : vector<16xf32> to vector<1x16xf32>
    tpu.vector_store %arg8[%swap3A_128, %swap3A_129], %swap3A_132 {strides = array<i32>} : memref<80x64xf32, #tpu.memory_space<vmem>>, vector<1x16xf32>,
    %swap3A_133 = arith.constant 5 : i32
    %swap3A_134 = arith.index_cast %swap3A_133 : i32 to index
    %swap3A_135 = arith.constant 32 : index
    %swap3A_136 = tpu.vector_load %arg8[%swap3A_134, %swap3A_135] {strides = array<i32>} : memref<80x64xf32, #tpu.memory_space<vmem>>, vector<1x16xf32>,
    %swap3A_137 = vector.shape_cast %swap3A_136 : vector<1x16xf32> to vector<16xf32>
    %swap3A_138 = vector.shape_cast %broadcast_in_dim3A_1 : vector<16xf32> to vector<1x16xf32>
    tpu.vector_store %arg8[%swap3A_134, %swap3A_135], %swap3A_138 {strides = array<i32>} : memref<80x64xf32, #tpu.memory_space<vmem>>, vector<1x16xf32>,
    %swap3A_139 = arith.constant 5 : i32
    %swap3A_140 = arith.index_cast %swap3A_139 : i32 to index
    %swap3A_141 = arith.constant 48 : index
    %swap3A_142 = tpu.vector_load %arg8[%swap3A_140, %swap3A_141] {strides = array<i32>} : memref<80x64xf32, #tpu.memory_space<vmem>>, vector<1x16xf32>,
    %swap3A_143 = vector.shape_cast %swap3A_142 : vector<1x16xf32> to vector<16xf32>
    %swap3A_144 = vector.shape_cast %broadcast_in_dim3A_1 : vector<16xf32> to vector<1x16xf32>
    tpu.vector_store %arg8[%swap3A_140, %swap3A_141], %swap3A_144 {strides = array<i32>} : memref<80x64xf32, #tpu.memory_space<vmem>>, vector<1x16xf32>,
    %swap3A_145 = arith.constant 6 : i32
    %swap3A_146 = arith.index_cast %swap3A_145 : i32 to index
    %swap3A_147 = arith.constant 0 : index
    %swap3A_148 = tpu.vector_load %arg8[%swap3A_146, %swap3A_147] {strides = array<i32>} : memref<80x64xf32, #tpu.memory_space<vmem>>, vector<1x16xf32>,
    %swap3A_149 = vector.shape_cast %swap3A_148 : vector<1x16xf32> to vector<16xf32>
    %swap3A_150 = vector.shape_cast %broadcast_in_dim3A_1 : vector<16xf32> to vector<1x16xf32>
    tpu.vector_store %arg8[%swap3A_146, %swap3A_147], %swap3A_150 {strides = array<i32>} : memref<80x64xf32, #tpu.memory_space<vmem>>, vector<1x16xf32>,
    %swap3A_151 = arith.constant 6 : i32
    %swap3A_152 = arith.index_cast %swap3A_151 : i32 to index
    %swap3A_153 = arith.constant 16 : index
    %swap3A_154 = tpu.vector_load %arg8[%swap3A_152, %swap3A_153] {strides = array<i32>} : memref<80x64xf32, #tpu.memory_space<vmem>>, vector<1x16xf32>,
    %swap3A_155 = vector.shape_cast %swap3A_154 : vector<1x16xf32> to vector<16xf32>
    %swap3A_156 = vector.shape_cast %broadcast_in_dim3A_1 : vector<16xf32> to vector<1x16xf32>
    tpu.vector_store %arg8[%swap3A_152, %swap3A_153], %swap3A_156 {strides = array<i32>} : memref<80x64xf32, #tpu.memory_space<vmem>>, vector<1x16xf32>,
    %swap3A_157 = arith.constant 6 : i32
    %swap3A_158 = arith.index_cast %swap3A_157 : i32 to index
    %swap3A_159 = arith.constant 32 : index
    %swap3A_160 = tpu.vector_load %arg8[%swap3A_158, %swap3A_159] {strides = array<i32>} : memref<80x64xf32, #tpu.memory_space<vmem>>, vector<1x16xf32>,
    %swap3A_161 = vector.shape_cast %swap3A_160 : vector<1x16xf32> to vector<16xf32>
    %swap3A_162 = vector.shape_cast %broadcast_in_dim3A_1 : vector<16xf32> to vector<1x16xf32>
    tpu.vector_store %arg8[%swap3A_158, %swap3A_159], %swap3A_162 {strides = array<i32>} : memref<80x64xf32, #tpu.memory_space<vmem>>, vector<1x16xf32>,
    %swap3A_163 = arith.constant 6 : i32
    %swap3A_164 = arith.index_cast %swap3A_163 : i32 to index
    %swap3A_165 = arith.constant 48 : index
    %swap3A_166 = tpu.vector_load %arg8[%swap3A_164, %swap3A_165] {strides = array<i32>} : memref<80x64xf32, #tpu.memory_space<vmem>>, vector<1x16xf32>,
    %swap3A_167 = vector.shape_cast %swap3A_166 : vector<1x16xf32> to vector<16xf32>
    %swap3A_168 = vector.shape_cast %broadcast_in_dim3A_1 : vector<16xf32> to vector<1x16xf32>
    tpu.vector_store %arg8[%swap3A_164, %swap3A_165], %swap3A_168 {strides = array<i32>} : memref<80x64xf32, #tpu.memory_space<vmem>>, vector<1x16xf32>,
    %swap3A_169 = arith.constant 7 : i32
    %swap3A_170 = arith.index_cast %swap3A_169 : i32 to index
    %swap3A_171 = arith.constant 0 : index
    %swap3A_172 = tpu.vector_load %arg8[%swap3A_170, %swap3A_171] {strides = array<i32>} : memref<80x64xf32, #tpu.memory_space<vmem>>, vector<1x16xf32>,
    %swap3A_173 = vector.shape_cast %swap3A_172 : vector<1x16xf32> to vector<16xf32>
    %swap3A_174 = vector.shape_cast %broadcast_in_dim3A_1 : vector<16xf32> to vector<1x16xf32>
    tpu.vector_store %arg8[%swap3A_170, %swap3A_171], %swap3A_174 {strides = array<i32>} : memref<80x64xf32, #tpu.memory_space<vmem>>, vector<1x16xf32>,
    %swap3A_175 = arith.constant 7 : i32
    %swap3A_176 = arith.index_cast %swap3A_175 : i32 to index
    %swap3A_177 = arith.constant 16 : index
    %swap3A_178 = tpu.vector_load %arg8[%swap3A_176, %swap3A_177] {strides = array<i32>} : memref<80x64xf32, #tpu.memory_space<vmem>>, vector<1x16xf32>,
    %swap3A_179 = vector.shape_cast %swap3A_178 : vector<1x16xf32> to vector<16xf32>
    %swap3A_180 = vector.shape_cast %broadcast_in_dim3A_1 : vector<16xf32> to vector<1x16xf32>
    tpu.vector_store %arg8[%swap3A_176, %swap3A_177], %swap3A_180 {strides = array<i32>} : memref<80x64xf32, #tpu.memory_space<vmem>>, vector<1x16xf32>,
    %swap3A_181 = arith.constant 7 : i32
    %swap3A_182 = arith.index_cast %swap3A_181 : i32 to index
    %swap3A_183 = arith.constant 32 : index
    %swap3A_184 = tpu.vector_load %arg8[%swap3A_182, %swap3A_183] {strides = array<i32>} : memref<80x64xf32, #tpu.memory_space<vmem>>, vector<1x16xf32>,
    %swap3A_185 = vector.shape_cast %swap3A_184 : vector<1x16xf32> to vector<16xf32>
    %swap3A_186 = vector.shape_cast %broadcast_in_dim3A_1 : vector<16xf32> to vector<1x16xf32>
    tpu.vector_store %arg8[%swap3A_182, %swap3A_183], %swap3A_186 {strides = array<i32>} : memref<80x64xf32, #tpu.memory_space<vmem>>, vector<1x16xf32>,
    %swap3A_187 = arith.constant 7 : i32
    %swap3A_188 = arith.index_cast %swap3A_187 : i32 to index
    %swap3A_189 = arith.constant 48 : index
    %swap3A_190 = tpu.vector_load %arg8[%swap3A_188, %swap3A_189] {strides = array<i32>} : memref<80x64xf32, #tpu.memory_space<vmem>>, vector<1x16xf32>,
    %swap3A_191 = vector.shape_cast %swap3A_190 : vector<1x16xf32> to vector<16xf32>
    %swap3A_192 = vector.shape_cast %broadcast_in_dim3A_1 : vector<16xf32> to vector<1x16xf32>
    tpu.vector_store %arg8[%swap3A_188, %swap3A_189], %swap3A_192 {strides = array<i32>} : memref<80x64xf32, #tpu.memory_space<vmem>>, vector<1x16xf32>,
    %scan3A = arith.constant 0 : i32
    %scan3A_193 = arith.constant 0 : i32
    %scan3A_194 = arith.constant 78 : i32
    %scan3A_195 = arith.addi %scan3A_193, %scan3A_194 : i32
    %scan3A_196 = arith.constant 1 : i32
    scf.for %scan3A_274 = %scan3A_193 to %scan3A_195 step %scan3A_196  : i32 {
      %mul3A_275 = arith.constant 625 : i32
      %mul3A_276 = arith.muli %arg1, %mul3A_275 : i32
      %mul3A_277 = arith.constant 8 : i32
      %mul3A_278 = arith.muli %scan3A_274, %mul3A_277 : i32
      %add3A_279 = arith.addi %mul3A_276, %mul3A_278 : i32
      "tpu.region"() ({
        %run_scoped3A = tpu.sem_alloc : memref<!tpu.dma_semaphore, #tpu.memory_space<semaphore_mem>>
        %dma_start3A_280 = arith.constant 0 : i32
        %dma_start3A_281 = arith.constant 0 : i32
        %dma_start3A_282 = tpu.memref_slice %arg8[%dma_start3A_280, %dma_start3A_281] : memref<80x64xf32, #tpu.memory_space<vmem>> -> memref<8x64xf32, #tpu.memory_space<vmem>>
        %dma_start3A_283 = arith.constant 0 : i32
        %dma_start3A_284 = tpu.memref_slice %arg11[%add3A_279, %dma_start3A_283] : memref<10000x64xf32, #tpu.memory_space<vmem_shared>> -> memref<8x64xf32, #tpu.memory_space<vmem_shared>>
        %dma_start3A_285 = arith.constant 0 : i32
        %dma_start3A_286 = tpu.memref_slice %arg11[%add3A_279, %dma_start3A_285] : memref<10000x64xf32, #tpu.memory_space<vmem_shared>> -> memref<8x64xf32, #tpu.memory_space<vmem_shared>>
        %dma_start3A_287 = arith.constant 0 : i32
        %dma_start3A_288 = arith.constant 0 : i32
        %dma_start3A_289 = tpu.memref_slice %arg8[%dma_start3A_287, %dma_start3A_288] : memref<80x64xf32, #tpu.memory_space<vmem>> -> memref<8x64xf32, #tpu.memory_space<vmem>>
        tpu.enqueue_dma source(%dma_start3A_289 : memref<8x64xf32, #tpu.memory_space<vmem>>) target(%dma_start3A_286 : memref<8x64xf32, #tpu.memory_space<vmem_shared>>) target_semaphore(%run_scoped3A : memref<!tpu.dma_semaphore, #tpu.memory_space<semaphore_mem>>)
        %dma_wait3A_290 = arith.constant 0 : i32
        %dma_wait3A_291 = arith.constant 0 : i32
        %dma_wait3A_292 = tpu.memref_slice %arg8[%dma_wait3A_290, %dma_wait3A_291] : memref<80x64xf32, #tpu.memory_space<vmem>> -> memref<8x64xf32, #tpu.memory_space<vmem>>
        %dma_wait3A_293 = arith.constant 0 : i32
        %dma_wait3A_294 = tpu.memref_slice %arg11[%add3A_279, %dma_wait3A_293] : memref<10000x64xf32, #tpu.memory_space<vmem_shared>> -> memref<8x64xf32, #tpu.memory_space<vmem_shared>>
        %dma_wait3A_295 = arith.constant 0 : i32
        %dma_wait3A_296 = tpu.memref_slice %arg11[%add3A_279, %dma_wait3A_295] : memref<10000x64xf32, #tpu.memory_space<vmem_shared>> -> memref<8x64xf32, #tpu.memory_space<vmem_shared>>
        %dma_wait3A_297 = arith.constant 0 : i32
        %dma_wait3A_298 = arith.constant 0 : i32
        %dma_wait3A_299 = tpu.memref_slice %arg8[%dma_wait3A_297, %dma_wait3A_298] : memref<80x64xf32, #tpu.memory_space<vmem>> -> memref<8x64xf32, #tpu.memory_space<vmem>>
        tpu.wait_dma2 semaphore(%run_scoped3A : memref<!tpu.dma_semaphore, #tpu.memory_space<semaphore_mem>>) src(%dma_wait3A_299 : memref<8x64xf32, #tpu.memory_space<vmem>>) dst(%dma_wait3A_296 : memref<8x64xf32, #tpu.memory_space<vmem_shared>>)
        tpu.yield
      }) : () -> ()
    }
    %scan3A_197 = arith.constant 78 : i32
    %mul3A_198 = arith.constant 625 : i32
    %mul3A_199 = arith.muli %arg1, %mul3A_198 : i32
    %add3A_200 = arith.constant 624 : i32
    %add3A_201 = arith.addi %mul3A_199, %add3A_200 : i32
    "tpu.region"() ({
      %run_scoped3A = tpu.sem_alloc : memref<!tpu.dma_semaphore, #tpu.memory_space<semaphore_mem>>
      %dma_start3A_274 = arith.constant 0 : i32
      %dma_start3A_275 = arith.constant 0 : i32
      %dma_start3A_276 = tpu.memref_slice %arg8[%dma_start3A_274, %dma_start3A_275] : memref<80x64xf32, #tpu.memory_space<vmem>> -> memref<1x64xf32, #tpu.memory_space<vmem>>
      %dma_start3A_277 = arith.constant 0 : i32
      %dma_start3A_278 = tpu.memref_slice %arg11[%add3A_201, %dma_start3A_277] : memref<10000x64xf32, #tpu.memory_space<vmem_shared>> -> memref<1x64xf32, #tpu.memory_space<vmem_shared>>
      %dma_start3A_279 = arith.constant 0 : i32
      %dma_start3A_280 = tpu.memref_slice %arg11[%add3A_201, %dma_start3A_279] : memref<10000x64xf32, #tpu.memory_space<vmem_shared>> -> memref<1x64xf32, #tpu.memory_space<vmem_shared>>
      %dma_start3A_281 = arith.constant 0 : i32
      %dma_start3A_282 = arith.constant 0 : i32
      %dma_start3A_283 = tpu.memref_slice %arg8[%dma_start3A_281, %dma_start3A_282] : memref<80x64xf32, #tpu.memory_space<vmem>> -> memref<1x64xf32, #tpu.memory_space<vmem>>
      tpu.enqueue_dma source(%dma_start3A_283 : memref<1x64xf32, #tpu.memory_space<vmem>>) target(%dma_start3A_280 : memref<1x64xf32, #tpu.memory_space<vmem_shared>>) target_semaphore(%run_scoped3A : memref<!tpu.dma_semaphore, #tpu.memory_space<semaphore_mem>>)
      %dma_wait3A_284 = arith.constant 0 : i32
      %dma_wait3A_285 = arith.constant 0 : i32
      %dma_wait3A_286 = tpu.memref_slice %arg8[%dma_wait3A_284, %dma_wait3A_285] : memref<80x64xf32, #tpu.memory_space<vmem>> -> memref<1x64xf32, #tpu.memory_space<vmem>>
      %dma_wait3A_287 = arith.constant 0 : i32
      %dma_wait3A_288 = tpu.memref_slice %arg11[%add3A_201, %dma_wait3A_287] : memref<10000x64xf32, #tpu.memory_space<vmem_shared>> -> memref<1x64xf32, #tpu.memory_space<vmem_shared>>
      %dma_wait3A_289 = arith.constant 0 : i32
      %dma_wait3A_290 = tpu.memref_slice %arg11[%add3A_201, %dma_wait3A_289] : memref<10000x64xf32, #tpu.memory_space<vmem_shared>> -> memref<1x64xf32, #tpu.memory_space<vmem_shared>>
      %dma_wait3A_291 = arith.constant 0 : i32
      %dma_wait3A_292 = arith.constant 0 : i32
      %dma_wait3A_293 = tpu.memref_slice %arg8[%dma_wait3A_291, %dma_wait3A_292] : memref<80x64xf32, #tpu.memory_space<vmem>> -> memref<1x64xf32, #tpu.memory_space<vmem>>
      tpu.wait_dma2 semaphore(%run_scoped3A : memref<!tpu.dma_semaphore, #tpu.memory_space<semaphore_mem>>) src(%dma_wait3A_293 : memref<1x64xf32, #tpu.memory_space<vmem>>) dst(%dma_wait3A_290 : memref<1x64xf32, #tpu.memory_space<vmem_shared>>)
      tpu.yield
    }) : () -> ()
    "tpu.region"() ({
      %run_scoped3A = tpu.sem_alloc : memref<!tpu.dma_semaphore, #tpu.memory_space<semaphore_mem>>
      %dma_start3A_274 = arith.constant 0 : i32
      %dma_start3A_275 = arith.constant 0 : i32
      %dma_start3A_276 = tpu.memref_slice %arg3[%add3A, %dma_start3A_274, %dma_start3A_275] : memref<32x125x80xi32, #tpu.memory_space<hbm>> -> memref<1x125x80xi32, #tpu.memory_space<hbm>>
      %dma_start3A_277 = tpu.memref_squeeze %dma_start3A_276 : memref<1x125x80xi32, #tpu.memory_space<hbm>> -> memref<125x80xi32, #tpu.memory_space<hbm>>
      %dma_start3A_278 = arith.constant 0 : i32
      %dma_start3A_279 = arith.constant 0 : i32
      %dma_start3A_280 = tpu.memref_slice %arg3[%add3A, %dma_start3A_278, %dma_start3A_279] : memref<32x125x80xi32, #tpu.memory_space<hbm>> -> memref<1x125x80xi32, #tpu.memory_space<hbm>>
      %dma_start3A_281 = tpu.memref_squeeze %dma_start3A_280 : memref<1x125x80xi32, #tpu.memory_space<hbm>> -> memref<125x80xi32, #tpu.memory_space<hbm>>
      tpu.enqueue_dma source(%dma_start3A_281 : memref<125x80xi32, #tpu.memory_space<hbm>>) target(%arg6 : memref<125x80xi32, #tpu.memory_space<vmem>>) target_semaphore(%run_scoped3A : memref<!tpu.dma_semaphore, #tpu.memory_space<semaphore_mem>>)
      %dma_wait3A_282 = arith.constant 0 : i32
      %dma_wait3A_283 = arith.constant 0 : i32
      %dma_wait3A_284 = tpu.memref_slice %arg3[%add3A, %dma_wait3A_282, %dma_wait3A_283] : memref<32x125x80xi32, #tpu.memory_space<hbm>> -> memref<1x125x80xi32, #tpu.memory_space<hbm>>
      %dma_wait3A_285 = tpu.memref_squeeze %dma_wait3A_284 : memref<1x125x80xi32, #tpu.memory_space<hbm>> -> memref<125x80xi32, #tpu.memory_space<hbm>>
      %dma_wait3A_286 = arith.constant 0 : i32
      %dma_wait3A_287 = arith.constant 0 : i32
      %dma_wait3A_288 = tpu.memref_slice %arg3[%add3A, %dma_wait3A_286, %dma_wait3A_287] : memref<32x125x80xi32, #tpu.memory_space<hbm>> -> memref<1x125x80xi32, #tpu.memory_space<hbm>>
      %dma_wait3A_289 = tpu.memref_squeeze %dma_wait3A_288 : memref<1x125x80xi32, #tpu.memory_space<hbm>> -> memref<125x80xi32, #tpu.memory_space<hbm>>
      tpu.wait_dma2 semaphore(%run_scoped3A : memref<!tpu.dma_semaphore, #tpu.memory_space<semaphore_mem>>) src(%dma_wait3A_289 : memref<125x80xi32, #tpu.memory_space<hbm>>) dst(%arg6 : memref<125x80xi32, #tpu.memory_space<vmem>>)
      tpu.yield
    }) : () -> ()
    "tpu.region"() ({
      %run_scoped3A = tpu.sem_alloc : memref<!tpu.dma_semaphore, #tpu.memory_space<semaphore_mem>>
      %dma_start3A_274 = arith.constant 0 : i32
      %dma_start3A_275 = arith.constant 0 : i32
      %dma_start3A_276 = tpu.memref_slice %arg4[%add3A, %dma_start3A_274, %dma_start3A_275] : memref<32x125x80xi32, #tpu.memory_space<hbm>> -> memref<1x125x80xi32, #tpu.memory_space<hbm>>
      %dma_start3A_277 = tpu.memref_squeeze %dma_start3A_276 : memref<1x125x80xi32, #tpu.memory_space<hbm>> -> memref<125x80xi32, #tpu.memory_space<hbm>>
      %dma_start3A_278 = arith.constant 0 : i32
      %dma_start3A_279 = arith.constant 0 : i32
      %dma_start3A_280 = tpu.memref_slice %arg4[%add3A, %dma_start3A_278, %dma_start3A_279] : memref<32x125x80xi32, #tpu.memory_space<hbm>> -> memref<1x125x80xi32, #tpu.memory_space<hbm>>
      %dma_start3A_281 = tpu.memref_squeeze %dma_start3A_280 : memref<1x125x80xi32, #tpu.memory_space<hbm>> -> memref<125x80xi32, #tpu.memory_space<hbm>>
      tpu.enqueue_dma source(%dma_start3A_281 : memref<125x80xi32, #tpu.memory_space<hbm>>) target(%arg7 : memref<125x80xi32, #tpu.memory_space<vmem>>) target_semaphore(%run_scoped3A : memref<!tpu.dma_semaphore, #tpu.memory_space<semaphore_mem>>)
      %dma_wait3A_282 = arith.constant 0 : i32
      %dma_wait3A_283 = arith.constant 0 : i32
      %dma_wait3A_284 = tpu.memref_slice %arg4[%add3A, %dma_wait3A_282, %dma_wait3A_283] : memref<32x125x80xi32, #tpu.memory_space<hbm>> -> memref<1x125x80xi32, #tpu.memory_space<hbm>>
      %dma_wait3A_285 = tpu.memref_squeeze %dma_wait3A_284 : memref<1x125x80xi32, #tpu.memory_space<hbm>> -> memref<125x80xi32, #tpu.memory_space<hbm>>
      %dma_wait3A_286 = arith.constant 0 : i32
      %dma_wait3A_287 = arith.constant 0 : i32
      %dma_wait3A_288 = tpu.memref_slice %arg4[%add3A, %dma_wait3A_286, %dma_wait3A_287] : memref<32x125x80xi32, #tpu.memory_space<hbm>> -> memref<1x125x80xi32, #tpu.memory_space<hbm>>
      %dma_wait3A_289 = tpu.memref_squeeze %dma_wait3A_288 : memref<1x125x80xi32, #tpu.memory_space<hbm>> -> memref<125x80xi32, #tpu.memory_space<hbm>>
      tpu.wait_dma2 semaphore(%run_scoped3A : memref<!tpu.dma_semaphore, #tpu.memory_space<semaphore_mem>>) src(%dma_wait3A_289 : memref<125x80xi32, #tpu.memory_space<hbm>>) dst(%arg7 : memref<125x80xi32, #tpu.memory_space<vmem>>)
      tpu.yield
    }) : () -> ()
    %barrier3A = arith.constant 0 : index
    tpu.barrier barrier_id(%barrier3A)
    %dma_start3A = arith.constant 0 : i32
    %dma_start3A_202 = arith.constant 0 : i32
    %dma_start3A_203 = tpu.memref_slice %arg6[%dma_start3A, %dma_start3A_202] : memref<125x80xi32, #tpu.memory_space<vmem>> -> memref<1x80xi32, #tpu.memory_space<vmem>>
    %dma_start3A_204 = tpu.memref_squeeze %dma_start3A_203 : memref<1x80xi32, #tpu.memory_space<vmem>> -> memref<80xi32, #tpu.memory_space<vmem>>
    %dma_start3A_205 = arith.constant 0 : i32
    %dma_start3A_206 = arith.constant 0 : i32
    %dma_start3A_207 = tpu.memref_slice %arg2[%dma_start3A_205, %dma_start3A_206] : memref<10000x64xf32, #tpu.memory_space<hbm>> -> memref<10000x64xf32, #tpu.memory_space<hbm>>
    tpu.enqueue_indirect_dma source(%dma_start3A_207 : memref<10000x64xf32, #tpu.memory_space<hbm>>) target(%arg8 : memref<80x64xf32, #tpu.memory_space<vmem>>) offsets(%dma_start3A_204 : memref<80xi32, #tpu.memory_space<vmem>>) semaphore(%arg12 : memref<!tpu.dma_semaphore, #tpu.memory_space<semaphore_mem>>)
    %dma_start3A_208 = arith.constant 1 : i32
    %dma_start3A_209 = arith.constant 0 : i32
    %dma_start3A_210 = tpu.memref_slice %arg6[%dma_start3A_208, %dma_start3A_209] : memref<125x80xi32, #tpu.memory_space<vmem>> -> memref<1x80xi32, #tpu.memory_space<vmem>>
    %dma_start3A_211 = tpu.memref_squeeze %dma_start3A_210 : memref<1x80xi32, #tpu.memory_space<vmem>> -> memref<80xi32, #tpu.memory_space<vmem>>
    %dma_start3A_212 = arith.constant 0 : i32
    %dma_start3A_213 = arith.constant 0 : i32
    %dma_start3A_214 = tpu.memref_slice %arg2[%dma_start3A_212, %dma_start3A_213] : memref<10000x64xf32, #tpu.memory_space<hbm>> -> memref<10000x64xf32, #tpu.memory_space<hbm>>
    tpu.enqueue_indirect_dma source(%dma_start3A_214 : memref<10000x64xf32, #tpu.memory_space<hbm>>) target(%arg9 : memref<80x64xf32, #tpu.memory_space<vmem>>) offsets(%dma_start3A_211 : memref<80xi32, #tpu.memory_space<vmem>>) semaphore(%arg13 : memref<!tpu.dma_semaphore, #tpu.memory_space<semaphore_mem>>)
    %scan3A_215 = arith.constant 0 : i32
    %scan3A_216 = arith.constant 0 : i32
    %scan3A_217 = arith.constant 41 : i32
    %scan3A_218 = arith.addi %scan3A_216, %scan3A_217 : i32
    %scan3A_219 = arith.constant 1 : i32
    scf.for %scan3A_274 = %scan3A_216 to %scan3A_218 step %scan3A_219  : i32 {
      %mul3A_275 = arith.constant 3 : i32
      %mul3A_276 = arith.muli %mul3A_275, %scan3A_274 : i32
      %dma_wait3A_277 = arith.constant 0 : i32
      %dma_wait3A_278 = tpu.memref_slice %arg6[%mul3A_276, %dma_wait3A_277] : memref<125x80xi32, #tpu.memory_space<vmem>> -> memref<1x80xi32, #tpu.memory_space<vmem>>
      %dma_wait3A_279 = tpu.memref_squeeze %dma_wait3A_278 : memref<1x80xi32, #tpu.memory_space<vmem>> -> memref<80xi32, #tpu.memory_space<vmem>>
      %dma_wait3A_280 = arith.constant 0 : i32
      %dma_wait3A_281 = arith.constant 0 : i32
      %dma_wait3A_282 = tpu.memref_slice %arg2[%dma_wait3A_280, %dma_wait3A_281] : memref<10000x64xf32, #tpu.memory_space<hbm>> -> memref<10000x64xf32, #tpu.memory_space<hbm>>
      tpu.wait_indirect_dma semaphore(%arg12 : memref<!tpu.dma_semaphore, #tpu.memory_space<semaphore_mem>>) src(%dma_wait3A_282 : memref<10000x64xf32, #tpu.memory_space<hbm>>) dst(%arg8 : memref<80x64xf32, #tpu.memory_space<vmem>>)
      %dma_start3A_283 = arith.constant 0 : i32
      %dma_start3A_284 = tpu.memref_slice %arg7[%mul3A_276, %dma_start3A_283] : memref<125x80xi32, #tpu.memory_space<vmem>> -> memref<1x80xi32, #tpu.memory_space<vmem>>
      %dma_start3A_285 = tpu.memref_squeeze %dma_start3A_284 : memref<1x80xi32, #tpu.memory_space<vmem>> -> memref<80xi32, #tpu.memory_space<vmem>>
      %dma_start3A_286 = arith.constant 0 : i32
      %dma_start3A_287 = arith.constant 0 : i32
      %dma_start3A_288 = tpu.memref_slice %arg11[%dma_start3A_286, %dma_start3A_287] : memref<10000x64xf32, #tpu.memory_space<vmem_shared>> -> memref<10000x64xf32, #tpu.memory_space<vmem_shared>>
      tpu.enqueue_indirect_dma source(%arg8 : memref<80x64xf32, #tpu.memory_space<vmem>>) target(%dma_start3A_288 : memref<10000x64xf32, #tpu.memory_space<vmem_shared>>) offsets(%dma_start3A_285 : memref<80xi32, #tpu.memory_space<vmem>>) semaphore(%arg15 : memref<!tpu.dma_semaphore, #tpu.memory_space<semaphore_mem>>) {add = true}
      %gt3A = arith.constant 0 : i32
      %gt3A_289 = arith.cmpi sgt, %scan3A_274, %gt3A : i32
      %convert_element_type3A = arith.extui %gt3A_289 : i1 to i32
      %cond3A = arith.constant 0 : i32
      %cond3A_290 = arith.cmpi ne, %convert_element_type3A, %cond3A : i32
      scf.if %cond3A_290 {
        %dma_wait3A_361 = arith.constant 0 : i32
        %dma_wait3A_362 = arith.constant 0 : i32
        %dma_wait3A_363 = tpu.memref_slice %arg7[%dma_wait3A_361, %dma_wait3A_362] : memref<125x80xi32, #tpu.memory_space<vmem>> -> memref<1x80xi32, #tpu.memory_space<vmem>>
        %dma_wait3A_364 = tpu.memref_squeeze %dma_wait3A_363 : memref<1x80xi32, #tpu.memory_space<vmem>> -> memref<80xi32, #tpu.memory_space<vmem>>
        %dma_wait3A_365 = arith.constant 0 : i32
        %dma_wait3A_366 = arith.constant 0 : i32
        %dma_wait3A_367 = tpu.memref_slice %arg11[%dma_wait3A_365, %dma_wait3A_366] : memref<10000x64xf32, #tpu.memory_space<vmem_shared>> -> memref<10000x64xf32, #tpu.memory_space<vmem_shared>>
        tpu.wait_indirect_dma semaphore(%arg17 : memref<!tpu.dma_semaphore, #tpu.memory_space<semaphore_mem>>) src(%arg10 : memref<80x64xf32, #tpu.memory_space<vmem>>) dst(%dma_wait3A_367 : memref<10000x64xf32, #tpu.memory_space<vmem_shared>>)
      } else {
      }
      %add3A_291 = arith.constant 2 : i32
      %add3A_292 = arith.addi %mul3A_276, %add3A_291 : i32
      %dma_start3A_293 = arith.constant 0 : i32
      %dma_start3A_294 = tpu.memref_slice %arg6[%add3A_292, %dma_start3A_293] : memref<125x80xi32, #tpu.memory_space<vmem>> -> memref<1x80xi32, #tpu.memory_space<vmem>>
      %dma_start3A_295 = tpu.memref_squeeze %dma_start3A_294 : memref<1x80xi32, #tpu.memory_space<vmem>> -> memref<80xi32, #tpu.memory_space<vmem>>
      %dma_start3A_296 = arith.constant 0 : i32
      %dma_start3A_297 = arith.constant 0 : i32
      %dma_start3A_298 = tpu.memref_slice %arg2[%dma_start3A_296, %dma_start3A_297] : memref<10000x64xf32, #tpu.memory_space<hbm>> -> memref<10000x64xf32, #tpu.memory_space<hbm>>
      tpu.enqueue_indirect_dma source(%dma_start3A_298 : memref<10000x64xf32, #tpu.memory_space<hbm>>) target(%arg10 : memref<80x64xf32, #tpu.memory_space<vmem>>) offsets(%dma_start3A_295 : memref<80xi32, #tpu.memory_space<vmem>>) semaphore(%arg14 : memref<!tpu.dma_semaphore, #tpu.memory_space<semaphore_mem>>)
      %add3A_299 = arith.constant 1 : i32
      %add3A_300 = arith.addi %mul3A_276, %add3A_299 : i32
      %dma_wait3A_301 = arith.constant 0 : i32
      %dma_wait3A_302 = tpu.memref_slice %arg6[%add3A_300, %dma_wait3A_301] : memref<125x80xi32, #tpu.memory_space<vmem>> -> memref<1x80xi32, #tpu.memory_space<vmem>>
      %dma_wait3A_303 = tpu.memref_squeeze %dma_wait3A_302 : memref<1x80xi32, #tpu.memory_space<vmem>> -> memref<80xi32, #tpu.memory_space<vmem>>
      %dma_wait3A_304 = arith.constant 0 : i32
      %dma_wait3A_305 = arith.constant 0 : i32
      %dma_wait3A_306 = tpu.memref_slice %arg2[%dma_wait3A_304, %dma_wait3A_305] : memref<10000x64xf32, #tpu.memory_space<hbm>> -> memref<10000x64xf32, #tpu.memory_space<hbm>>
      tpu.wait_indirect_dma semaphore(%arg13 : memref<!tpu.dma_semaphore, #tpu.memory_space<semaphore_mem>>) src(%dma_wait3A_306 : memref<10000x64xf32, #tpu.memory_space<hbm>>) dst(%arg9 : memref<80x64xf32, #tpu.memory_space<vmem>>)
      %add3A_307 = arith.constant 1 : i32
      %add3A_308 = arith.addi %mul3A_276, %add3A_307 : i32
      %dma_start3A_309 = arith.constant 0 : i32
      %dma_start3A_310 = tpu.memref_slice %arg7[%add3A_308, %dma_start3A_309] : memref<125x80xi32, #tpu.memory_space<vmem>> -> memref<1x80xi32, #tpu.memory_space<vmem>>
      %dma_start3A_311 = tpu.memref_squeeze %dma_start3A_310 : memref<1x80xi32, #tpu.memory_space<vmem>> -> memref<80xi32, #tpu.memory_space<vmem>>
      %dma_start3A_312 = arith.constant 0 : i32
      %dma_start3A_313 = arith.constant 0 : i32
      %dma_start3A_314 = tpu.memref_slice %arg11[%dma_start3A_312, %dma_start3A_313] : memref<10000x64xf32, #tpu.memory_space<vmem_shared>> -> memref<10000x64xf32, #tpu.memory_space<vmem_shared>>
      tpu.enqueue_indirect_dma source(%arg9 : memref<80x64xf32, #tpu.memory_space<vmem>>) target(%dma_start3A_314 : memref<10000x64xf32, #tpu.memory_space<vmem_shared>>) offsets(%dma_start3A_311 : memref<80xi32, #tpu.memory_space<vmem>>) semaphore(%arg16 : memref<!tpu.dma_semaphore, #tpu.memory_space<semaphore_mem>>) {add = true}
      %dma_wait3A_315 = arith.constant 0 : i32
      %dma_wait3A_316 = arith.constant 0 : i32
      %dma_wait3A_317 = tpu.memref_slice %arg7[%dma_wait3A_315, %dma_wait3A_316] : memref<125x80xi32, #tpu.memory_space<vmem>> -> memref<1x80xi32, #tpu.memory_space<vmem>>
      %dma_wait3A_318 = tpu.memref_squeeze %dma_wait3A_317 : memref<1x80xi32, #tpu.memory_space<vmem>> -> memref<80xi32, #tpu.memory_space<vmem>>
      %dma_wait3A_319 = arith.constant 0 : i32
      %dma_wait3A_320 = arith.constant 0 : i32
      %dma_wait3A_321 = tpu.memref_slice %arg11[%dma_wait3A_319, %dma_wait3A_320] : memref<10000x64xf32, #tpu.memory_space<vmem_shared>> -> memref<10000x64xf32, #tpu.memory_space<vmem_shared>>
      tpu.wait_indirect_dma semaphore(%arg15 : memref<!tpu.dma_semaphore, #tpu.memory_space<semaphore_mem>>) src(%arg8 : memref<80x64xf32, #tpu.memory_space<vmem>>) dst(%dma_wait3A_321 : memref<10000x64xf32, #tpu.memory_space<vmem_shared>>)
      %add3A_322 = arith.constant 3 : i32
      %add3A_323 = arith.addi %mul3A_276, %add3A_322 : i32
      %dma_start3A_324 = arith.constant 0 : i32
      %dma_start3A_325 = tpu.memref_slice %arg6[%add3A_323, %dma_start3A_324] : memref<125x80xi32, #tpu.memory_space<vmem>> -> memref<1x80xi32, #tpu.memory_space<vmem>>
      %dma_start3A_326 = tpu.memref_squeeze %dma_start3A_325 : memref<1x80xi32, #tpu.memory_space<vmem>> -> memref<80xi32, #tpu.memory_space<vmem>>
      %dma_start3A_327 = arith.constant 0 : i32
      %dma_start3A_328 = arith.constant 0 : i32
      %dma_start3A_329 = tpu.memref_slice %arg2[%dma_start3A_327, %dma_start3A_328] : memref<10000x64xf32, #tpu.memory_space<hbm>> -> memref<10000x64xf32, #tpu.memory_space<hbm>>
      tpu.enqueue_indirect_dma source(%dma_start3A_329 : memref<10000x64xf32, #tpu.memory_space<hbm>>) target(%arg8 : memref<80x64xf32, #tpu.memory_space<vmem>>) offsets(%dma_start3A_326 : memref<80xi32, #tpu.memory_space<vmem>>) semaphore(%arg12 : memref<!tpu.dma_semaphore, #tpu.memory_space<semaphore_mem>>)
      %add3A_330 = arith.constant 2 : i32
      %add3A_331 = arith.addi %mul3A_276, %add3A_330 : i32
      %dma_wait3A_332 = arith.constant 0 : i32
      %dma_wait3A_333 = tpu.memref_slice %arg6[%add3A_331, %dma_wait3A_332] : memref<125x80xi32, #tpu.memory_space<vmem>> -> memref<1x80xi32, #tpu.memory_space<vmem>>
      %dma_wait3A_334 = tpu.memref_squeeze %dma_wait3A_333 : memref<1x80xi32, #tpu.memory_space<vmem>> -> memref<80xi32, #tpu.memory_space<vmem>>
      %dma_wait3A_335 = arith.constant 0 : i32
      %dma_wait3A_336 = arith.constant 0 : i32
      %dma_wait3A_337 = tpu.memref_slice %arg2[%dma_wait3A_335, %dma_wait3A_336] : memref<10000x64xf32, #tpu.memory_space<hbm>> -> memref<10000x64xf32, #tpu.memory_space<hbm>>
      tpu.wait_indirect_dma semaphore(%arg14 : memref<!tpu.dma_semaphore, #tpu.memory_space<semaphore_mem>>) src(%dma_wait3A_337 : memref<10000x64xf32, #tpu.memory_space<hbm>>) dst(%arg10 : memref<80x64xf32, #tpu.memory_space<vmem>>)
      %add3A_338 = arith.constant 2 : i32
      %add3A_339 = arith.addi %mul3A_276, %add3A_338 : i32
      %dma_start3A_340 = arith.constant 0 : i32
      %dma_start3A_341 = tpu.memref_slice %arg7[%add3A_339, %dma_start3A_340] : memref<125x80xi32, #tpu.memory_space<vmem>> -> memref<1x80xi32, #tpu.memory_space<vmem>>
      %dma_start3A_342 = tpu.memref_squeeze %dma_start3A_341 : memref<1x80xi32, #tpu.memory_space<vmem>> -> memref<80xi32, #tpu.memory_space<vmem>>
      %dma_start3A_343 = arith.constant 0 : i32
      %dma_start3A_344 = arith.constant 0 : i32
      %dma_start3A_345 = tpu.memref_slice %arg11[%dma_start3A_343, %dma_start3A_344] : memref<10000x64xf32, #tpu.memory_space<vmem_shared>> -> memref<10000x64xf32, #tpu.memory_space<vmem_shared>>
      tpu.enqueue_indirect_dma source(%arg10 : memref<80x64xf32, #tpu.memory_space<vmem>>) target(%dma_start3A_345 : memref<10000x64xf32, #tpu.memory_space<vmem_shared>>) offsets(%dma_start3A_342 : memref<80xi32, #tpu.memory_space<vmem>>) semaphore(%arg17 : memref<!tpu.dma_semaphore, #tpu.memory_space<semaphore_mem>>) {add = true}
      %dma_wait3A_346 = arith.constant 0 : i32
      %dma_wait3A_347 = arith.constant 0 : i32
      %dma_wait3A_348 = tpu.memref_slice %arg7[%dma_wait3A_346, %dma_wait3A_347] : memref<125x80xi32, #tpu.memory_space<vmem>> -> memref<1x80xi32, #tpu.memory_space<vmem>>
      %dma_wait3A_349 = tpu.memref_squeeze %dma_wait3A_348 : memref<1x80xi32, #tpu.memory_space<vmem>> -> memref<80xi32, #tpu.memory_space<vmem>>
      %dma_wait3A_350 = arith.constant 0 : i32
      %dma_wait3A_351 = arith.constant 0 : i32
      %dma_wait3A_352 = tpu.memref_slice %arg11[%dma_wait3A_350, %dma_wait3A_351] : memref<10000x64xf32, #tpu.memory_space<vmem_shared>> -> memref<10000x64xf32, #tpu.memory_space<vmem_shared>>
      tpu.wait_indirect_dma semaphore(%arg16 : memref<!tpu.dma_semaphore, #tpu.memory_space<semaphore_mem>>) src(%arg9 : memref<80x64xf32, #tpu.memory_space<vmem>>) dst(%dma_wait3A_352 : memref<10000x64xf32, #tpu.memory_space<vmem_shared>>)
      %add3A_353 = arith.constant 4 : i32
      %add3A_354 = arith.addi %mul3A_276, %add3A_353 : i32
      %dma_start3A_355 = arith.constant 0 : i32
      %dma_start3A_356 = tpu.memref_slice %arg6[%add3A_354, %dma_start3A_355] : memref<125x80xi32, #tpu.memory_space<vmem>> -> memref<1x80xi32, #tpu.memory_space<vmem>>
      %dma_start3A_357 = tpu.memref_squeeze %dma_start3A_356 : memref<1x80xi32, #tpu.memory_space<vmem>> -> memref<80xi32, #tpu.memory_space<vmem>>
      %dma_start3A_358 = arith.constant 0 : i32
      %dma_start3A_359 = arith.constant 0 : i32
      %dma_start3A_360 = tpu.memref_slice %arg2[%dma_start3A_358, %dma_start3A_359] : memref<10000x64xf32, #tpu.memory_space<hbm>> -> memref<10000x64xf32, #tpu.memory_space<hbm>>
      tpu.enqueue_indirect_dma source(%dma_start3A_360 : memref<10000x64xf32, #tpu.memory_space<hbm>>) target(%arg9 : memref<80x64xf32, #tpu.memory_space<vmem>>) offsets(%dma_start3A_357 : memref<80xi32, #tpu.memory_space<vmem>>) semaphore(%arg13 : memref<!tpu.dma_semaphore, #tpu.memory_space<semaphore_mem>>)
    }
    %scan3A_220 = arith.constant 41 : i32
    %dma_wait3A = arith.constant 123 : i32
    %dma_wait3A_221 = arith.constant 0 : i32
    %dma_wait3A_222 = tpu.memref_slice %arg6[%dma_wait3A, %dma_wait3A_221] : memref<125x80xi32, #tpu.memory_space<vmem>> -> memref<1x80xi32, #tpu.memory_space<vmem>>
    %dma_wait3A_223 = tpu.memref_squeeze %dma_wait3A_222 : memref<1x80xi32, #tpu.memory_space<vmem>> -> memref<80xi32, #tpu.memory_space<vmem>>
    %dma_wait3A_224 = arith.constant 0 : i32
    %dma_wait3A_225 = arith.constant 0 : i32
    %dma_wait3A_226 = tpu.memref_slice %arg2[%dma_wait3A_224, %dma_wait3A_225] : memref<10000x64xf32, #tpu.memory_space<hbm>> -> memref<10000x64xf32, #tpu.memory_space<hbm>>
    tpu.wait_indirect_dma semaphore(%arg12 : memref<!tpu.dma_semaphore, #tpu.memory_space<semaphore_mem>>) src(%dma_wait3A_226 : memref<10000x64xf32, #tpu.memory_space<hbm>>) dst(%arg8 : memref<80x64xf32, #tpu.memory_space<vmem>>)
    %dma_start3A_227 = arith.constant 123 : i32
    %dma_start3A_228 = arith.constant 0 : i32
    %dma_start3A_229 = tpu.memref_slice %arg7[%dma_start3A_227, %dma_start3A_228] : memref<125x80xi32, #tpu.memory_space<vmem>> -> memref<1x80xi32, #tpu.memory_space<vmem>>
    %dma_start3A_230 = tpu.memref_squeeze %dma_start3A_229 : memref<1x80xi32, #tpu.memory_space<vmem>> -> memref<80xi32, #tpu.memory_space<vmem>>
    %dma_start3A_231 = arith.constant 0 : i32
    %dma_start3A_232 = arith.constant 0 : i32
    %dma_start3A_233 = tpu.memref_slice %arg11[%dma_start3A_231, %dma_start3A_232] : memref<10000x64xf32, #tpu.memory_space<vmem_shared>> -> memref<10000x64xf32, #tpu.memory_space<vmem_shared>>
    tpu.enqueue_indirect_dma source(%arg8 : memref<80x64xf32, #tpu.memory_space<vmem>>) target(%dma_start3A_233 : memref<10000x64xf32, #tpu.memory_space<vmem_shared>>) offsets(%dma_start3A_230 : memref<80xi32, #tpu.memory_space<vmem>>) semaphore(%arg15 : memref<!tpu.dma_semaphore, #tpu.memory_space<semaphore_mem>>) {add = true}
    %dma_wait3A_234 = arith.constant 124 : i32
    %dma_wait3A_235 = arith.constant 0 : i32
    %dma_wait3A_236 = tpu.memref_slice %arg6[%dma_wait3A_234, %dma_wait3A_235] : memref<125x80xi32, #tpu.memory_space<vmem>> -> memref<1x80xi32, #tpu.memory_space<vmem>>
    %dma_wait3A_237 = tpu.memref_squeeze %dma_wait3A_236 : memref<1x80xi32, #tpu.memory_space<vmem>> -> memref<80xi32, #tpu.memory_space<vmem>>
    %dma_wait3A_238 = arith.constant 0 : i32
    %dma_wait3A_239 = arith.constant 0 : i32
    %dma_wait3A_240 = tpu.memref_slice %arg2[%dma_wait3A_238, %dma_wait3A_239] : memref<10000x64xf32, #tpu.memory_space<hbm>> -> memref<10000x64xf32, #tpu.memory_space<hbm>>
    tpu.wait_indirect_dma semaphore(%arg13 : memref<!tpu.dma_semaphore, #tpu.memory_space<semaphore_mem>>) src(%dma_wait3A_240 : memref<10000x64xf32, #tpu.memory_space<hbm>>) dst(%arg9 : memref<80x64xf32, #tpu.memory_space<vmem>>)
    %dma_start3A_241 = arith.constant 124 : i32
    %dma_start3A_242 = arith.constant 0 : i32
    %dma_start3A_243 = tpu.memref_slice %arg7[%dma_start3A_241, %dma_start3A_242] : memref<125x80xi32, #tpu.memory_space<vmem>> -> memref<1x80xi32, #tpu.memory_space<vmem>>
    %dma_start3A_244 = tpu.memref_squeeze %dma_start3A_243 : memref<1x80xi32, #tpu.memory_space<vmem>> -> memref<80xi32, #tpu.memory_space<vmem>>
    %dma_start3A_245 = arith.constant 0 : i32
    %dma_start3A_246 = arith.constant 0 : i32
    %dma_start3A_247 = tpu.memref_slice %arg11[%dma_start3A_245, %dma_start3A_246] : memref<10000x64xf32, #tpu.memory_space<vmem_shared>> -> memref<10000x64xf32, #tpu.memory_space<vmem_shared>>
    tpu.enqueue_indirect_dma source(%arg9 : memref<80x64xf32, #tpu.memory_space<vmem>>) target(%dma_start3A_247 : memref<10000x64xf32, #tpu.memory_space<vmem_shared>>) offsets(%dma_start3A_244 : memref<80xi32, #tpu.memory_space<vmem>>) semaphore(%arg16 : memref<!tpu.dma_semaphore, #tpu.memory_space<semaphore_mem>>) {add = true}
    %dma_wait3A_248 = arith.constant 0 : i32
    %dma_wait3A_249 = arith.constant 0 : i32
    %dma_wait3A_250 = tpu.memref_slice %arg7[%dma_wait3A_248, %dma_wait3A_249] : memref<125x80xi32, #tpu.memory_space<vmem>> -> memref<1x80xi32, #tpu.memory_space<vmem>>
    %dma_wait3A_251 = tpu.memref_squeeze %dma_wait3A_250 : memref<1x80xi32, #tpu.memory_space<vmem>> -> memref<80xi32, #tpu.memory_space<vmem>>
    %dma_wait3A_252 = arith.constant 0 : i32
    %dma_wait3A_253 = arith.constant 0 : i32
    %dma_wait3A_254 = tpu.memref_slice %arg11[%dma_wait3A_252, %dma_wait3A_253] : memref<10000x64xf32, #tpu.memory_space<vmem_shared>> -> memref<10000x64xf32, #tpu.memory_space<vmem_shared>>
    tpu.wait_indirect_dma semaphore(%arg17 : memref<!tpu.dma_semaphore, #tpu.memory_space<semaphore_mem>>) src(%arg10 : memref<80x64xf32, #tpu.memory_space<vmem>>) dst(%dma_wait3A_254 : memref<10000x64xf32, #tpu.memory_space<vmem_shared>>)
    %dma_wait3A_255 = arith.constant 0 : i32
    %dma_wait3A_256 = arith.constant 0 : i32
    %dma_wait3A_257 = tpu.memref_slice %arg7[%dma_wait3A_255, %dma_wait3A_256] : memref<125x80xi32, #tpu.memory_space<vmem>> -> memref<1x80xi32, #tpu.memory_space<vmem>>
    %dma_wait3A_258 = tpu.memref_squeeze %dma_wait3A_257 : memref<1x80xi32, #tpu.memory_space<vmem>> -> memref<80xi32, #tpu.memory_space<vmem>>
    %dma_wait3A_259 = arith.constant 0 : i32
    %dma_wait3A_260 = arith.constant 0 : i32
    %dma_wait3A_261 = tpu.memref_slice %arg11[%dma_wait3A_259, %dma_wait3A_260] : memref<10000x64xf32, #tpu.memory_space<vmem_shared>> -> memref<10000x64xf32, #tpu.memory_space<vmem_shared>>
    tpu.wait_indirect_dma semaphore(%arg15 : memref<!tpu.dma_semaphore, #tpu.memory_space<semaphore_mem>>) src(%arg8 : memref<80x64xf32, #tpu.memory_space<vmem>>) dst(%dma_wait3A_261 : memref<10000x64xf32, #tpu.memory_space<vmem_shared>>)
    %dma_wait3A_262 = arith.constant 0 : i32
    %dma_wait3A_263 = arith.constant 0 : i32
    %dma_wait3A_264 = tpu.memref_slice %arg7[%dma_wait3A_262, %dma_wait3A_263] : memref<125x80xi32, #tpu.memory_space<vmem>> -> memref<1x80xi32, #tpu.memory_space<vmem>>
    %dma_wait3A_265 = tpu.memref_squeeze %dma_wait3A_264 : memref<1x80xi32, #tpu.memory_space<vmem>> -> memref<80xi32, #tpu.memory_space<vmem>>
    %dma_wait3A_266 = arith.constant 0 : i32
    %dma_wait3A_267 = arith.constant 0 : i32
    %dma_wait3A_268 = tpu.memref_slice %arg11[%dma_wait3A_266, %dma_wait3A_267] : memref<10000x64xf32, #tpu.memory_space<vmem_shared>> -> memref<10000x64xf32, #tpu.memory_space<vmem_shared>>
    tpu.wait_indirect_dma semaphore(%arg16 : memref<!tpu.dma_semaphore, #tpu.memory_space<semaphore_mem>>) src(%arg9 : memref<80x64xf32, #tpu.memory_space<vmem>>) dst(%dma_wait3A_268 : memref<10000x64xf32, #tpu.memory_space<vmem_shared>>)
    %barrier3A_269 = arith.constant 0 : index
    tpu.barrier barrier_id(%barrier3A_269)
    %mul3A_270 = arith.constant 625 : i32
    %mul3A_271 = arith.muli %arg1, %mul3A_270 : i32
    %mul3A_272 = arith.constant 625 : i32
    %mul3A_273 = arith.muli %arg1, %mul3A_272 : i32
    "tpu.region"() ({
      %run_scoped3A = tpu.sem_alloc : memref<!tpu.dma_semaphore, #tpu.memory_space<semaphore_mem>>
      %dma_start3A_274 = arith.constant 0 : i32
      %dma_start3A_275 = tpu.memref_slice %arg5[%arg0, %mul3A_273, %dma_start3A_274] : memref<2x10000x64xf32, #tpu.memory_space<hbm>> -> memref<1x625x64xf32, #tpu.memory_space<hbm>>
      %dma_start3A_276 = tpu.memref_squeeze %dma_start3A_275 : memref<1x625x64xf32, #tpu.memory_space<hbm>> -> memref<625x64xf32, #tpu.memory_space<hbm>>
      %dma_start3A_277 = arith.constant 0 : i32
      %dma_start3A_278 = tpu.memref_slice %arg11[%mul3A_271, %dma_start3A_277] : memref<10000x64xf32, #tpu.memory_space<vmem_shared>> -> memref<625x64xf32, #tpu.memory_space<vmem_shared>>
      tpu.enqueue_dma source(%dma_start3A_278 : memref<625x64xf32, #tpu.memory_space<vmem_shared>>) target(%dma_start3A_276 : memref<625x64xf32, #tpu.memory_space<hbm>>) target_semaphore(%run_scoped3A : memref<!tpu.dma_semaphore, #tpu.memory_space<semaphore_mem>>)
      %dma_wait3A_279 = arith.constant 0 : i32
      %dma_wait3A_280 = tpu.memref_slice %arg5[%arg0, %mul3A_273, %dma_wait3A_279] : memref<2x10000x64xf32, #tpu.memory_space<hbm>> -> memref<1x625x64xf32, #tpu.memory_space<hbm>>
      %dma_wait3A_281 = tpu.memref_squeeze %dma_wait3A_280 : memref<1x625x64xf32, #tpu.memory_space<hbm>> -> memref<625x64xf32, #tpu.memory_space<hbm>>
      %dma_wait3A_282 = arith.constant 0 : i32
      %dma_wait3A_283 = tpu.memref_slice %arg11[%mul3A_271, %dma_wait3A_282] : memref<10000x64xf32, #tpu.memory_space<vmem_shared>> -> memref<625x64xf32, #tpu.memory_space<vmem_shared>>
      tpu.wait_dma2 semaphore(%run_scoped3A : memref<!tpu.dma_semaphore, #tpu.memory_space<semaphore_mem>>) src(%dma_wait3A_283 : memref<625x64xf32, #tpu.memory_space<vmem_shared>>) dst(%dma_wait3A_281 : memref<625x64xf32, #tpu.memory_space<hbm>>)
      tpu.yield
    }) : () -> ()
    return
  }
}

#map = affine_map<(d0, d1) -> (0, 0, 0)>
#map1 = affine_map<(d0, d1) -> (0, 0)>
module attributes {stable_mosaic.version = 14 : i64} {
  func.func @deg_kernel(%arg0: i32, %arg1: i32, %arg2: memref<32x125x80xi32, #tpu.memory_space<hbm>>, %arg3: memref<80x16xf32, #tpu.memory_space<hbm>>, %arg4: memref<2x10000x16xf32, #tpu.memory_space<hbm>>, %arg5: memref<125x80xi32, #tpu.memory_space<vmem>>, %arg6: memref<80x16xf32, #tpu.memory_space<vmem>>, %arg7: memref<10000x16xf32, #tpu.memory_space<vmem_shared>>, %arg8: memref<!tpu.dma_semaphore, #tpu.memory_space<semaphore_mem>>) attributes {dimension_semantics = [#tpu.dimension_semantics<core_parallel>, #tpu.dimension_semantics<subcore_parallel>], iteration_bounds = array<i64: 2, 16>, scalar_prefetch = 0 : i64, scratch_operands = 4 : i64, tpu.core_type = #tpu.core_type<sc_vector_subcore>, window_params = [{transform_indices = #map}, {transform_indices = #map1}, {transform_indices = #map}]} {
    %mul3A = arith.constant 2 : i32
    %mul3A_0 = arith.muli %arg1, %mul3A : i32
    %add3A = arith.addi %mul3A_0, %arg0 : i32
    "tpu.region"() ({
      %run_scoped3A = tpu.sem_alloc : memref<!tpu.dma_semaphore, #tpu.memory_space<semaphore_mem>>
      %dma_start3A = arith.constant 0 : i32
      %dma_start3A_75 = arith.constant 0 : i32
      %dma_start3A_76 = tpu.memref_slice %arg2[%add3A, %dma_start3A, %dma_start3A_75] : memref<32x125x80xi32, #tpu.memory_space<hbm>> -> memref<1x125x80xi32, #tpu.memory_space<hbm>>
      %dma_start3A_77 = tpu.memref_squeeze %dma_start3A_76 : memref<1x125x80xi32, #tpu.memory_space<hbm>> -> memref<125x80xi32, #tpu.memory_space<hbm>>
      %dma_start3A_78 = arith.constant 0 : i32
      %dma_start3A_79 = arith.constant 0 : i32
      %dma_start3A_80 = tpu.memref_slice %arg2[%add3A, %dma_start3A_78, %dma_start3A_79] : memref<32x125x80xi32, #tpu.memory_space<hbm>> -> memref<1x125x80xi32, #tpu.memory_space<hbm>>
      %dma_start3A_81 = tpu.memref_squeeze %dma_start3A_80 : memref<1x125x80xi32, #tpu.memory_space<hbm>> -> memref<125x80xi32, #tpu.memory_space<hbm>>
      tpu.enqueue_dma source(%dma_start3A_81 : memref<125x80xi32, #tpu.memory_space<hbm>>) target(%arg5 : memref<125x80xi32, #tpu.memory_space<vmem>>) target_semaphore(%run_scoped3A : memref<!tpu.dma_semaphore, #tpu.memory_space<semaphore_mem>>)
      %dma_wait3A_82 = arith.constant 0 : i32
      %dma_wait3A_83 = arith.constant 0 : i32
      %dma_wait3A_84 = tpu.memref_slice %arg2[%add3A, %dma_wait3A_82, %dma_wait3A_83] : memref<32x125x80xi32, #tpu.memory_space<hbm>> -> memref<1x125x80xi32, #tpu.memory_space<hbm>>
      %dma_wait3A_85 = tpu.memref_squeeze %dma_wait3A_84 : memref<1x125x80xi32, #tpu.memory_space<hbm>> -> memref<125x80xi32, #tpu.memory_space<hbm>>
      %dma_wait3A_86 = arith.constant 0 : i32
      %dma_wait3A_87 = arith.constant 0 : i32
      %dma_wait3A_88 = tpu.memref_slice %arg2[%add3A, %dma_wait3A_86, %dma_wait3A_87] : memref<32x125x80xi32, #tpu.memory_space<hbm>> -> memref<1x125x80xi32, #tpu.memory_space<hbm>>
      %dma_wait3A_89 = tpu.memref_squeeze %dma_wait3A_88 : memref<1x125x80xi32, #tpu.memory_space<hbm>> -> memref<125x80xi32, #tpu.memory_space<hbm>>
      tpu.wait_dma2 semaphore(%run_scoped3A : memref<!tpu.dma_semaphore, #tpu.memory_space<semaphore_mem>>) src(%dma_wait3A_89 : memref<125x80xi32, #tpu.memory_space<hbm>>) dst(%arg5 : memref<125x80xi32, #tpu.memory_space<vmem>>)
      tpu.yield
    }) : () -> ()
    "tpu.region"() ({
      %run_scoped3A = tpu.sem_alloc : memref<!tpu.dma_semaphore, #tpu.memory_space<semaphore_mem>>
      tpu.enqueue_dma source(%arg3 : memref<80x16xf32, #tpu.memory_space<hbm>>) target(%arg6 : memref<80x16xf32, #tpu.memory_space<vmem>>) target_semaphore(%run_scoped3A : memref<!tpu.dma_semaphore, #tpu.memory_space<semaphore_mem>>)
      tpu.wait_dma2 semaphore(%run_scoped3A : memref<!tpu.dma_semaphore, #tpu.memory_space<semaphore_mem>>) src(%arg3 : memref<80x16xf32, #tpu.memory_space<hbm>>) dst(%arg6 : memref<80x16xf32, #tpu.memory_space<vmem>>)
      tpu.yield
    }) : () -> ()
    %broadcast_in_dim3A = arith.constant 0.000000e+00 : f32
    %broadcast_in_dim3A_1 = vector.broadcast %broadcast_in_dim3A : f32 to vector<16xf32>
    %swap3A = arith.constant 0 : i32
    %swap3A_2 = arith.index_cast %swap3A : i32 to index
    %swap3A_3 = arith.constant 0 : index
    %swap3A_4 = tpu.vector_load %arg6[%swap3A_2, %swap3A_3] {strides = array<i32>} : memref<80x16xf32, #tpu.memory_space<vmem>>, vector<1x16xf32>,
    %swap3A_5 = vector.shape_cast %swap3A_4 : vector<1x16xf32> to vector<16xf32>
    %swap3A_6 = vector.shape_cast %broadcast_in_dim3A_1 : vector<16xf32> to vector<1x16xf32>
    tpu.vector_store %arg6[%swap3A_2, %swap3A_3], %swap3A_6 {strides = array<i32>} : memref<80x16xf32, #tpu.memory_space<vmem>>, vector<1x16xf32>,
    %swap3A_7 = arith.constant 1 : i32
    %swap3A_8 = arith.index_cast %swap3A_7 : i32 to index
    %swap3A_9 = arith.constant 0 : index
    %swap3A_10 = tpu.vector_load %arg6[%swap3A_8, %swap3A_9] {strides = array<i32>} : memref<80x16xf32, #tpu.memory_space<vmem>>, vector<1x16xf32>,
    %swap3A_11 = vector.shape_cast %swap3A_10 : vector<1x16xf32> to vector<16xf32>
    %swap3A_12 = vector.shape_cast %broadcast_in_dim3A_1 : vector<16xf32> to vector<1x16xf32>
    tpu.vector_store %arg6[%swap3A_8, %swap3A_9], %swap3A_12 {strides = array<i32>} : memref<80x16xf32, #tpu.memory_space<vmem>>, vector<1x16xf32>,
    %swap3A_13 = arith.constant 2 : i32
    %swap3A_14 = arith.index_cast %swap3A_13 : i32 to index
    %swap3A_15 = arith.constant 0 : index
    %swap3A_16 = tpu.vector_load %arg6[%swap3A_14, %swap3A_15] {strides = array<i32>} : memref<80x16xf32, #tpu.memory_space<vmem>>, vector<1x16xf32>,
    %swap3A_17 = vector.shape_cast %swap3A_16 : vector<1x16xf32> to vector<16xf32>
    %swap3A_18 = vector.shape_cast %broadcast_in_dim3A_1 : vector<16xf32> to vector<1x16xf32>
    tpu.vector_store %arg6[%swap3A_14, %swap3A_15], %swap3A_18 {strides = array<i32>} : memref<80x16xf32, #tpu.memory_space<vmem>>, vector<1x16xf32>,
    %swap3A_19 = arith.constant 3 : i32
    %swap3A_20 = arith.index_cast %swap3A_19 : i32 to index
    %swap3A_21 = arith.constant 0 : index
    %swap3A_22 = tpu.vector_load %arg6[%swap3A_20, %swap3A_21] {strides = array<i32>} : memref<80x16xf32, #tpu.memory_space<vmem>>, vector<1x16xf32>,
    %swap3A_23 = vector.shape_cast %swap3A_22 : vector<1x16xf32> to vector<16xf32>
    %swap3A_24 = vector.shape_cast %broadcast_in_dim3A_1 : vector<16xf32> to vector<1x16xf32>
    tpu.vector_store %arg6[%swap3A_20, %swap3A_21], %swap3A_24 {strides = array<i32>} : memref<80x16xf32, #tpu.memory_space<vmem>>, vector<1x16xf32>,
    %swap3A_25 = arith.constant 4 : i32
    %swap3A_26 = arith.index_cast %swap3A_25 : i32 to index
    %swap3A_27 = arith.constant 0 : index
    %swap3A_28 = tpu.vector_load %arg6[%swap3A_26, %swap3A_27] {strides = array<i32>} : memref<80x16xf32, #tpu.memory_space<vmem>>, vector<1x16xf32>,
    %swap3A_29 = vector.shape_cast %swap3A_28 : vector<1x16xf32> to vector<16xf32>
    %swap3A_30 = vector.shape_cast %broadcast_in_dim3A_1 : vector<16xf32> to vector<1x16xf32>
    tpu.vector_store %arg6[%swap3A_26, %swap3A_27], %swap3A_30 {strides = array<i32>} : memref<80x16xf32, #tpu.memory_space<vmem>>, vector<1x16xf32>,
    %swap3A_31 = arith.constant 5 : i32
    %swap3A_32 = arith.index_cast %swap3A_31 : i32 to index
    %swap3A_33 = arith.constant 0 : index
    %swap3A_34 = tpu.vector_load %arg6[%swap3A_32, %swap3A_33] {strides = array<i32>} : memref<80x16xf32, #tpu.memory_space<vmem>>, vector<1x16xf32>,
    %swap3A_35 = vector.shape_cast %swap3A_34 : vector<1x16xf32> to vector<16xf32>
    %swap3A_36 = vector.shape_cast %broadcast_in_dim3A_1 : vector<16xf32> to vector<1x16xf32>
    tpu.vector_store %arg6[%swap3A_32, %swap3A_33], %swap3A_36 {strides = array<i32>} : memref<80x16xf32, #tpu.memory_space<vmem>>, vector<1x16xf32>,
    %swap3A_37 = arith.constant 6 : i32
    %swap3A_38 = arith.index_cast %swap3A_37 : i32 to index
    %swap3A_39 = arith.constant 0 : index
    %swap3A_40 = tpu.vector_load %arg6[%swap3A_38, %swap3A_39] {strides = array<i32>} : memref<80x16xf32, #tpu.memory_space<vmem>>, vector<1x16xf32>,
    %swap3A_41 = vector.shape_cast %swap3A_40 : vector<1x16xf32> to vector<16xf32>
    %swap3A_42 = vector.shape_cast %broadcast_in_dim3A_1 : vector<16xf32> to vector<1x16xf32>
    tpu.vector_store %arg6[%swap3A_38, %swap3A_39], %swap3A_42 {strides = array<i32>} : memref<80x16xf32, #tpu.memory_space<vmem>>, vector<1x16xf32>,
    %swap3A_43 = arith.constant 7 : i32
    %swap3A_44 = arith.index_cast %swap3A_43 : i32 to index
    %swap3A_45 = arith.constant 0 : index
    %swap3A_46 = tpu.vector_load %arg6[%swap3A_44, %swap3A_45] {strides = array<i32>} : memref<80x16xf32, #tpu.memory_space<vmem>>, vector<1x16xf32>,
    %swap3A_47 = vector.shape_cast %swap3A_46 : vector<1x16xf32> to vector<16xf32>
    %swap3A_48 = vector.shape_cast %broadcast_in_dim3A_1 : vector<16xf32> to vector<1x16xf32>
    tpu.vector_store %arg6[%swap3A_44, %swap3A_45], %swap3A_48 {strides = array<i32>} : memref<80x16xf32, #tpu.memory_space<vmem>>, vector<1x16xf32>,
    %scan3A = arith.constant 0 : i32
    %scan3A_49 = arith.constant 0 : i32
    %scan3A_50 = arith.constant 78 : i32
    %scan3A_51 = arith.addi %scan3A_49, %scan3A_50 : i32
    %scan3A_52 = arith.constant 1 : i32
    scf.for %scan3A_75 = %scan3A_49 to %scan3A_51 step %scan3A_52  : i32 {
      %mul3A_76 = arith.constant 625 : i32
      %mul3A_77 = arith.muli %arg1, %mul3A_76 : i32
      %mul3A_78 = arith.constant 8 : i32
      %mul3A_79 = arith.muli %scan3A_75, %mul3A_78 : i32
      %add3A_80 = arith.addi %mul3A_77, %mul3A_79 : i32
      "tpu.region"() ({
        %run_scoped3A = tpu.sem_alloc : memref<!tpu.dma_semaphore, #tpu.memory_space<semaphore_mem>>
        %dma_start3A = arith.constant 0 : i32
        %dma_start3A_81 = arith.constant 0 : i32
        %dma_start3A_82 = tpu.memref_slice %arg6[%dma_start3A, %dma_start3A_81] : memref<80x16xf32, #tpu.memory_space<vmem>> -> memref<8x16xf32, #tpu.memory_space<vmem>>
        %dma_start3A_83 = arith.constant 0 : i32
        %dma_start3A_84 = tpu.memref_slice %arg7[%add3A_80, %dma_start3A_83] : memref<10000x16xf32, #tpu.memory_space<vmem_shared>> -> memref<8x16xf32, #tpu.memory_space<vmem_shared>>
        %dma_start3A_85 = arith.constant 0 : i32
        %dma_start3A_86 = tpu.memref_slice %arg7[%add3A_80, %dma_start3A_85] : memref<10000x16xf32, #tpu.memory_space<vmem_shared>> -> memref<8x16xf32, #tpu.memory_space<vmem_shared>>
        %dma_start3A_87 = arith.constant 0 : i32
        %dma_start3A_88 = arith.constant 0 : i32
        %dma_start3A_89 = tpu.memref_slice %arg6[%dma_start3A_87, %dma_start3A_88] : memref<80x16xf32, #tpu.memory_space<vmem>> -> memref<8x16xf32, #tpu.memory_space<vmem>>
        tpu.enqueue_dma source(%dma_start3A_89 : memref<8x16xf32, #tpu.memory_space<vmem>>) target(%dma_start3A_86 : memref<8x16xf32, #tpu.memory_space<vmem_shared>>) target_semaphore(%run_scoped3A : memref<!tpu.dma_semaphore, #tpu.memory_space<semaphore_mem>>)
        %dma_wait3A_90 = arith.constant 0 : i32
        %dma_wait3A_91 = arith.constant 0 : i32
        %dma_wait3A_92 = tpu.memref_slice %arg6[%dma_wait3A_90, %dma_wait3A_91] : memref<80x16xf32, #tpu.memory_space<vmem>> -> memref<8x16xf32, #tpu.memory_space<vmem>>
        %dma_wait3A_93 = arith.constant 0 : i32
        %dma_wait3A_94 = tpu.memref_slice %arg7[%add3A_80, %dma_wait3A_93] : memref<10000x16xf32, #tpu.memory_space<vmem_shared>> -> memref<8x16xf32, #tpu.memory_space<vmem_shared>>
        %dma_wait3A_95 = arith.constant 0 : i32
        %dma_wait3A_96 = tpu.memref_slice %arg7[%add3A_80, %dma_wait3A_95] : memref<10000x16xf32, #tpu.memory_space<vmem_shared>> -> memref<8x16xf32, #tpu.memory_space<vmem_shared>>
        %dma_wait3A_97 = arith.constant 0 : i32
        %dma_wait3A_98 = arith.constant 0 : i32
        %dma_wait3A_99 = tpu.memref_slice %arg6[%dma_wait3A_97, %dma_wait3A_98] : memref<80x16xf32, #tpu.memory_space<vmem>> -> memref<8x16xf32, #tpu.memory_space<vmem>>
        tpu.wait_dma2 semaphore(%run_scoped3A : memref<!tpu.dma_semaphore, #tpu.memory_space<semaphore_mem>>) src(%dma_wait3A_99 : memref<8x16xf32, #tpu.memory_space<vmem>>) dst(%dma_wait3A_96 : memref<8x16xf32, #tpu.memory_space<vmem_shared>>)
        tpu.yield
      }) : () -> ()
    }
    %scan3A_53 = arith.constant 78 : i32
    %mul3A_54 = arith.constant 625 : i32
    %mul3A_55 = arith.muli %arg1, %mul3A_54 : i32
    %add3A_56 = arith.constant 624 : i32
    %add3A_57 = arith.addi %mul3A_55, %add3A_56 : i32
    "tpu.region"() ({
      %run_scoped3A = tpu.sem_alloc : memref<!tpu.dma_semaphore, #tpu.memory_space<semaphore_mem>>
      %dma_start3A = arith.constant 0 : i32
      %dma_start3A_75 = arith.constant 0 : i32
      %dma_start3A_76 = tpu.memref_slice %arg6[%dma_start3A, %dma_start3A_75] : memref<80x16xf32, #tpu.memory_space<vmem>> -> memref<1x16xf32, #tpu.memory_space<vmem>>
      %dma_start3A_77 = arith.constant 0 : i32
      %dma_start3A_78 = tpu.memref_slice %arg7[%add3A_57, %dma_start3A_77] : memref<10000x16xf32, #tpu.memory_space<vmem_shared>> -> memref<1x16xf32, #tpu.memory_space<vmem_shared>>
      %dma_start3A_79 = arith.constant 0 : i32
      %dma_start3A_80 = tpu.memref_slice %arg7[%add3A_57, %dma_start3A_79] : memref<10000x16xf32, #tpu.memory_space<vmem_shared>> -> memref<1x16xf32, #tpu.memory_space<vmem_shared>>
      %dma_start3A_81 = arith.constant 0 : i32
      %dma_start3A_82 = arith.constant 0 : i32
      %dma_start3A_83 = tpu.memref_slice %arg6[%dma_start3A_81, %dma_start3A_82] : memref<80x16xf32, #tpu.memory_space<vmem>> -> memref<1x16xf32, #tpu.memory_space<vmem>>
      tpu.enqueue_dma source(%dma_start3A_83 : memref<1x16xf32, #tpu.memory_space<vmem>>) target(%dma_start3A_80 : memref<1x16xf32, #tpu.memory_space<vmem_shared>>) target_semaphore(%run_scoped3A : memref<!tpu.dma_semaphore, #tpu.memory_space<semaphore_mem>>)
      %dma_wait3A_84 = arith.constant 0 : i32
      %dma_wait3A_85 = arith.constant 0 : i32
      %dma_wait3A_86 = tpu.memref_slice %arg6[%dma_wait3A_84, %dma_wait3A_85] : memref<80x16xf32, #tpu.memory_space<vmem>> -> memref<1x16xf32, #tpu.memory_space<vmem>>
      %dma_wait3A_87 = arith.constant 0 : i32
      %dma_wait3A_88 = tpu.memref_slice %arg7[%add3A_57, %dma_wait3A_87] : memref<10000x16xf32, #tpu.memory_space<vmem_shared>> -> memref<1x16xf32, #tpu.memory_space<vmem_shared>>
      %dma_wait3A_89 = arith.constant 0 : i32
      %dma_wait3A_90 = tpu.memref_slice %arg7[%add3A_57, %dma_wait3A_89] : memref<10000x16xf32, #tpu.memory_space<vmem_shared>> -> memref<1x16xf32, #tpu.memory_space<vmem_shared>>
      %dma_wait3A_91 = arith.constant 0 : i32
      %dma_wait3A_92 = arith.constant 0 : i32
      %dma_wait3A_93 = tpu.memref_slice %arg6[%dma_wait3A_91, %dma_wait3A_92] : memref<80x16xf32, #tpu.memory_space<vmem>> -> memref<1x16xf32, #tpu.memory_space<vmem>>
      tpu.wait_dma2 semaphore(%run_scoped3A : memref<!tpu.dma_semaphore, #tpu.memory_space<semaphore_mem>>) src(%dma_wait3A_93 : memref<1x16xf32, #tpu.memory_space<vmem>>) dst(%dma_wait3A_90 : memref<1x16xf32, #tpu.memory_space<vmem_shared>>)
      tpu.yield
    }) : () -> ()
    "tpu.region"() ({
      %run_scoped3A = tpu.sem_alloc : memref<!tpu.dma_semaphore, #tpu.memory_space<semaphore_mem>>
      tpu.enqueue_dma source(%arg3 : memref<80x16xf32, #tpu.memory_space<hbm>>) target(%arg6 : memref<80x16xf32, #tpu.memory_space<vmem>>) target_semaphore(%run_scoped3A : memref<!tpu.dma_semaphore, #tpu.memory_space<semaphore_mem>>)
      tpu.wait_dma2 semaphore(%run_scoped3A : memref<!tpu.dma_semaphore, #tpu.memory_space<semaphore_mem>>) src(%arg3 : memref<80x16xf32, #tpu.memory_space<hbm>>) dst(%arg6 : memref<80x16xf32, #tpu.memory_space<vmem>>)
      tpu.yield
    }) : () -> ()
    %barrier3A = arith.constant 0 : index
    tpu.barrier barrier_id(%barrier3A)
    %scan3A_58 = arith.constant 0 : i32
    %scan3A_59 = arith.constant 0 : i32
    %scan3A_60 = arith.constant 125 : i32
    %scan3A_61 = arith.addi %scan3A_59, %scan3A_60 : i32
    %scan3A_62 = arith.constant 1 : i32
    scf.for %scan3A_75 = %scan3A_59 to %scan3A_61 step %scan3A_62  : i32 {
      %dma_start3A = arith.constant 0 : i32
      %dma_start3A_76 = tpu.memref_slice %arg5[%scan3A_75, %dma_start3A] : memref<125x80xi32, #tpu.memory_space<vmem>> -> memref<1x80xi32, #tpu.memory_space<vmem>>
      %dma_start3A_77 = tpu.memref_squeeze %dma_start3A_76 : memref<1x80xi32, #tpu.memory_space<vmem>> -> memref<80xi32, #tpu.memory_space<vmem>>
      %dma_start3A_78 = arith.constant 0 : i32
      %dma_start3A_79 = arith.constant 0 : i32
      %dma_start3A_80 = tpu.memref_slice %arg7[%dma_start3A_78, %dma_start3A_79] : memref<10000x16xf32, #tpu.memory_space<vmem_shared>> -> memref<10000x16xf32, #tpu.memory_space<vmem_shared>>
      tpu.enqueue_indirect_dma source(%arg6 : memref<80x16xf32, #tpu.memory_space<vmem>>) target(%dma_start3A_80 : memref<10000x16xf32, #tpu.memory_space<vmem_shared>>) offsets(%dma_start3A_77 : memref<80xi32, #tpu.memory_space<vmem>>) semaphore(%arg8 : memref<!tpu.dma_semaphore, #tpu.memory_space<semaphore_mem>>) {add = true}
      %gt3A = arith.constant 0 : i32
      %gt3A_81 = arith.cmpi sgt, %scan3A_75, %gt3A : i32
      %convert_element_type3A = arith.extui %gt3A_81 : i1 to i32
      %cond3A = arith.constant 0 : i32
      %cond3A_82 = arith.cmpi ne, %convert_element_type3A, %cond3A : i32
      scf.if %cond3A_82 {
        %dma_wait3A_83 = arith.constant 0 : i32
        %dma_wait3A_84 = arith.constant 0 : i32
        %dma_wait3A_85 = tpu.memref_slice %arg5[%dma_wait3A_83, %dma_wait3A_84] : memref<125x80xi32, #tpu.memory_space<vmem>> -> memref<1x80xi32, #tpu.memory_space<vmem>>
        %dma_wait3A_86 = tpu.memref_squeeze %dma_wait3A_85 : memref<1x80xi32, #tpu.memory_space<vmem>> -> memref<80xi32, #tpu.memory_space<vmem>>
        %dma_wait3A_87 = arith.constant 0 : i32
        %dma_wait3A_88 = arith.constant 0 : i32
        %dma_wait3A_89 = tpu.memref_slice %arg7[%dma_wait3A_87, %dma_wait3A_88] : memref<10000x16xf32, #tpu.memory_space<vmem_shared>> -> memref<10000x16xf32, #tpu.memory_space<vmem_shared>>
        tpu.wait_indirect_dma semaphore(%arg8 : memref<!tpu.dma_semaphore, #tpu.memory_space<semaphore_mem>>) src(%arg6 : memref<80x16xf32, #tpu.memory_space<vmem>>) dst(%dma_wait3A_89 : memref<10000x16xf32, #tpu.memory_space<vmem_shared>>)
      } else {
      }
    }
    %scan3A_63 = arith.constant 125 : i32
    %dma_wait3A = arith.constant 0 : i32
    %dma_wait3A_64 = arith.constant 0 : i32
    %dma_wait3A_65 = tpu.memref_slice %arg5[%dma_wait3A, %dma_wait3A_64] : memref<125x80xi32, #tpu.memory_space<vmem>> -> memref<1x80xi32, #tpu.memory_space<vmem>>
    %dma_wait3A_66 = tpu.memref_squeeze %dma_wait3A_65 : memref<1x80xi32, #tpu.memory_space<vmem>> -> memref<80xi32, #tpu.memory_space<vmem>>
    %dma_wait3A_67 = arith.constant 0 : i32
    %dma_wait3A_68 = arith.constant 0 : i32
    %dma_wait3A_69 = tpu.memref_slice %arg7[%dma_wait3A_67, %dma_wait3A_68] : memref<10000x16xf32, #tpu.memory_space<vmem_shared>> -> memref<10000x16xf32, #tpu.memory_space<vmem_shared>>
    tpu.wait_indirect_dma semaphore(%arg8 : memref<!tpu.dma_semaphore, #tpu.memory_space<semaphore_mem>>) src(%arg6 : memref<80x16xf32, #tpu.memory_space<vmem>>) dst(%dma_wait3A_69 : memref<10000x16xf32, #tpu.memory_space<vmem_shared>>)
    %barrier3A_70 = arith.constant 0 : index
    tpu.barrier barrier_id(%barrier3A_70)
    %mul3A_71 = arith.constant 625 : i32
    %mul3A_72 = arith.muli %arg1, %mul3A_71 : i32
    %mul3A_73 = arith.constant 625 : i32
    %mul3A_74 = arith.muli %arg1, %mul3A_73 : i32
    "tpu.region"() ({
      %run_scoped3A = tpu.sem_alloc : memref<!tpu.dma_semaphore, #tpu.memory_space<semaphore_mem>>
      %dma_start3A = arith.constant 0 : i32
      %dma_start3A_75 = tpu.memref_slice %arg4[%arg0, %mul3A_74, %dma_start3A] : memref<2x10000x16xf32, #tpu.memory_space<hbm>> -> memref<1x625x16xf32, #tpu.memory_space<hbm>>
      %dma_start3A_76 = tpu.memref_squeeze %dma_start3A_75 : memref<1x625x16xf32, #tpu.memory_space<hbm>> -> memref<625x16xf32, #tpu.memory_space<hbm>>
      %dma_start3A_77 = arith.constant 0 : i32
      %dma_start3A_78 = tpu.memref_slice %arg7[%mul3A_72, %dma_start3A_77] : memref<10000x16xf32, #tpu.memory_space<vmem_shared>> -> memref<625x16xf32, #tpu.memory_space<vmem_shared>>
      tpu.enqueue_dma source(%dma_start3A_78 : memref<625x16xf32, #tpu.memory_space<vmem_shared>>) target(%dma_start3A_76 : memref<625x16xf32, #tpu.memory_space<hbm>>) target_semaphore(%run_scoped3A : memref<!tpu.dma_semaphore, #tpu.memory_space<semaphore_mem>>)
      %dma_wait3A_79 = arith.constant 0 : i32
      %dma_wait3A_80 = tpu.memref_slice %arg4[%arg0, %mul3A_74, %dma_wait3A_79] : memref<2x10000x16xf32, #tpu.memory_space<hbm>> -> memref<1x625x16xf32, #tpu.memory_space<hbm>>
      %dma_wait3A_81 = tpu.memref_squeeze %dma_wait3A_80 : memref<1x625x16xf32, #tpu.memory_space<hbm>> -> memref<625x16xf32, #tpu.memory_space<hbm>>
      %dma_wait3A_82 = arith.constant 0 : i32
      %dma_wait3A_83 = tpu.memref_slice %arg7[%mul3A_72, %dma_wait3A_82] : memref<10000x16xf32, #tpu.memory_space<vmem_shared>> -> memref<625x16xf32, #tpu.memory_space<vmem_shared>>
      tpu.wait_dma2 semaphore(%run_scoped3A : memref<!tpu.dma_semaphore, #tpu.memory_space<semaphore_mem>>) src(%dma_wait3A_83 : memref<625x16xf32, #tpu.memory_space<vmem_shared>>) dst(%dma_wait3A_81 : memref<625x16xf32, #tpu.memory_space<hbm>>)
      tpu.yield
    }) : () -> ()
    return
  }
}

#map = affine_map<(d0, d1) -> (0, 0)>
#map1 = affine_map<(d0, d1) -> (0, 0, 0)>
module attributes {stable_mosaic.version = 14 : i64} {
  func.func @spmm_kernel(%arg0: i32, %arg1: i32, %arg2: memref<10000x128xf32, #tpu.memory_space<hbm>>, %arg3: memref<32x125x80xi32, #tpu.memory_space<hbm>>, %arg4: memref<32x125x80xi32, #tpu.memory_space<hbm>>, %arg5: memref<2x10000x128xf32, #tpu.memory_space<hbm>>, %arg6: memref<125x80xi32, #tpu.memory_space<vmem>>, %arg7: memref<125x80xi32, #tpu.memory_space<vmem>>, %arg8: memref<80x128xf32, #tpu.memory_space<vmem>>, %arg9: memref<80x128xf32, #tpu.memory_space<vmem>>, %arg10: memref<80x128xf32, #tpu.memory_space<vmem>>, %arg11: memref<10000x128xf32, #tpu.memory_space<vmem_shared>>, %arg12: memref<!tpu.dma_semaphore, #tpu.memory_space<semaphore_mem>>, %arg13: memref<!tpu.dma_semaphore, #tpu.memory_space<semaphore_mem>>, %arg14: memref<!tpu.dma_semaphore, #tpu.memory_space<semaphore_mem>>, %arg15: memref<!tpu.dma_semaphore, #tpu.memory_space<semaphore_mem>>, %arg16: memref<!tpu.dma_semaphore, #tpu.memory_space<semaphore_mem>>, %arg17: memref<!tpu.dma_semaphore, #tpu.memory_space<semaphore_mem>>) attributes {dimension_semantics = [#tpu.dimension_semantics<core_parallel>, #tpu.dimension_semantics<subcore_parallel>], iteration_bounds = array<i64: 2, 16>, scalar_prefetch = 0 : i64, scratch_operands = 12 : i64, tpu.core_type = #tpu.core_type<sc_vector_subcore>, window_params = [{transform_indices = #map}, {transform_indices = #map1}, {transform_indices = #map1}, {transform_indices = #map1}]} {
    %mul3A = arith.constant 2 : i32
    %mul3A_0 = arith.muli %arg1, %mul3A : i32
    %add3A = arith.addi %mul3A_0, %arg0 : i32
    %broadcast_in_dim3A = arith.constant 0.000000e+00 : f32
    %broadcast_in_dim3A_1 = vector.broadcast %broadcast_in_dim3A : f32 to vector<16xf32>
    %swap3A = arith.constant 0 : i32
    %swap3A_2 = arith.index_cast %swap3A : i32 to index
    %swap3A_3 = arith.constant 0 : index
    %swap3A_4 = tpu.vector_load %arg8[%swap3A_2, %swap3A_3] {strides = array<i32>} : memref<80x128xf32, #tpu.memory_space<vmem>>, vector<1x16xf32>,
    %swap3A_5 = vector.shape_cast %swap3A_4 : vector<1x16xf32> to vector<16xf32>
    %swap3A_6 = vector.shape_cast %broadcast_in_dim3A_1 : vector<16xf32> to vector<1x16xf32>
    tpu.vector_store %arg8[%swap3A_2, %swap3A_3], %swap3A_6 {strides = array<i32>} : memref<80x128xf32, #tpu.memory_space<vmem>>, vector<1x16xf32>,
    %swap3A_7 = arith.constant 0 : i32
    %swap3A_8 = arith.index_cast %swap3A_7 : i32 to index
    %swap3A_9 = arith.constant 16 : index
    %swap3A_10 = tpu.vector_load %arg8[%swap3A_8, %swap3A_9] {strides = array<i32>} : memref<80x128xf32, #tpu.memory_space<vmem>>, vector<1x16xf32>,
    %swap3A_11 = vector.shape_cast %swap3A_10 : vector<1x16xf32> to vector<16xf32>
    %swap3A_12 = vector.shape_cast %broadcast_in_dim3A_1 : vector<16xf32> to vector<1x16xf32>
    tpu.vector_store %arg8[%swap3A_8, %swap3A_9], %swap3A_12 {strides = array<i32>} : memref<80x128xf32, #tpu.memory_space<vmem>>, vector<1x16xf32>,
    %swap3A_13 = arith.constant 0 : i32
    %swap3A_14 = arith.index_cast %swap3A_13 : i32 to index
    %swap3A_15 = arith.constant 32 : index
    %swap3A_16 = tpu.vector_load %arg8[%swap3A_14, %swap3A_15] {strides = array<i32>} : memref<80x128xf32, #tpu.memory_space<vmem>>, vector<1x16xf32>,
    %swap3A_17 = vector.shape_cast %swap3A_16 : vector<1x16xf32> to vector<16xf32>
    %swap3A_18 = vector.shape_cast %broadcast_in_dim3A_1 : vector<16xf32> to vector<1x16xf32>
    tpu.vector_store %arg8[%swap3A_14, %swap3A_15], %swap3A_18 {strides = array<i32>} : memref<80x128xf32, #tpu.memory_space<vmem>>, vector<1x16xf32>,
    %swap3A_19 = arith.constant 0 : i32
    %swap3A_20 = arith.index_cast %swap3A_19 : i32 to index
    %swap3A_21 = arith.constant 48 : index
    %swap3A_22 = tpu.vector_load %arg8[%swap3A_20, %swap3A_21] {strides = array<i32>} : memref<80x128xf32, #tpu.memory_space<vmem>>, vector<1x16xf32>,
    %swap3A_23 = vector.shape_cast %swap3A_22 : vector<1x16xf32> to vector<16xf32>
    %swap3A_24 = vector.shape_cast %broadcast_in_dim3A_1 : vector<16xf32> to vector<1x16xf32>
    tpu.vector_store %arg8[%swap3A_20, %swap3A_21], %swap3A_24 {strides = array<i32>} : memref<80x128xf32, #tpu.memory_space<vmem>>, vector<1x16xf32>,
    %swap3A_25 = arith.constant 0 : i32
    %swap3A_26 = arith.index_cast %swap3A_25 : i32 to index
    %swap3A_27 = arith.constant 64 : index
    %swap3A_28 = tpu.vector_load %arg8[%swap3A_26, %swap3A_27] {strides = array<i32>} : memref<80x128xf32, #tpu.memory_space<vmem>>, vector<1x16xf32>,
    %swap3A_29 = vector.shape_cast %swap3A_28 : vector<1x16xf32> to vector<16xf32>
    %swap3A_30 = vector.shape_cast %broadcast_in_dim3A_1 : vector<16xf32> to vector<1x16xf32>
    tpu.vector_store %arg8[%swap3A_26, %swap3A_27], %swap3A_30 {strides = array<i32>} : memref<80x128xf32, #tpu.memory_space<vmem>>, vector<1x16xf32>,
    %swap3A_31 = arith.constant 0 : i32
    %swap3A_32 = arith.index_cast %swap3A_31 : i32 to index
    %swap3A_33 = arith.constant 80 : index
    %swap3A_34 = tpu.vector_load %arg8[%swap3A_32, %swap3A_33] {strides = array<i32>} : memref<80x128xf32, #tpu.memory_space<vmem>>, vector<1x16xf32>,
    %swap3A_35 = vector.shape_cast %swap3A_34 : vector<1x16xf32> to vector<16xf32>
    %swap3A_36 = vector.shape_cast %broadcast_in_dim3A_1 : vector<16xf32> to vector<1x16xf32>
    tpu.vector_store %arg8[%swap3A_32, %swap3A_33], %swap3A_36 {strides = array<i32>} : memref<80x128xf32, #tpu.memory_space<vmem>>, vector<1x16xf32>,
    %swap3A_37 = arith.constant 0 : i32
    %swap3A_38 = arith.index_cast %swap3A_37 : i32 to index
    %swap3A_39 = arith.constant 96 : index
    %swap3A_40 = tpu.vector_load %arg8[%swap3A_38, %swap3A_39] {strides = array<i32>} : memref<80x128xf32, #tpu.memory_space<vmem>>, vector<1x16xf32>,
    %swap3A_41 = vector.shape_cast %swap3A_40 : vector<1x16xf32> to vector<16xf32>
    %swap3A_42 = vector.shape_cast %broadcast_in_dim3A_1 : vector<16xf32> to vector<1x16xf32>
    tpu.vector_store %arg8[%swap3A_38, %swap3A_39], %swap3A_42 {strides = array<i32>} : memref<80x128xf32, #tpu.memory_space<vmem>>, vector<1x16xf32>,
    %swap3A_43 = arith.constant 0 : i32
    %swap3A_44 = arith.index_cast %swap3A_43 : i32 to index
    %swap3A_45 = arith.constant 112 : index
    %swap3A_46 = tpu.vector_load %arg8[%swap3A_44, %swap3A_45] {strides = array<i32>} : memref<80x128xf32, #tpu.memory_space<vmem>>, vector<1x16xf32>,
    %swap3A_47 = vector.shape_cast %swap3A_46 : vector<1x16xf32> to vector<16xf32>
    %swap3A_48 = vector.shape_cast %broadcast_in_dim3A_1 : vector<16xf32> to vector<1x16xf32>
    tpu.vector_store %arg8[%swap3A_44, %swap3A_45], %swap3A_48 {strides = array<i32>} : memref<80x128xf32, #tpu.memory_space<vmem>>, vector<1x16xf32>,
    %swap3A_49 = arith.constant 1 : i32
    %swap3A_50 = arith.index_cast %swap3A_49 : i32 to index
    %swap3A_51 = arith.constant 0 : index
    %swap3A_52 = tpu.vector_load %arg8[%swap3A_50, %swap3A_51] {strides = array<i32>} : memref<80x128xf32, #tpu.memory_space<vmem>>, vector<1x16xf32>,
    %swap3A_53 = vector.shape_cast %swap3A_52 : vector<1x16xf32> to vector<16xf32>
    %swap3A_54 = vector.shape_cast %broadcast_in_dim3A_1 : vector<16xf32> to vector<1x16xf32>
    tpu.vector_store %arg8[%swap3A_50, %swap3A_51], %swap3A_54 {strides = array<i32>} : memref<80x128xf32, #tpu.memory_space<vmem>>, vector<1x16xf32>,
    %swap3A_55 = arith.constant 1 : i32
    %swap3A_56 = arith.index_cast %swap3A_55 : i32 to index
    %swap3A_57 = arith.constant 16 : index
    %swap3A_58 = tpu.vector_load %arg8[%swap3A_56, %swap3A_57] {strides = array<i32>} : memref<80x128xf32, #tpu.memory_space<vmem>>, vector<1x16xf32>,
    %swap3A_59 = vector.shape_cast %swap3A_58 : vector<1x16xf32> to vector<16xf32>
    %swap3A_60 = vector.shape_cast %broadcast_in_dim3A_1 : vector<16xf32> to vector<1x16xf32>
    tpu.vector_store %arg8[%swap3A_56, %swap3A_57], %swap3A_60 {strides = array<i32>} : memref<80x128xf32, #tpu.memory_space<vmem>>, vector<1x16xf32>,
    %swap3A_61 = arith.constant 1 : i32
    %swap3A_62 = arith.index_cast %swap3A_61 : i32 to index
    %swap3A_63 = arith.constant 32 : index
    %swap3A_64 = tpu.vector_load %arg8[%swap3A_62, %swap3A_63] {strides = array<i32>} : memref<80x128xf32, #tpu.memory_space<vmem>>, vector<1x16xf32>,
    %swap3A_65 = vector.shape_cast %swap3A_64 : vector<1x16xf32> to vector<16xf32>
    %swap3A_66 = vector.shape_cast %broadcast_in_dim3A_1 : vector<16xf32> to vector<1x16xf32>
    tpu.vector_store %arg8[%swap3A_62, %swap3A_63], %swap3A_66 {strides = array<i32>} : memref<80x128xf32, #tpu.memory_space<vmem>>, vector<1x16xf32>,
    %swap3A_67 = arith.constant 1 : i32
    %swap3A_68 = arith.index_cast %swap3A_67 : i32 to index
    %swap3A_69 = arith.constant 48 : index
    %swap3A_70 = tpu.vector_load %arg8[%swap3A_68, %swap3A_69] {strides = array<i32>} : memref<80x128xf32, #tpu.memory_space<vmem>>, vector<1x16xf32>,
    %swap3A_71 = vector.shape_cast %swap3A_70 : vector<1x16xf32> to vector<16xf32>
    %swap3A_72 = vector.shape_cast %broadcast_in_dim3A_1 : vector<16xf32> to vector<1x16xf32>
    tpu.vector_store %arg8[%swap3A_68, %swap3A_69], %swap3A_72 {strides = array<i32>} : memref<80x128xf32, #tpu.memory_space<vmem>>, vector<1x16xf32>,
    %swap3A_73 = arith.constant 1 : i32
    %swap3A_74 = arith.index_cast %swap3A_73 : i32 to index
    %swap3A_75 = arith.constant 64 : index
    %swap3A_76 = tpu.vector_load %arg8[%swap3A_74, %swap3A_75] {strides = array<i32>} : memref<80x128xf32, #tpu.memory_space<vmem>>, vector<1x16xf32>,
    %swap3A_77 = vector.shape_cast %swap3A_76 : vector<1x16xf32> to vector<16xf32>
    %swap3A_78 = vector.shape_cast %broadcast_in_dim3A_1 : vector<16xf32> to vector<1x16xf32>
    tpu.vector_store %arg8[%swap3A_74, %swap3A_75], %swap3A_78 {strides = array<i32>} : memref<80x128xf32, #tpu.memory_space<vmem>>, vector<1x16xf32>,
    %swap3A_79 = arith.constant 1 : i32
    %swap3A_80 = arith.index_cast %swap3A_79 : i32 to index
    %swap3A_81 = arith.constant 80 : index
    %swap3A_82 = tpu.vector_load %arg8[%swap3A_80, %swap3A_81] {strides = array<i32>} : memref<80x128xf32, #tpu.memory_space<vmem>>, vector<1x16xf32>,
    %swap3A_83 = vector.shape_cast %swap3A_82 : vector<1x16xf32> to vector<16xf32>
    %swap3A_84 = vector.shape_cast %broadcast_in_dim3A_1 : vector<16xf32> to vector<1x16xf32>
    tpu.vector_store %arg8[%swap3A_80, %swap3A_81], %swap3A_84 {strides = array<i32>} : memref<80x128xf32, #tpu.memory_space<vmem>>, vector<1x16xf32>,
    %swap3A_85 = arith.constant 1 : i32
    %swap3A_86 = arith.index_cast %swap3A_85 : i32 to index
    %swap3A_87 = arith.constant 96 : index
    %swap3A_88 = tpu.vector_load %arg8[%swap3A_86, %swap3A_87] {strides = array<i32>} : memref<80x128xf32, #tpu.memory_space<vmem>>, vector<1x16xf32>,
    %swap3A_89 = vector.shape_cast %swap3A_88 : vector<1x16xf32> to vector<16xf32>
    %swap3A_90 = vector.shape_cast %broadcast_in_dim3A_1 : vector<16xf32> to vector<1x16xf32>
    tpu.vector_store %arg8[%swap3A_86, %swap3A_87], %swap3A_90 {strides = array<i32>} : memref<80x128xf32, #tpu.memory_space<vmem>>, vector<1x16xf32>,
    %swap3A_91 = arith.constant 1 : i32
    %swap3A_92 = arith.index_cast %swap3A_91 : i32 to index
    %swap3A_93 = arith.constant 112 : index
    %swap3A_94 = tpu.vector_load %arg8[%swap3A_92, %swap3A_93] {strides = array<i32>} : memref<80x128xf32, #tpu.memory_space<vmem>>, vector<1x16xf32>,
    %swap3A_95 = vector.shape_cast %swap3A_94 : vector<1x16xf32> to vector<16xf32>
    %swap3A_96 = vector.shape_cast %broadcast_in_dim3A_1 : vector<16xf32> to vector<1x16xf32>
    tpu.vector_store %arg8[%swap3A_92, %swap3A_93], %swap3A_96 {strides = array<i32>} : memref<80x128xf32, #tpu.memory_space<vmem>>, vector<1x16xf32>,
    %swap3A_97 = arith.constant 2 : i32
    %swap3A_98 = arith.index_cast %swap3A_97 : i32 to index
    %swap3A_99 = arith.constant 0 : index
    %swap3A_100 = tpu.vector_load %arg8[%swap3A_98, %swap3A_99] {strides = array<i32>} : memref<80x128xf32, #tpu.memory_space<vmem>>, vector<1x16xf32>,
    %swap3A_101 = vector.shape_cast %swap3A_100 : vector<1x16xf32> to vector<16xf32>
    %swap3A_102 = vector.shape_cast %broadcast_in_dim3A_1 : vector<16xf32> to vector<1x16xf32>
    tpu.vector_store %arg8[%swap3A_98, %swap3A_99], %swap3A_102 {strides = array<i32>} : memref<80x128xf32, #tpu.memory_space<vmem>>, vector<1x16xf32>,
    %swap3A_103 = arith.constant 2 : i32
    %swap3A_104 = arith.index_cast %swap3A_103 : i32 to index
    %swap3A_105 = arith.constant 16 : index
    %swap3A_106 = tpu.vector_load %arg8[%swap3A_104, %swap3A_105] {strides = array<i32>} : memref<80x128xf32, #tpu.memory_space<vmem>>, vector<1x16xf32>,
    %swap3A_107 = vector.shape_cast %swap3A_106 : vector<1x16xf32> to vector<16xf32>
    %swap3A_108 = vector.shape_cast %broadcast_in_dim3A_1 : vector<16xf32> to vector<1x16xf32>
    tpu.vector_store %arg8[%swap3A_104, %swap3A_105], %swap3A_108 {strides = array<i32>} : memref<80x128xf32, #tpu.memory_space<vmem>>, vector<1x16xf32>,
    %swap3A_109 = arith.constant 2 : i32
    %swap3A_110 = arith.index_cast %swap3A_109 : i32 to index
    %swap3A_111 = arith.constant 32 : index
    %swap3A_112 = tpu.vector_load %arg8[%swap3A_110, %swap3A_111] {strides = array<i32>} : memref<80x128xf32, #tpu.memory_space<vmem>>, vector<1x16xf32>,
    %swap3A_113 = vector.shape_cast %swap3A_112 : vector<1x16xf32> to vector<16xf32>
    %swap3A_114 = vector.shape_cast %broadcast_in_dim3A_1 : vector<16xf32> to vector<1x16xf32>
    tpu.vector_store %arg8[%swap3A_110, %swap3A_111], %swap3A_114 {strides = array<i32>} : memref<80x128xf32, #tpu.memory_space<vmem>>, vector<1x16xf32>,
    %swap3A_115 = arith.constant 2 : i32
    %swap3A_116 = arith.index_cast %swap3A_115 : i32 to index
    %swap3A_117 = arith.constant 48 : index
    %swap3A_118 = tpu.vector_load %arg8[%swap3A_116, %swap3A_117] {strides = array<i32>} : memref<80x128xf32, #tpu.memory_space<vmem>>, vector<1x16xf32>,
    %swap3A_119 = vector.shape_cast %swap3A_118 : vector<1x16xf32> to vector<16xf32>
    %swap3A_120 = vector.shape_cast %broadcast_in_dim3A_1 : vector<16xf32> to vector<1x16xf32>
    tpu.vector_store %arg8[%swap3A_116, %swap3A_117], %swap3A_120 {strides = array<i32>} : memref<80x128xf32, #tpu.memory_space<vmem>>, vector<1x16xf32>,
    %swap3A_121 = arith.constant 2 : i32
    %swap3A_122 = arith.index_cast %swap3A_121 : i32 to index
    %swap3A_123 = arith.constant 64 : index
    %swap3A_124 = tpu.vector_load %arg8[%swap3A_122, %swap3A_123] {strides = array<i32>} : memref<80x128xf32, #tpu.memory_space<vmem>>, vector<1x16xf32>,
    %swap3A_125 = vector.shape_cast %swap3A_124 : vector<1x16xf32> to vector<16xf32>
    %swap3A_126 = vector.shape_cast %broadcast_in_dim3A_1 : vector<16xf32> to vector<1x16xf32>
    tpu.vector_store %arg8[%swap3A_122, %swap3A_123], %swap3A_126 {strides = array<i32>} : memref<80x128xf32, #tpu.memory_space<vmem>>, vector<1x16xf32>,
    %swap3A_127 = arith.constant 2 : i32
    %swap3A_128 = arith.index_cast %swap3A_127 : i32 to index
    %swap3A_129 = arith.constant 80 : index
    %swap3A_130 = tpu.vector_load %arg8[%swap3A_128, %swap3A_129] {strides = array<i32>} : memref<80x128xf32, #tpu.memory_space<vmem>>, vector<1x16xf32>,
    %swap3A_131 = vector.shape_cast %swap3A_130 : vector<1x16xf32> to vector<16xf32>
    %swap3A_132 = vector.shape_cast %broadcast_in_dim3A_1 : vector<16xf32> to vector<1x16xf32>
    tpu.vector_store %arg8[%swap3A_128, %swap3A_129], %swap3A_132 {strides = array<i32>} : memref<80x128xf32, #tpu.memory_space<vmem>>, vector<1x16xf32>,
    %swap3A_133 = arith.constant 2 : i32
    %swap3A_134 = arith.index_cast %swap3A_133 : i32 to index
    %swap3A_135 = arith.constant 96 : index
    %swap3A_136 = tpu.vector_load %arg8[%swap3A_134, %swap3A_135] {strides = array<i32>} : memref<80x128xf32, #tpu.memory_space<vmem>>, vector<1x16xf32>,
    %swap3A_137 = vector.shape_cast %swap3A_136 : vector<1x16xf32> to vector<16xf32>
    %swap3A_138 = vector.shape_cast %broadcast_in_dim3A_1 : vector<16xf32> to vector<1x16xf32>
    tpu.vector_store %arg8[%swap3A_134, %swap3A_135], %swap3A_138 {strides = array<i32>} : memref<80x128xf32, #tpu.memory_space<vmem>>, vector<1x16xf32>,
    %swap3A_139 = arith.constant 2 : i32
    %swap3A_140 = arith.index_cast %swap3A_139 : i32 to index
    %swap3A_141 = arith.constant 112 : index
    %swap3A_142 = tpu.vector_load %arg8[%swap3A_140, %swap3A_141] {strides = array<i32>} : memref<80x128xf32, #tpu.memory_space<vmem>>, vector<1x16xf32>,
    %swap3A_143 = vector.shape_cast %swap3A_142 : vector<1x16xf32> to vector<16xf32>
    %swap3A_144 = vector.shape_cast %broadcast_in_dim3A_1 : vector<16xf32> to vector<1x16xf32>
    tpu.vector_store %arg8[%swap3A_140, %swap3A_141], %swap3A_144 {strides = array<i32>} : memref<80x128xf32, #tpu.memory_space<vmem>>, vector<1x16xf32>,
    %swap3A_145 = arith.constant 3 : i32
    %swap3A_146 = arith.index_cast %swap3A_145 : i32 to index
    %swap3A_147 = arith.constant 0 : index
    %swap3A_148 = tpu.vector_load %arg8[%swap3A_146, %swap3A_147] {strides = array<i32>} : memref<80x128xf32, #tpu.memory_space<vmem>>, vector<1x16xf32>,
    %swap3A_149 = vector.shape_cast %swap3A_148 : vector<1x16xf32> to vector<16xf32>
    %swap3A_150 = vector.shape_cast %broadcast_in_dim3A_1 : vector<16xf32> to vector<1x16xf32>
    tpu.vector_store %arg8[%swap3A_146, %swap3A_147], %swap3A_150 {strides = array<i32>} : memref<80x128xf32, #tpu.memory_space<vmem>>, vector<1x16xf32>,
    %swap3A_151 = arith.constant 3 : i32
    %swap3A_152 = arith.index_cast %swap3A_151 : i32 to index
    %swap3A_153 = arith.constant 16 : index
    %swap3A_154 = tpu.vector_load %arg8[%swap3A_152, %swap3A_153] {strides = array<i32>} : memref<80x128xf32, #tpu.memory_space<vmem>>, vector<1x16xf32>,
    %swap3A_155 = vector.shape_cast %swap3A_154 : vector<1x16xf32> to vector<16xf32>
    %swap3A_156 = vector.shape_cast %broadcast_in_dim3A_1 : vector<16xf32> to vector<1x16xf32>
    tpu.vector_store %arg8[%swap3A_152, %swap3A_153], %swap3A_156 {strides = array<i32>} : memref<80x128xf32, #tpu.memory_space<vmem>>, vector<1x16xf32>,
    %swap3A_157 = arith.constant 3 : i32
    %swap3A_158 = arith.index_cast %swap3A_157 : i32 to index
    %swap3A_159 = arith.constant 32 : index
    %swap3A_160 = tpu.vector_load %arg8[%swap3A_158, %swap3A_159] {strides = array<i32>} : memref<80x128xf32, #tpu.memory_space<vmem>>, vector<1x16xf32>,
    %swap3A_161 = vector.shape_cast %swap3A_160 : vector<1x16xf32> to vector<16xf32>
    %swap3A_162 = vector.shape_cast %broadcast_in_dim3A_1 : vector<16xf32> to vector<1x16xf32>
    tpu.vector_store %arg8[%swap3A_158, %swap3A_159], %swap3A_162 {strides = array<i32>} : memref<80x128xf32, #tpu.memory_space<vmem>>, vector<1x16xf32>,
    %swap3A_163 = arith.constant 3 : i32
    %swap3A_164 = arith.index_cast %swap3A_163 : i32 to index
    %swap3A_165 = arith.constant 48 : index
    %swap3A_166 = tpu.vector_load %arg8[%swap3A_164, %swap3A_165] {strides = array<i32>} : memref<80x128xf32, #tpu.memory_space<vmem>>, vector<1x16xf32>,
    %swap3A_167 = vector.shape_cast %swap3A_166 : vector<1x16xf32> to vector<16xf32>
    %swap3A_168 = vector.shape_cast %broadcast_in_dim3A_1 : vector<16xf32> to vector<1x16xf32>
    tpu.vector_store %arg8[%swap3A_164, %swap3A_165], %swap3A_168 {strides = array<i32>} : memref<80x128xf32, #tpu.memory_space<vmem>>, vector<1x16xf32>,
    %swap3A_169 = arith.constant 3 : i32
    %swap3A_170 = arith.index_cast %swap3A_169 : i32 to index
    %swap3A_171 = arith.constant 64 : index
    %swap3A_172 = tpu.vector_load %arg8[%swap3A_170, %swap3A_171] {strides = array<i32>} : memref<80x128xf32, #tpu.memory_space<vmem>>, vector<1x16xf32>,
    %swap3A_173 = vector.shape_cast %swap3A_172 : vector<1x16xf32> to vector<16xf32>
    %swap3A_174 = vector.shape_cast %broadcast_in_dim3A_1 : vector<16xf32> to vector<1x16xf32>
    tpu.vector_store %arg8[%swap3A_170, %swap3A_171], %swap3A_174 {strides = array<i32>} : memref<80x128xf32, #tpu.memory_space<vmem>>, vector<1x16xf32>,
    %swap3A_175 = arith.constant 3 : i32
    %swap3A_176 = arith.index_cast %swap3A_175 : i32 to index
    %swap3A_177 = arith.constant 80 : index
    %swap3A_178 = tpu.vector_load %arg8[%swap3A_176, %swap3A_177] {strides = array<i32>} : memref<80x128xf32, #tpu.memory_space<vmem>>, vector<1x16xf32>,
    %swap3A_179 = vector.shape_cast %swap3A_178 : vector<1x16xf32> to vector<16xf32>
    %swap3A_180 = vector.shape_cast %broadcast_in_dim3A_1 : vector<16xf32> to vector<1x16xf32>
    tpu.vector_store %arg8[%swap3A_176, %swap3A_177], %swap3A_180 {strides = array<i32>} : memref<80x128xf32, #tpu.memory_space<vmem>>, vector<1x16xf32>,
    %swap3A_181 = arith.constant 3 : i32
    %swap3A_182 = arith.index_cast %swap3A_181 : i32 to index
    %swap3A_183 = arith.constant 96 : index
    %swap3A_184 = tpu.vector_load %arg8[%swap3A_182, %swap3A_183] {strides = array<i32>} : memref<80x128xf32, #tpu.memory_space<vmem>>, vector<1x16xf32>,
    %swap3A_185 = vector.shape_cast %swap3A_184 : vector<1x16xf32> to vector<16xf32>
    %swap3A_186 = vector.shape_cast %broadcast_in_dim3A_1 : vector<16xf32> to vector<1x16xf32>
    tpu.vector_store %arg8[%swap3A_182, %swap3A_183], %swap3A_186 {strides = array<i32>} : memref<80x128xf32, #tpu.memory_space<vmem>>, vector<1x16xf32>,
    %swap3A_187 = arith.constant 3 : i32
    %swap3A_188 = arith.index_cast %swap3A_187 : i32 to index
    %swap3A_189 = arith.constant 112 : index
    %swap3A_190 = tpu.vector_load %arg8[%swap3A_188, %swap3A_189] {strides = array<i32>} : memref<80x128xf32, #tpu.memory_space<vmem>>, vector<1x16xf32>,
    %swap3A_191 = vector.shape_cast %swap3A_190 : vector<1x16xf32> to vector<16xf32>
    %swap3A_192 = vector.shape_cast %broadcast_in_dim3A_1 : vector<16xf32> to vector<1x16xf32>
    tpu.vector_store %arg8[%swap3A_188, %swap3A_189], %swap3A_192 {strides = array<i32>} : memref<80x128xf32, #tpu.memory_space<vmem>>, vector<1x16xf32>,
    %swap3A_193 = arith.constant 4 : i32
    %swap3A_194 = arith.index_cast %swap3A_193 : i32 to index
    %swap3A_195 = arith.constant 0 : index
    %swap3A_196 = tpu.vector_load %arg8[%swap3A_194, %swap3A_195] {strides = array<i32>} : memref<80x128xf32, #tpu.memory_space<vmem>>, vector<1x16xf32>,
    %swap3A_197 = vector.shape_cast %swap3A_196 : vector<1x16xf32> to vector<16xf32>
    %swap3A_198 = vector.shape_cast %broadcast_in_dim3A_1 : vector<16xf32> to vector<1x16xf32>
    tpu.vector_store %arg8[%swap3A_194, %swap3A_195], %swap3A_198 {strides = array<i32>} : memref<80x128xf32, #tpu.memory_space<vmem>>, vector<1x16xf32>,
    %swap3A_199 = arith.constant 4 : i32
    %swap3A_200 = arith.index_cast %swap3A_199 : i32 to index
    %swap3A_201 = arith.constant 16 : index
    %swap3A_202 = tpu.vector_load %arg8[%swap3A_200, %swap3A_201] {strides = array<i32>} : memref<80x128xf32, #tpu.memory_space<vmem>>, vector<1x16xf32>,
    %swap3A_203 = vector.shape_cast %swap3A_202 : vector<1x16xf32> to vector<16xf32>
    %swap3A_204 = vector.shape_cast %broadcast_in_dim3A_1 : vector<16xf32> to vector<1x16xf32>
    tpu.vector_store %arg8[%swap3A_200, %swap3A_201], %swap3A_204 {strides = array<i32>} : memref<80x128xf32, #tpu.memory_space<vmem>>, vector<1x16xf32>,
    %swap3A_205 = arith.constant 4 : i32
    %swap3A_206 = arith.index_cast %swap3A_205 : i32 to index
    %swap3A_207 = arith.constant 32 : index
    %swap3A_208 = tpu.vector_load %arg8[%swap3A_206, %swap3A_207] {strides = array<i32>} : memref<80x128xf32, #tpu.memory_space<vmem>>, vector<1x16xf32>,
    %swap3A_209 = vector.shape_cast %swap3A_208 : vector<1x16xf32> to vector<16xf32>
    %swap3A_210 = vector.shape_cast %broadcast_in_dim3A_1 : vector<16xf32> to vector<1x16xf32>
    tpu.vector_store %arg8[%swap3A_206, %swap3A_207], %swap3A_210 {strides = array<i32>} : memref<80x128xf32, #tpu.memory_space<vmem>>, vector<1x16xf32>,
    %swap3A_211 = arith.constant 4 : i32
    %swap3A_212 = arith.index_cast %swap3A_211 : i32 to index
    %swap3A_213 = arith.constant 48 : index
    %swap3A_214 = tpu.vector_load %arg8[%swap3A_212, %swap3A_213] {strides = array<i32>} : memref<80x128xf32, #tpu.memory_space<vmem>>, vector<1x16xf32>,
    %swap3A_215 = vector.shape_cast %swap3A_214 : vector<1x16xf32> to vector<16xf32>
    %swap3A_216 = vector.shape_cast %broadcast_in_dim3A_1 : vector<16xf32> to vector<1x16xf32>
    tpu.vector_store %arg8[%swap3A_212, %swap3A_213], %swap3A_216 {strides = array<i32>} : memref<80x128xf32, #tpu.memory_space<vmem>>, vector<1x16xf32>,
    %swap3A_217 = arith.constant 4 : i32
    %swap3A_218 = arith.index_cast %swap3A_217 : i32 to index
    %swap3A_219 = arith.constant 64 : index
    %swap3A_220 = tpu.vector_load %arg8[%swap3A_218, %swap3A_219] {strides = array<i32>} : memref<80x128xf32, #tpu.memory_space<vmem>>, vector<1x16xf32>,
    %swap3A_221 = vector.shape_cast %swap3A_220 : vector<1x16xf32> to vector<16xf32>
    %swap3A_222 = vector.shape_cast %broadcast_in_dim3A_1 : vector<16xf32> to vector<1x16xf32>
    tpu.vector_store %arg8[%swap3A_218, %swap3A_219], %swap3A_222 {strides = array<i32>} : memref<80x128xf32, #tpu.memory_space<vmem>>, vector<1x16xf32>,
    %swap3A_223 = arith.constant 4 : i32
    %swap3A_224 = arith.index_cast %swap3A_223 : i32 to index
    %swap3A_225 = arith.constant 80 : index
    %swap3A_226 = tpu.vector_load %arg8[%swap3A_224, %swap3A_225] {strides = array<i32>} : memref<80x128xf32, #tpu.memory_space<vmem>>, vector<1x16xf32>,
    %swap3A_227 = vector.shape_cast %swap3A_226 : vector<1x16xf32> to vector<16xf32>
    %swap3A_228 = vector.shape_cast %broadcast_in_dim3A_1 : vector<16xf32> to vector<1x16xf32>
    tpu.vector_store %arg8[%swap3A_224, %swap3A_225], %swap3A_228 {strides = array<i32>} : memref<80x128xf32, #tpu.memory_space<vmem>>, vector<1x16xf32>,
    %swap3A_229 = arith.constant 4 : i32
    %swap3A_230 = arith.index_cast %swap3A_229 : i32 to index
    %swap3A_231 = arith.constant 96 : index
    %swap3A_232 = tpu.vector_load %arg8[%swap3A_230, %swap3A_231] {strides = array<i32>} : memref<80x128xf32, #tpu.memory_space<vmem>>, vector<1x16xf32>,
    %swap3A_233 = vector.shape_cast %swap3A_232 : vector<1x16xf32> to vector<16xf32>
    %swap3A_234 = vector.shape_cast %broadcast_in_dim3A_1 : vector<16xf32> to vector<1x16xf32>
    tpu.vector_store %arg8[%swap3A_230, %swap3A_231], %swap3A_234 {strides = array<i32>} : memref<80x128xf32, #tpu.memory_space<vmem>>, vector<1x16xf32>,
    %swap3A_235 = arith.constant 4 : i32
    %swap3A_236 = arith.index_cast %swap3A_235 : i32 to index
    %swap3A_237 = arith.constant 112 : index
    %swap3A_238 = tpu.vector_load %arg8[%swap3A_236, %swap3A_237] {strides = array<i32>} : memref<80x128xf32, #tpu.memory_space<vmem>>, vector<1x16xf32>,
    %swap3A_239 = vector.shape_cast %swap3A_238 : vector<1x16xf32> to vector<16xf32>
    %swap3A_240 = vector.shape_cast %broadcast_in_dim3A_1 : vector<16xf32> to vector<1x16xf32>
    tpu.vector_store %arg8[%swap3A_236, %swap3A_237], %swap3A_240 {strides = array<i32>} : memref<80x128xf32, #tpu.memory_space<vmem>>, vector<1x16xf32>,
    %swap3A_241 = arith.constant 5 : i32
    %swap3A_242 = arith.index_cast %swap3A_241 : i32 to index
    %swap3A_243 = arith.constant 0 : index
    %swap3A_244 = tpu.vector_load %arg8[%swap3A_242, %swap3A_243] {strides = array<i32>} : memref<80x128xf32, #tpu.memory_space<vmem>>, vector<1x16xf32>,
    %swap3A_245 = vector.shape_cast %swap3A_244 : vector<1x16xf32> to vector<16xf32>
    %swap3A_246 = vector.shape_cast %broadcast_in_dim3A_1 : vector<16xf32> to vector<1x16xf32>
    tpu.vector_store %arg8[%swap3A_242, %swap3A_243], %swap3A_246 {strides = array<i32>} : memref<80x128xf32, #tpu.memory_space<vmem>>, vector<1x16xf32>,
    %swap3A_247 = arith.constant 5 : i32
    %swap3A_248 = arith.index_cast %swap3A_247 : i32 to index
    %swap3A_249 = arith.constant 16 : index
    %swap3A_250 = tpu.vector_load %arg8[%swap3A_248, %swap3A_249] {strides = array<i32>} : memref<80x128xf32, #tpu.memory_space<vmem>>, vector<1x16xf32>,
    %swap3A_251 = vector.shape_cast %swap3A_250 : vector<1x16xf32> to vector<16xf32>
    %swap3A_252 = vector.shape_cast %broadcast_in_dim3A_1 : vector<16xf32> to vector<1x16xf32>
    tpu.vector_store %arg8[%swap3A_248, %swap3A_249], %swap3A_252 {strides = array<i32>} : memref<80x128xf32, #tpu.memory_space<vmem>>, vector<1x16xf32>,
    %swap3A_253 = arith.constant 5 : i32
    %swap3A_254 = arith.index_cast %swap3A_253 : i32 to index
    %swap3A_255 = arith.constant 32 : index
    %swap3A_256 = tpu.vector_load %arg8[%swap3A_254, %swap3A_255] {strides = array<i32>} : memref<80x128xf32, #tpu.memory_space<vmem>>, vector<1x16xf32>,
    %swap3A_257 = vector.shape_cast %swap3A_256 : vector<1x16xf32> to vector<16xf32>
    %swap3A_258 = vector.shape_cast %broadcast_in_dim3A_1 : vector<16xf32> to vector<1x16xf32>
    tpu.vector_store %arg8[%swap3A_254, %swap3A_255], %swap3A_258 {strides = array<i32>} : memref<80x128xf32, #tpu.memory_space<vmem>>, vector<1x16xf32>,
    %swap3A_259 = arith.constant 5 : i32
    %swap3A_260 = arith.index_cast %swap3A_259 : i32 to index
    %swap3A_261 = arith.constant 48 : index
    %swap3A_262 = tpu.vector_load %arg8[%swap3A_260, %swap3A_261] {strides = array<i32>} : memref<80x128xf32, #tpu.memory_space<vmem>>, vector<1x16xf32>,
    %swap3A_263 = vector.shape_cast %swap3A_262 : vector<1x16xf32> to vector<16xf32>
    %swap3A_264 = vector.shape_cast %broadcast_in_dim3A_1 : vector<16xf32> to vector<1x16xf32>
    tpu.vector_store %arg8[%swap3A_260, %swap3A_261], %swap3A_264 {strides = array<i32>} : memref<80x128xf32, #tpu.memory_space<vmem>>, vector<1x16xf32>,
    %swap3A_265 = arith.constant 5 : i32
    %swap3A_266 = arith.index_cast %swap3A_265 : i32 to index
    %swap3A_267 = arith.constant 64 : index
    %swap3A_268 = tpu.vector_load %arg8[%swap3A_266, %swap3A_267] {strides = array<i32>} : memref<80x128xf32, #tpu.memory_space<vmem>>, vector<1x16xf32>,
    %swap3A_269 = vector.shape_cast %swap3A_268 : vector<1x16xf32> to vector<16xf32>
    %swap3A_270 = vector.shape_cast %broadcast_in_dim3A_1 : vector<16xf32> to vector<1x16xf32>
    tpu.vector_store %arg8[%swap3A_266, %swap3A_267], %swap3A_270 {strides = array<i32>} : memref<80x128xf32, #tpu.memory_space<vmem>>, vector<1x16xf32>,
    %swap3A_271 = arith.constant 5 : i32
    %swap3A_272 = arith.index_cast %swap3A_271 : i32 to index
    %swap3A_273 = arith.constant 80 : index
    %swap3A_274 = tpu.vector_load %arg8[%swap3A_272, %swap3A_273] {strides = array<i32>} : memref<80x128xf32, #tpu.memory_space<vmem>>, vector<1x16xf32>,
    %swap3A_275 = vector.shape_cast %swap3A_274 : vector<1x16xf32> to vector<16xf32>
    %swap3A_276 = vector.shape_cast %broadcast_in_dim3A_1 : vector<16xf32> to vector<1x16xf32>
    tpu.vector_store %arg8[%swap3A_272, %swap3A_273], %swap3A_276 {strides = array<i32>} : memref<80x128xf32, #tpu.memory_space<vmem>>, vector<1x16xf32>,
    %swap3A_277 = arith.constant 5 : i32
    %swap3A_278 = arith.index_cast %swap3A_277 : i32 to index
    %swap3A_279 = arith.constant 96 : index
    %swap3A_280 = tpu.vector_load %arg8[%swap3A_278, %swap3A_279] {strides = array<i32>} : memref<80x128xf32, #tpu.memory_space<vmem>>, vector<1x16xf32>,
    %swap3A_281 = vector.shape_cast %swap3A_280 : vector<1x16xf32> to vector<16xf32>
    %swap3A_282 = vector.shape_cast %broadcast_in_dim3A_1 : vector<16xf32> to vector<1x16xf32>
    tpu.vector_store %arg8[%swap3A_278, %swap3A_279], %swap3A_282 {strides = array<i32>} : memref<80x128xf32, #tpu.memory_space<vmem>>, vector<1x16xf32>,
    %swap3A_283 = arith.constant 5 : i32
    %swap3A_284 = arith.index_cast %swap3A_283 : i32 to index
    %swap3A_285 = arith.constant 112 : index
    %swap3A_286 = tpu.vector_load %arg8[%swap3A_284, %swap3A_285] {strides = array<i32>} : memref<80x128xf32, #tpu.memory_space<vmem>>, vector<1x16xf32>,
    %swap3A_287 = vector.shape_cast %swap3A_286 : vector<1x16xf32> to vector<16xf32>
    %swap3A_288 = vector.shape_cast %broadcast_in_dim3A_1 : vector<16xf32> to vector<1x16xf32>
    tpu.vector_store %arg8[%swap3A_284, %swap3A_285], %swap3A_288 {strides = array<i32>} : memref<80x128xf32, #tpu.memory_space<vmem>>, vector<1x16xf32>,
    %swap3A_289 = arith.constant 6 : i32
    %swap3A_290 = arith.index_cast %swap3A_289 : i32 to index
    %swap3A_291 = arith.constant 0 : index
    %swap3A_292 = tpu.vector_load %arg8[%swap3A_290, %swap3A_291] {strides = array<i32>} : memref<80x128xf32, #tpu.memory_space<vmem>>, vector<1x16xf32>,
    %swap3A_293 = vector.shape_cast %swap3A_292 : vector<1x16xf32> to vector<16xf32>
    %swap3A_294 = vector.shape_cast %broadcast_in_dim3A_1 : vector<16xf32> to vector<1x16xf32>
    tpu.vector_store %arg8[%swap3A_290, %swap3A_291], %swap3A_294 {strides = array<i32>} : memref<80x128xf32, #tpu.memory_space<vmem>>, vector<1x16xf32>,
    %swap3A_295 = arith.constant 6 : i32
    %swap3A_296 = arith.index_cast %swap3A_295 : i32 to index
    %swap3A_297 = arith.constant 16 : index
    %swap3A_298 = tpu.vector_load %arg8[%swap3A_296, %swap3A_297] {strides = array<i32>} : memref<80x128xf32, #tpu.memory_space<vmem>>, vector<1x16xf32>,
    %swap3A_299 = vector.shape_cast %swap3A_298 : vector<1x16xf32> to vector<16xf32>
    %swap3A_300 = vector.shape_cast %broadcast_in_dim3A_1 : vector<16xf32> to vector<1x16xf32>
    tpu.vector_store %arg8[%swap3A_296, %swap3A_297], %swap3A_300 {strides = array<i32>} : memref<80x128xf32, #tpu.memory_space<vmem>>, vector<1x16xf32>,
    %swap3A_301 = arith.constant 6 : i32
    %swap3A_302 = arith.index_cast %swap3A_301 : i32 to index
    %swap3A_303 = arith.constant 32 : index
    %swap3A_304 = tpu.vector_load %arg8[%swap3A_302, %swap3A_303] {strides = array<i32>} : memref<80x128xf32, #tpu.memory_space<vmem>>, vector<1x16xf32>,
    %swap3A_305 = vector.shape_cast %swap3A_304 : vector<1x16xf32> to vector<16xf32>
    %swap3A_306 = vector.shape_cast %broadcast_in_dim3A_1 : vector<16xf32> to vector<1x16xf32>
    tpu.vector_store %arg8[%swap3A_302, %swap3A_303], %swap3A_306 {strides = array<i32>} : memref<80x128xf32, #tpu.memory_space<vmem>>, vector<1x16xf32>,
    %swap3A_307 = arith.constant 6 : i32
    %swap3A_308 = arith.index_cast %swap3A_307 : i32 to index
    %swap3A_309 = arith.constant 48 : index
    %swap3A_310 = tpu.vector_load %arg8[%swap3A_308, %swap3A_309] {strides = array<i32>} : memref<80x128xf32, #tpu.memory_space<vmem>>, vector<1x16xf32>,
    %swap3A_311 = vector.shape_cast %swap3A_310 : vector<1x16xf32> to vector<16xf32>
    %swap3A_312 = vector.shape_cast %broadcast_in_dim3A_1 : vector<16xf32> to vector<1x16xf32>
    tpu.vector_store %arg8[%swap3A_308, %swap3A_309], %swap3A_312 {strides = array<i32>} : memref<80x128xf32, #tpu.memory_space<vmem>>, vector<1x16xf32>,
    %swap3A_313 = arith.constant 6 : i32
    %swap3A_314 = arith.index_cast %swap3A_313 : i32 to index
    %swap3A_315 = arith.constant 64 : index
    %swap3A_316 = tpu.vector_load %arg8[%swap3A_314, %swap3A_315] {strides = array<i32>} : memref<80x128xf32, #tpu.memory_space<vmem>>, vector<1x16xf32>,
    %swap3A_317 = vector.shape_cast %swap3A_316 : vector<1x16xf32> to vector<16xf32>
    %swap3A_318 = vector.shape_cast %broadcast_in_dim3A_1 : vector<16xf32> to vector<1x16xf32>
    tpu.vector_store %arg8[%swap3A_314, %swap3A_315], %swap3A_318 {strides = array<i32>} : memref<80x128xf32, #tpu.memory_space<vmem>>, vector<1x16xf32>,
    %swap3A_319 = arith.constant 6 : i32
    %swap3A_320 = arith.index_cast %swap3A_319 : i32 to index
    %swap3A_321 = arith.constant 80 : index
    %swap3A_322 = tpu.vector_load %arg8[%swap3A_320, %swap3A_321] {strides = array<i32>} : memref<80x128xf32, #tpu.memory_space<vmem>>, vector<1x16xf32>,
    %swap3A_323 = vector.shape_cast %swap3A_322 : vector<1x16xf32> to vector<16xf32>
    %swap3A_324 = vector.shape_cast %broadcast_in_dim3A_1 : vector<16xf32> to vector<1x16xf32>
    tpu.vector_store %arg8[%swap3A_320, %swap3A_321], %swap3A_324 {strides = array<i32>} : memref<80x128xf32, #tpu.memory_space<vmem>>, vector<1x16xf32>,
    %swap3A_325 = arith.constant 6 : i32
    %swap3A_326 = arith.index_cast %swap3A_325 : i32 to index
    %swap3A_327 = arith.constant 96 : index
    %swap3A_328 = tpu.vector_load %arg8[%swap3A_326, %swap3A_327] {strides = array<i32>} : memref<80x128xf32, #tpu.memory_space<vmem>>, vector<1x16xf32>,
    %swap3A_329 = vector.shape_cast %swap3A_328 : vector<1x16xf32> to vector<16xf32>
    %swap3A_330 = vector.shape_cast %broadcast_in_dim3A_1 : vector<16xf32> to vector<1x16xf32>
    tpu.vector_store %arg8[%swap3A_326, %swap3A_327], %swap3A_330 {strides = array<i32>} : memref<80x128xf32, #tpu.memory_space<vmem>>, vector<1x16xf32>,
    %swap3A_331 = arith.constant 6 : i32
    %swap3A_332 = arith.index_cast %swap3A_331 : i32 to index
    %swap3A_333 = arith.constant 112 : index
    %swap3A_334 = tpu.vector_load %arg8[%swap3A_332, %swap3A_333] {strides = array<i32>} : memref<80x128xf32, #tpu.memory_space<vmem>>, vector<1x16xf32>,
    %swap3A_335 = vector.shape_cast %swap3A_334 : vector<1x16xf32> to vector<16xf32>
    %swap3A_336 = vector.shape_cast %broadcast_in_dim3A_1 : vector<16xf32> to vector<1x16xf32>
    tpu.vector_store %arg8[%swap3A_332, %swap3A_333], %swap3A_336 {strides = array<i32>} : memref<80x128xf32, #tpu.memory_space<vmem>>, vector<1x16xf32>,
    %swap3A_337 = arith.constant 7 : i32
    %swap3A_338 = arith.index_cast %swap3A_337 : i32 to index
    %swap3A_339 = arith.constant 0 : index
    %swap3A_340 = tpu.vector_load %arg8[%swap3A_338, %swap3A_339] {strides = array<i32>} : memref<80x128xf32, #tpu.memory_space<vmem>>, vector<1x16xf32>,
    %swap3A_341 = vector.shape_cast %swap3A_340 : vector<1x16xf32> to vector<16xf32>
    %swap3A_342 = vector.shape_cast %broadcast_in_dim3A_1 : vector<16xf32> to vector<1x16xf32>
    tpu.vector_store %arg8[%swap3A_338, %swap3A_339], %swap3A_342 {strides = array<i32>} : memref<80x128xf32, #tpu.memory_space<vmem>>, vector<1x16xf32>,
    %swap3A_343 = arith.constant 7 : i32
    %swap3A_344 = arith.index_cast %swap3A_343 : i32 to index
    %swap3A_345 = arith.constant 16 : index
    %swap3A_346 = tpu.vector_load %arg8[%swap3A_344, %swap3A_345] {strides = array<i32>} : memref<80x128xf32, #tpu.memory_space<vmem>>, vector<1x16xf32>,
    %swap3A_347 = vector.shape_cast %swap3A_346 : vector<1x16xf32> to vector<16xf32>
    %swap3A_348 = vector.shape_cast %broadcast_in_dim3A_1 : vector<16xf32> to vector<1x16xf32>
    tpu.vector_store %arg8[%swap3A_344, %swap3A_345], %swap3A_348 {strides = array<i32>} : memref<80x128xf32, #tpu.memory_space<vmem>>, vector<1x16xf32>,
    %swap3A_349 = arith.constant 7 : i32
    %swap3A_350 = arith.index_cast %swap3A_349 : i32 to index
    %swap3A_351 = arith.constant 32 : index
    %swap3A_352 = tpu.vector_load %arg8[%swap3A_350, %swap3A_351] {strides = array<i32>} : memref<80x128xf32, #tpu.memory_space<vmem>>, vector<1x16xf32>,
    %swap3A_353 = vector.shape_cast %swap3A_352 : vector<1x16xf32> to vector<16xf32>
    %swap3A_354 = vector.shape_cast %broadcast_in_dim3A_1 : vector<16xf32> to vector<1x16xf32>
    tpu.vector_store %arg8[%swap3A_350, %swap3A_351], %swap3A_354 {strides = array<i32>} : memref<80x128xf32, #tpu.memory_space<vmem>>, vector<1x16xf32>,
    %swap3A_355 = arith.constant 7 : i32
    %swap3A_356 = arith.index_cast %swap3A_355 : i32 to index
    %swap3A_357 = arith.constant 48 : index
    %swap3A_358 = tpu.vector_load %arg8[%swap3A_356, %swap3A_357] {strides = array<i32>} : memref<80x128xf32, #tpu.memory_space<vmem>>, vector<1x16xf32>,
    %swap3A_359 = vector.shape_cast %swap3A_358 : vector<1x16xf32> to vector<16xf32>
    %swap3A_360 = vector.shape_cast %broadcast_in_dim3A_1 : vector<16xf32> to vector<1x16xf32>
    tpu.vector_store %arg8[%swap3A_356, %swap3A_357], %swap3A_360 {strides = array<i32>} : memref<80x128xf32, #tpu.memory_space<vmem>>, vector<1x16xf32>,
    %swap3A_361 = arith.constant 7 : i32
    %swap3A_362 = arith.index_cast %swap3A_361 : i32 to index
    %swap3A_363 = arith.constant 64 : index
    %swap3A_364 = tpu.vector_load %arg8[%swap3A_362, %swap3A_363] {strides = array<i32>} : memref<80x128xf32, #tpu.memory_space<vmem>>, vector<1x16xf32>,
    %swap3A_365 = vector.shape_cast %swap3A_364 : vector<1x16xf32> to vector<16xf32>
    %swap3A_366 = vector.shape_cast %broadcast_in_dim3A_1 : vector<16xf32> to vector<1x16xf32>
    tpu.vector_store %arg8[%swap3A_362, %swap3A_363], %swap3A_366 {strides = array<i32>} : memref<80x128xf32, #tpu.memory_space<vmem>>, vector<1x16xf32>,
    %swap3A_367 = arith.constant 7 : i32
    %swap3A_368 = arith.index_cast %swap3A_367 : i32 to index
    %swap3A_369 = arith.constant 80 : index
    %swap3A_370 = tpu.vector_load %arg8[%swap3A_368, %swap3A_369] {strides = array<i32>} : memref<80x128xf32, #tpu.memory_space<vmem>>, vector<1x16xf32>,
    %swap3A_371 = vector.shape_cast %swap3A_370 : vector<1x16xf32> to vector<16xf32>
    %swap3A_372 = vector.shape_cast %broadcast_in_dim3A_1 : vector<16xf32> to vector<1x16xf32>
    tpu.vector_store %arg8[%swap3A_368, %swap3A_369], %swap3A_372 {strides = array<i32>} : memref<80x128xf32, #tpu.memory_space<vmem>>, vector<1x16xf32>,
    %swap3A_373 = arith.constant 7 : i32
    %swap3A_374 = arith.index_cast %swap3A_373 : i32 to index
    %swap3A_375 = arith.constant 96 : index
    %swap3A_376 = tpu.vector_load %arg8[%swap3A_374, %swap3A_375] {strides = array<i32>} : memref<80x128xf32, #tpu.memory_space<vmem>>, vector<1x16xf32>,
    %swap3A_377 = vector.shape_cast %swap3A_376 : vector<1x16xf32> to vector<16xf32>
    %swap3A_378 = vector.shape_cast %broadcast_in_dim3A_1 : vector<16xf32> to vector<1x16xf32>
    tpu.vector_store %arg8[%swap3A_374, %swap3A_375], %swap3A_378 {strides = array<i32>} : memref<80x128xf32, #tpu.memory_space<vmem>>, vector<1x16xf32>,
    %swap3A_379 = arith.constant 7 : i32
    %swap3A_380 = arith.index_cast %swap3A_379 : i32 to index
    %swap3A_381 = arith.constant 112 : index
    %swap3A_382 = tpu.vector_load %arg8[%swap3A_380, %swap3A_381] {strides = array<i32>} : memref<80x128xf32, #tpu.memory_space<vmem>>, vector<1x16xf32>,
    %swap3A_383 = vector.shape_cast %swap3A_382 : vector<1x16xf32> to vector<16xf32>
    %swap3A_384 = vector.shape_cast %broadcast_in_dim3A_1 : vector<16xf32> to vector<1x16xf32>
    tpu.vector_store %arg8[%swap3A_380, %swap3A_381], %swap3A_384 {strides = array<i32>} : memref<80x128xf32, #tpu.memory_space<vmem>>, vector<1x16xf32>,
    %scan3A = arith.constant 0 : i32
    %scan3A_385 = arith.constant 0 : i32
    %scan3A_386 = arith.constant 78 : i32
    %scan3A_387 = arith.addi %scan3A_385, %scan3A_386 : i32
    %scan3A_388 = arith.constant 1 : i32
    scf.for %scan3A_466 = %scan3A_385 to %scan3A_387 step %scan3A_388  : i32 {
      %mul3A_467 = arith.constant 625 : i32
      %mul3A_468 = arith.muli %arg1, %mul3A_467 : i32
      %mul3A_469 = arith.constant 8 : i32
      %mul3A_470 = arith.muli %scan3A_466, %mul3A_469 : i32
      %add3A_471 = arith.addi %mul3A_468, %mul3A_470 : i32
      "tpu.region"() ({
        %run_scoped3A = tpu.sem_alloc : memref<!tpu.dma_semaphore, #tpu.memory_space<semaphore_mem>>
        %dma_start3A_472 = arith.constant 0 : i32
        %dma_start3A_473 = arith.constant 0 : i32
        %dma_start3A_474 = tpu.memref_slice %arg8[%dma_start3A_472, %dma_start3A_473] : memref<80x128xf32, #tpu.memory_space<vmem>> -> memref<8x128xf32, #tpu.memory_space<vmem>>
        %dma_start3A_475 = arith.constant 0 : i32
        %dma_start3A_476 = tpu.memref_slice %arg11[%add3A_471, %dma_start3A_475] : memref<10000x128xf32, #tpu.memory_space<vmem_shared>> -> memref<8x128xf32, #tpu.memory_space<vmem_shared>>
        %dma_start3A_477 = arith.constant 0 : i32
        %dma_start3A_478 = tpu.memref_slice %arg11[%add3A_471, %dma_start3A_477] : memref<10000x128xf32, #tpu.memory_space<vmem_shared>> -> memref<8x128xf32, #tpu.memory_space<vmem_shared>>
        %dma_start3A_479 = arith.constant 0 : i32
        %dma_start3A_480 = arith.constant 0 : i32
        %dma_start3A_481 = tpu.memref_slice %arg8[%dma_start3A_479, %dma_start3A_480] : memref<80x128xf32, #tpu.memory_space<vmem>> -> memref<8x128xf32, #tpu.memory_space<vmem>>
        tpu.enqueue_dma source(%dma_start3A_481 : memref<8x128xf32, #tpu.memory_space<vmem>>) target(%dma_start3A_478 : memref<8x128xf32, #tpu.memory_space<vmem_shared>>) target_semaphore(%run_scoped3A : memref<!tpu.dma_semaphore, #tpu.memory_space<semaphore_mem>>)
        %dma_wait3A_482 = arith.constant 0 : i32
        %dma_wait3A_483 = arith.constant 0 : i32
        %dma_wait3A_484 = tpu.memref_slice %arg8[%dma_wait3A_482, %dma_wait3A_483] : memref<80x128xf32, #tpu.memory_space<vmem>> -> memref<8x128xf32, #tpu.memory_space<vmem>>
        %dma_wait3A_485 = arith.constant 0 : i32
        %dma_wait3A_486 = tpu.memref_slice %arg11[%add3A_471, %dma_wait3A_485] : memref<10000x128xf32, #tpu.memory_space<vmem_shared>> -> memref<8x128xf32, #tpu.memory_space<vmem_shared>>
        %dma_wait3A_487 = arith.constant 0 : i32
        %dma_wait3A_488 = tpu.memref_slice %arg11[%add3A_471, %dma_wait3A_487] : memref<10000x128xf32, #tpu.memory_space<vmem_shared>> -> memref<8x128xf32, #tpu.memory_space<vmem_shared>>
        %dma_wait3A_489 = arith.constant 0 : i32
        %dma_wait3A_490 = arith.constant 0 : i32
        %dma_wait3A_491 = tpu.memref_slice %arg8[%dma_wait3A_489, %dma_wait3A_490] : memref<80x128xf32, #tpu.memory_space<vmem>> -> memref<8x128xf32, #tpu.memory_space<vmem>>
        tpu.wait_dma2 semaphore(%run_scoped3A : memref<!tpu.dma_semaphore, #tpu.memory_space<semaphore_mem>>) src(%dma_wait3A_491 : memref<8x128xf32, #tpu.memory_space<vmem>>) dst(%dma_wait3A_488 : memref<8x128xf32, #tpu.memory_space<vmem_shared>>)
        tpu.yield
      }) : () -> ()
    }
    %scan3A_389 = arith.constant 78 : i32
    %mul3A_390 = arith.constant 625 : i32
    %mul3A_391 = arith.muli %arg1, %mul3A_390 : i32
    %add3A_392 = arith.constant 624 : i32
    %add3A_393 = arith.addi %mul3A_391, %add3A_392 : i32
    "tpu.region"() ({
      %run_scoped3A = tpu.sem_alloc : memref<!tpu.dma_semaphore, #tpu.memory_space<semaphore_mem>>
      %dma_start3A_466 = arith.constant 0 : i32
      %dma_start3A_467 = arith.constant 0 : i32
      %dma_start3A_468 = tpu.memref_slice %arg8[%dma_start3A_466, %dma_start3A_467] : memref<80x128xf32, #tpu.memory_space<vmem>> -> memref<1x128xf32, #tpu.memory_space<vmem>>
      %dma_start3A_469 = arith.constant 0 : i32
      %dma_start3A_470 = tpu.memref_slice %arg11[%add3A_393, %dma_start3A_469] : memref<10000x128xf32, #tpu.memory_space<vmem_shared>> -> memref<1x128xf32, #tpu.memory_space<vmem_shared>>
      %dma_start3A_471 = arith.constant 0 : i32
      %dma_start3A_472 = tpu.memref_slice %arg11[%add3A_393, %dma_start3A_471] : memref<10000x128xf32, #tpu.memory_space<vmem_shared>> -> memref<1x128xf32, #tpu.memory_space<vmem_shared>>
      %dma_start3A_473 = arith.constant 0 : i32
      %dma_start3A_474 = arith.constant 0 : i32
      %dma_start3A_475 = tpu.memref_slice %arg8[%dma_start3A_473, %dma_start3A_474] : memref<80x128xf32, #tpu.memory_space<vmem>> -> memref<1x128xf32, #tpu.memory_space<vmem>>
      tpu.enqueue_dma source(%dma_start3A_475 : memref<1x128xf32, #tpu.memory_space<vmem>>) target(%dma_start3A_472 : memref<1x128xf32, #tpu.memory_space<vmem_shared>>) target_semaphore(%run_scoped3A : memref<!tpu.dma_semaphore, #tpu.memory_space<semaphore_mem>>)
      %dma_wait3A_476 = arith.constant 0 : i32
      %dma_wait3A_477 = arith.constant 0 : i32
      %dma_wait3A_478 = tpu.memref_slice %arg8[%dma_wait3A_476, %dma_wait3A_477] : memref<80x128xf32, #tpu.memory_space<vmem>> -> memref<1x128xf32, #tpu.memory_space<vmem>>
      %dma_wait3A_479 = arith.constant 0 : i32
      %dma_wait3A_480 = tpu.memref_slice %arg11[%add3A_393, %dma_wait3A_479] : memref<10000x128xf32, #tpu.memory_space<vmem_shared>> -> memref<1x128xf32, #tpu.memory_space<vmem_shared>>
      %dma_wait3A_481 = arith.constant 0 : i32
      %dma_wait3A_482 = tpu.memref_slice %arg11[%add3A_393, %dma_wait3A_481] : memref<10000x128xf32, #tpu.memory_space<vmem_shared>> -> memref<1x128xf32, #tpu.memory_space<vmem_shared>>
      %dma_wait3A_483 = arith.constant 0 : i32
      %dma_wait3A_484 = arith.constant 0 : i32
      %dma_wait3A_485 = tpu.memref_slice %arg8[%dma_wait3A_483, %dma_wait3A_484] : memref<80x128xf32, #tpu.memory_space<vmem>> -> memref<1x128xf32, #tpu.memory_space<vmem>>
      tpu.wait_dma2 semaphore(%run_scoped3A : memref<!tpu.dma_semaphore, #tpu.memory_space<semaphore_mem>>) src(%dma_wait3A_485 : memref<1x128xf32, #tpu.memory_space<vmem>>) dst(%dma_wait3A_482 : memref<1x128xf32, #tpu.memory_space<vmem_shared>>)
      tpu.yield
    }) : () -> ()
    "tpu.region"() ({
      %run_scoped3A = tpu.sem_alloc : memref<!tpu.dma_semaphore, #tpu.memory_space<semaphore_mem>>
      %dma_start3A_466 = arith.constant 0 : i32
      %dma_start3A_467 = arith.constant 0 : i32
      %dma_start3A_468 = tpu.memref_slice %arg3[%add3A, %dma_start3A_466, %dma_start3A_467] : memref<32x125x80xi32, #tpu.memory_space<hbm>> -> memref<1x125x80xi32, #tpu.memory_space<hbm>>
      %dma_start3A_469 = tpu.memref_squeeze %dma_start3A_468 : memref<1x125x80xi32, #tpu.memory_space<hbm>> -> memref<125x80xi32, #tpu.memory_space<hbm>>
      %dma_start3A_470 = arith.constant 0 : i32
      %dma_start3A_471 = arith.constant 0 : i32
      %dma_start3A_472 = tpu.memref_slice %arg3[%add3A, %dma_start3A_470, %dma_start3A_471] : memref<32x125x80xi32, #tpu.memory_space<hbm>> -> memref<1x125x80xi32, #tpu.memory_space<hbm>>
      %dma_start3A_473 = tpu.memref_squeeze %dma_start3A_472 : memref<1x125x80xi32, #tpu.memory_space<hbm>> -> memref<125x80xi32, #tpu.memory_space<hbm>>
      tpu.enqueue_dma source(%dma_start3A_473 : memref<125x80xi32, #tpu.memory_space<hbm>>) target(%arg6 : memref<125x80xi32, #tpu.memory_space<vmem>>) target_semaphore(%run_scoped3A : memref<!tpu.dma_semaphore, #tpu.memory_space<semaphore_mem>>)
      %dma_wait3A_474 = arith.constant 0 : i32
      %dma_wait3A_475 = arith.constant 0 : i32
      %dma_wait3A_476 = tpu.memref_slice %arg3[%add3A, %dma_wait3A_474, %dma_wait3A_475] : memref<32x125x80xi32, #tpu.memory_space<hbm>> -> memref<1x125x80xi32, #tpu.memory_space<hbm>>
      %dma_wait3A_477 = tpu.memref_squeeze %dma_wait3A_476 : memref<1x125x80xi32, #tpu.memory_space<hbm>> -> memref<125x80xi32, #tpu.memory_space<hbm>>
      %dma_wait3A_478 = arith.constant 0 : i32
      %dma_wait3A_479 = arith.constant 0 : i32
      %dma_wait3A_480 = tpu.memref_slice %arg3[%add3A, %dma_wait3A_478, %dma_wait3A_479] : memref<32x125x80xi32, #tpu.memory_space<hbm>> -> memref<1x125x80xi32, #tpu.memory_space<hbm>>
      %dma_wait3A_481 = tpu.memref_squeeze %dma_wait3A_480 : memref<1x125x80xi32, #tpu.memory_space<hbm>> -> memref<125x80xi32, #tpu.memory_space<hbm>>
      tpu.wait_dma2 semaphore(%run_scoped3A : memref<!tpu.dma_semaphore, #tpu.memory_space<semaphore_mem>>) src(%dma_wait3A_481 : memref<125x80xi32, #tpu.memory_space<hbm>>) dst(%arg6 : memref<125x80xi32, #tpu.memory_space<vmem>>)
      tpu.yield
    }) : () -> ()
    "tpu.region"() ({
      %run_scoped3A = tpu.sem_alloc : memref<!tpu.dma_semaphore, #tpu.memory_space<semaphore_mem>>
      %dma_start3A_466 = arith.constant 0 : i32
      %dma_start3A_467 = arith.constant 0 : i32
      %dma_start3A_468 = tpu.memref_slice %arg4[%add3A, %dma_start3A_466, %dma_start3A_467] : memref<32x125x80xi32, #tpu.memory_space<hbm>> -> memref<1x125x80xi32, #tpu.memory_space<hbm>>
      %dma_start3A_469 = tpu.memref_squeeze %dma_start3A_468 : memref<1x125x80xi32, #tpu.memory_space<hbm>> -> memref<125x80xi32, #tpu.memory_space<hbm>>
      %dma_start3A_470 = arith.constant 0 : i32
      %dma_start3A_471 = arith.constant 0 : i32
      %dma_start3A_472 = tpu.memref_slice %arg4[%add3A, %dma_start3A_470, %dma_start3A_471] : memref<32x125x80xi32, #tpu.memory_space<hbm>> -> memref<1x125x80xi32, #tpu.memory_space<hbm>>
      %dma_start3A_473 = tpu.memref_squeeze %dma_start3A_472 : memref<1x125x80xi32, #tpu.memory_space<hbm>> -> memref<125x80xi32, #tpu.memory_space<hbm>>
      tpu.enqueue_dma source(%dma_start3A_473 : memref<125x80xi32, #tpu.memory_space<hbm>>) target(%arg7 : memref<125x80xi32, #tpu.memory_space<vmem>>) target_semaphore(%run_scoped3A : memref<!tpu.dma_semaphore, #tpu.memory_space<semaphore_mem>>)
      %dma_wait3A_474 = arith.constant 0 : i32
      %dma_wait3A_475 = arith.constant 0 : i32
      %dma_wait3A_476 = tpu.memref_slice %arg4[%add3A, %dma_wait3A_474, %dma_wait3A_475] : memref<32x125x80xi32, #tpu.memory_space<hbm>> -> memref<1x125x80xi32, #tpu.memory_space<hbm>>
      %dma_wait3A_477 = tpu.memref_squeeze %dma_wait3A_476 : memref<1x125x80xi32, #tpu.memory_space<hbm>> -> memref<125x80xi32, #tpu.memory_space<hbm>>
      %dma_wait3A_478 = arith.constant 0 : i32
      %dma_wait3A_479 = arith.constant 0 : i32
      %dma_wait3A_480 = tpu.memref_slice %arg4[%add3A, %dma_wait3A_478, %dma_wait3A_479] : memref<32x125x80xi32, #tpu.memory_space<hbm>> -> memref<1x125x80xi32, #tpu.memory_space<hbm>>
      %dma_wait3A_481 = tpu.memref_squeeze %dma_wait3A_480 : memref<1x125x80xi32, #tpu.memory_space<hbm>> -> memref<125x80xi32, #tpu.memory_space<hbm>>
      tpu.wait_dma2 semaphore(%run_scoped3A : memref<!tpu.dma_semaphore, #tpu.memory_space<semaphore_mem>>) src(%dma_wait3A_481 : memref<125x80xi32, #tpu.memory_space<hbm>>) dst(%arg7 : memref<125x80xi32, #tpu.memory_space<vmem>>)
      tpu.yield
    }) : () -> ()
    %barrier3A = arith.constant 0 : index
    tpu.barrier barrier_id(%barrier3A)
    %dma_start3A = arith.constant 0 : i32
    %dma_start3A_394 = arith.constant 0 : i32
    %dma_start3A_395 = tpu.memref_slice %arg6[%dma_start3A, %dma_start3A_394] : memref<125x80xi32, #tpu.memory_space<vmem>> -> memref<1x80xi32, #tpu.memory_space<vmem>>
    %dma_start3A_396 = tpu.memref_squeeze %dma_start3A_395 : memref<1x80xi32, #tpu.memory_space<vmem>> -> memref<80xi32, #tpu.memory_space<vmem>>
    %dma_start3A_397 = arith.constant 0 : i32
    %dma_start3A_398 = arith.constant 0 : i32
    %dma_start3A_399 = tpu.memref_slice %arg2[%dma_start3A_397, %dma_start3A_398] : memref<10000x128xf32, #tpu.memory_space<hbm>> -> memref<10000x128xf32, #tpu.memory_space<hbm>>
    tpu.enqueue_indirect_dma source(%dma_start3A_399 : memref<10000x128xf32, #tpu.memory_space<hbm>>) target(%arg8 : memref<80x128xf32, #tpu.memory_space<vmem>>) offsets(%dma_start3A_396 : memref<80xi32, #tpu.memory_space<vmem>>) semaphore(%arg12 : memref<!tpu.dma_semaphore, #tpu.memory_space<semaphore_mem>>)
    %dma_start3A_400 = arith.constant 1 : i32
    %dma_start3A_401 = arith.constant 0 : i32
    %dma_start3A_402 = tpu.memref_slice %arg6[%dma_start3A_400, %dma_start3A_401] : memref<125x80xi32, #tpu.memory_space<vmem>> -> memref<1x80xi32, #tpu.memory_space<vmem>>
    %dma_start3A_403 = tpu.memref_squeeze %dma_start3A_402 : memref<1x80xi32, #tpu.memory_space<vmem>> -> memref<80xi32, #tpu.memory_space<vmem>>
    %dma_start3A_404 = arith.constant 0 : i32
    %dma_start3A_405 = arith.constant 0 : i32
    %dma_start3A_406 = tpu.memref_slice %arg2[%dma_start3A_404, %dma_start3A_405] : memref<10000x128xf32, #tpu.memory_space<hbm>> -> memref<10000x128xf32, #tpu.memory_space<hbm>>
    tpu.enqueue_indirect_dma source(%dma_start3A_406 : memref<10000x128xf32, #tpu.memory_space<hbm>>) target(%arg9 : memref<80x128xf32, #tpu.memory_space<vmem>>) offsets(%dma_start3A_403 : memref<80xi32, #tpu.memory_space<vmem>>) semaphore(%arg13 : memref<!tpu.dma_semaphore, #tpu.memory_space<semaphore_mem>>)
    %scan3A_407 = arith.constant 0 : i32
    %scan3A_408 = arith.constant 0 : i32
    %scan3A_409 = arith.constant 41 : i32
    %scan3A_410 = arith.addi %scan3A_408, %scan3A_409 : i32
    %scan3A_411 = arith.constant 1 : i32
    scf.for %scan3A_466 = %scan3A_408 to %scan3A_410 step %scan3A_411  : i32 {
      %mul3A_467 = arith.constant 3 : i32
      %mul3A_468 = arith.muli %mul3A_467, %scan3A_466 : i32
      %dma_wait3A_469 = arith.constant 0 : i32
      %dma_wait3A_470 = tpu.memref_slice %arg6[%mul3A_468, %dma_wait3A_469] : memref<125x80xi32, #tpu.memory_space<vmem>> -> memref<1x80xi32, #tpu.memory_space<vmem>>
      %dma_wait3A_471 = tpu.memref_squeeze %dma_wait3A_470 : memref<1x80xi32, #tpu.memory_space<vmem>> -> memref<80xi32, #tpu.memory_space<vmem>>
      %dma_wait3A_472 = arith.constant 0 : i32
      %dma_wait3A_473 = arith.constant 0 : i32
      %dma_wait3A_474 = tpu.memref_slice %arg2[%dma_wait3A_472, %dma_wait3A_473] : memref<10000x128xf32, #tpu.memory_space<hbm>> -> memref<10000x128xf32, #tpu.memory_space<hbm>>
      tpu.wait_indirect_dma semaphore(%arg12 : memref<!tpu.dma_semaphore, #tpu.memory_space<semaphore_mem>>) src(%dma_wait3A_474 : memref<10000x128xf32, #tpu.memory_space<hbm>>) dst(%arg8 : memref<80x128xf32, #tpu.memory_space<vmem>>)
      %dma_start3A_475 = arith.constant 0 : i32
      %dma_start3A_476 = tpu.memref_slice %arg7[%mul3A_468, %dma_start3A_475] : memref<125x80xi32, #tpu.memory_space<vmem>> -> memref<1x80xi32, #tpu.memory_space<vmem>>
      %dma_start3A_477 = tpu.memref_squeeze %dma_start3A_476 : memref<1x80xi32, #tpu.memory_space<vmem>> -> memref<80xi32, #tpu.memory_space<vmem>>
      %dma_start3A_478 = arith.constant 0 : i32
      %dma_start3A_479 = arith.constant 0 : i32
      %dma_start3A_480 = tpu.memref_slice %arg11[%dma_start3A_478, %dma_start3A_479] : memref<10000x128xf32, #tpu.memory_space<vmem_shared>> -> memref<10000x128xf32, #tpu.memory_space<vmem_shared>>
      tpu.enqueue_indirect_dma source(%arg8 : memref<80x128xf32, #tpu.memory_space<vmem>>) target(%dma_start3A_480 : memref<10000x128xf32, #tpu.memory_space<vmem_shared>>) offsets(%dma_start3A_477 : memref<80xi32, #tpu.memory_space<vmem>>) semaphore(%arg15 : memref<!tpu.dma_semaphore, #tpu.memory_space<semaphore_mem>>) {add = true}
      %gt3A = arith.constant 0 : i32
      %gt3A_481 = arith.cmpi sgt, %scan3A_466, %gt3A : i32
      %convert_element_type3A = arith.extui %gt3A_481 : i1 to i32
      %cond3A = arith.constant 0 : i32
      %cond3A_482 = arith.cmpi ne, %convert_element_type3A, %cond3A : i32
      scf.if %cond3A_482 {
        %dma_wait3A_553 = arith.constant 0 : i32
        %dma_wait3A_554 = arith.constant 0 : i32
        %dma_wait3A_555 = tpu.memref_slice %arg7[%dma_wait3A_553, %dma_wait3A_554] : memref<125x80xi32, #tpu.memory_space<vmem>> -> memref<1x80xi32, #tpu.memory_space<vmem>>
        %dma_wait3A_556 = tpu.memref_squeeze %dma_wait3A_555 : memref<1x80xi32, #tpu.memory_space<vmem>> -> memref<80xi32, #tpu.memory_space<vmem>>
        %dma_wait3A_557 = arith.constant 0 : i32
        %dma_wait3A_558 = arith.constant 0 : i32
        %dma_wait3A_559 = tpu.memref_slice %arg11[%dma_wait3A_557, %dma_wait3A_558] : memref<10000x128xf32, #tpu.memory_space<vmem_shared>> -> memref<10000x128xf32, #tpu.memory_space<vmem_shared>>
        tpu.wait_indirect_dma semaphore(%arg17 : memref<!tpu.dma_semaphore, #tpu.memory_space<semaphore_mem>>) src(%arg10 : memref<80x128xf32, #tpu.memory_space<vmem>>) dst(%dma_wait3A_559 : memref<10000x128xf32, #tpu.memory_space<vmem_shared>>)
      } else {
      }
      %add3A_483 = arith.constant 2 : i32
      %add3A_484 = arith.addi %mul3A_468, %add3A_483 : i32
      %dma_start3A_485 = arith.constant 0 : i32
      %dma_start3A_486 = tpu.memref_slice %arg6[%add3A_484, %dma_start3A_485] : memref<125x80xi32, #tpu.memory_space<vmem>> -> memref<1x80xi32, #tpu.memory_space<vmem>>
      %dma_start3A_487 = tpu.memref_squeeze %dma_start3A_486 : memref<1x80xi32, #tpu.memory_space<vmem>> -> memref<80xi32, #tpu.memory_space<vmem>>
      %dma_start3A_488 = arith.constant 0 : i32
      %dma_start3A_489 = arith.constant 0 : i32
      %dma_start3A_490 = tpu.memref_slice %arg2[%dma_start3A_488, %dma_start3A_489] : memref<10000x128xf32, #tpu.memory_space<hbm>> -> memref<10000x128xf32, #tpu.memory_space<hbm>>
      tpu.enqueue_indirect_dma source(%dma_start3A_490 : memref<10000x128xf32, #tpu.memory_space<hbm>>) target(%arg10 : memref<80x128xf32, #tpu.memory_space<vmem>>) offsets(%dma_start3A_487 : memref<80xi32, #tpu.memory_space<vmem>>) semaphore(%arg14 : memref<!tpu.dma_semaphore, #tpu.memory_space<semaphore_mem>>)
      %add3A_491 = arith.constant 1 : i32
      %add3A_492 = arith.addi %mul3A_468, %add3A_491 : i32
      %dma_wait3A_493 = arith.constant 0 : i32
      %dma_wait3A_494 = tpu.memref_slice %arg6[%add3A_492, %dma_wait3A_493] : memref<125x80xi32, #tpu.memory_space<vmem>> -> memref<1x80xi32, #tpu.memory_space<vmem>>
      %dma_wait3A_495 = tpu.memref_squeeze %dma_wait3A_494 : memref<1x80xi32, #tpu.memory_space<vmem>> -> memref<80xi32, #tpu.memory_space<vmem>>
      %dma_wait3A_496 = arith.constant 0 : i32
      %dma_wait3A_497 = arith.constant 0 : i32
      %dma_wait3A_498 = tpu.memref_slice %arg2[%dma_wait3A_496, %dma_wait3A_497] : memref<10000x128xf32, #tpu.memory_space<hbm>> -> memref<10000x128xf32, #tpu.memory_space<hbm>>
      tpu.wait_indirect_dma semaphore(%arg13 : memref<!tpu.dma_semaphore, #tpu.memory_space<semaphore_mem>>) src(%dma_wait3A_498 : memref<10000x128xf32, #tpu.memory_space<hbm>>) dst(%arg9 : memref<80x128xf32, #tpu.memory_space<vmem>>)
      %add3A_499 = arith.constant 1 : i32
      %add3A_500 = arith.addi %mul3A_468, %add3A_499 : i32
      %dma_start3A_501 = arith.constant 0 : i32
      %dma_start3A_502 = tpu.memref_slice %arg7[%add3A_500, %dma_start3A_501] : memref<125x80xi32, #tpu.memory_space<vmem>> -> memref<1x80xi32, #tpu.memory_space<vmem>>
      %dma_start3A_503 = tpu.memref_squeeze %dma_start3A_502 : memref<1x80xi32, #tpu.memory_space<vmem>> -> memref<80xi32, #tpu.memory_space<vmem>>
      %dma_start3A_504 = arith.constant 0 : i32
      %dma_start3A_505 = arith.constant 0 : i32
      %dma_start3A_506 = tpu.memref_slice %arg11[%dma_start3A_504, %dma_start3A_505] : memref<10000x128xf32, #tpu.memory_space<vmem_shared>> -> memref<10000x128xf32, #tpu.memory_space<vmem_shared>>
      tpu.enqueue_indirect_dma source(%arg9 : memref<80x128xf32, #tpu.memory_space<vmem>>) target(%dma_start3A_506 : memref<10000x128xf32, #tpu.memory_space<vmem_shared>>) offsets(%dma_start3A_503 : memref<80xi32, #tpu.memory_space<vmem>>) semaphore(%arg16 : memref<!tpu.dma_semaphore, #tpu.memory_space<semaphore_mem>>) {add = true}
      %dma_wait3A_507 = arith.constant 0 : i32
      %dma_wait3A_508 = arith.constant 0 : i32
      %dma_wait3A_509 = tpu.memref_slice %arg7[%dma_wait3A_507, %dma_wait3A_508] : memref<125x80xi32, #tpu.memory_space<vmem>> -> memref<1x80xi32, #tpu.memory_space<vmem>>
      %dma_wait3A_510 = tpu.memref_squeeze %dma_wait3A_509 : memref<1x80xi32, #tpu.memory_space<vmem>> -> memref<80xi32, #tpu.memory_space<vmem>>
      %dma_wait3A_511 = arith.constant 0 : i32
      %dma_wait3A_512 = arith.constant 0 : i32
      %dma_wait3A_513 = tpu.memref_slice %arg11[%dma_wait3A_511, %dma_wait3A_512] : memref<10000x128xf32, #tpu.memory_space<vmem_shared>> -> memref<10000x128xf32, #tpu.memory_space<vmem_shared>>
      tpu.wait_indirect_dma semaphore(%arg15 : memref<!tpu.dma_semaphore, #tpu.memory_space<semaphore_mem>>) src(%arg8 : memref<80x128xf32, #tpu.memory_space<vmem>>) dst(%dma_wait3A_513 : memref<10000x128xf32, #tpu.memory_space<vmem_shared>>)
      %add3A_514 = arith.constant 3 : i32
      %add3A_515 = arith.addi %mul3A_468, %add3A_514 : i32
      %dma_start3A_516 = arith.constant 0 : i32
      %dma_start3A_517 = tpu.memref_slice %arg6[%add3A_515, %dma_start3A_516] : memref<125x80xi32, #tpu.memory_space<vmem>> -> memref<1x80xi32, #tpu.memory_space<vmem>>
      %dma_start3A_518 = tpu.memref_squeeze %dma_start3A_517 : memref<1x80xi32, #tpu.memory_space<vmem>> -> memref<80xi32, #tpu.memory_space<vmem>>
      %dma_start3A_519 = arith.constant 0 : i32
      %dma_start3A_520 = arith.constant 0 : i32
      %dma_start3A_521 = tpu.memref_slice %arg2[%dma_start3A_519, %dma_start3A_520] : memref<10000x128xf32, #tpu.memory_space<hbm>> -> memref<10000x128xf32, #tpu.memory_space<hbm>>
      tpu.enqueue_indirect_dma source(%dma_start3A_521 : memref<10000x128xf32, #tpu.memory_space<hbm>>) target(%arg8 : memref<80x128xf32, #tpu.memory_space<vmem>>) offsets(%dma_start3A_518 : memref<80xi32, #tpu.memory_space<vmem>>) semaphore(%arg12 : memref<!tpu.dma_semaphore, #tpu.memory_space<semaphore_mem>>)
      %add3A_522 = arith.constant 2 : i32
      %add3A_523 = arith.addi %mul3A_468, %add3A_522 : i32
      %dma_wait3A_524 = arith.constant 0 : i32
      %dma_wait3A_525 = tpu.memref_slice %arg6[%add3A_523, %dma_wait3A_524] : memref<125x80xi32, #tpu.memory_space<vmem>> -> memref<1x80xi32, #tpu.memory_space<vmem>>
      %dma_wait3A_526 = tpu.memref_squeeze %dma_wait3A_525 : memref<1x80xi32, #tpu.memory_space<vmem>> -> memref<80xi32, #tpu.memory_space<vmem>>
      %dma_wait3A_527 = arith.constant 0 : i32
      %dma_wait3A_528 = arith.constant 0 : i32
      %dma_wait3A_529 = tpu.memref_slice %arg2[%dma_wait3A_527, %dma_wait3A_528] : memref<10000x128xf32, #tpu.memory_space<hbm>> -> memref<10000x128xf32, #tpu.memory_space<hbm>>
      tpu.wait_indirect_dma semaphore(%arg14 : memref<!tpu.dma_semaphore, #tpu.memory_space<semaphore_mem>>) src(%dma_wait3A_529 : memref<10000x128xf32, #tpu.memory_space<hbm>>) dst(%arg10 : memref<80x128xf32, #tpu.memory_space<vmem>>)
      %add3A_530 = arith.constant 2 : i32
      %add3A_531 = arith.addi %mul3A_468, %add3A_530 : i32
      %dma_start3A_532 = arith.constant 0 : i32
      %dma_start3A_533 = tpu.memref_slice %arg7[%add3A_531, %dma_start3A_532] : memref<125x80xi32, #tpu.memory_space<vmem>> -> memref<1x80xi32, #tpu.memory_space<vmem>>
      %dma_start3A_534 = tpu.memref_squeeze %dma_start3A_533 : memref<1x80xi32, #tpu.memory_space<vmem>> -> memref<80xi32, #tpu.memory_space<vmem>>
      %dma_start3A_535 = arith.constant 0 : i32
      %dma_start3A_536 = arith.constant 0 : i32
      %dma_start3A_537 = tpu.memref_slice %arg11[%dma_start3A_535, %dma_start3A_536] : memref<10000x128xf32, #tpu.memory_space<vmem_shared>> -> memref<10000x128xf32, #tpu.memory_space<vmem_shared>>
      tpu.enqueue_indirect_dma source(%arg10 : memref<80x128xf32, #tpu.memory_space<vmem>>) target(%dma_start3A_537 : memref<10000x128xf32, #tpu.memory_space<vmem_shared>>) offsets(%dma_start3A_534 : memref<80xi32, #tpu.memory_space<vmem>>) semaphore(%arg17 : memref<!tpu.dma_semaphore, #tpu.memory_space<semaphore_mem>>) {add = true}
      %dma_wait3A_538 = arith.constant 0 : i32
      %dma_wait3A_539 = arith.constant 0 : i32
      %dma_wait3A_540 = tpu.memref_slice %arg7[%dma_wait3A_538, %dma_wait3A_539] : memref<125x80xi32, #tpu.memory_space<vmem>> -> memref<1x80xi32, #tpu.memory_space<vmem>>
      %dma_wait3A_541 = tpu.memref_squeeze %dma_wait3A_540 : memref<1x80xi32, #tpu.memory_space<vmem>> -> memref<80xi32, #tpu.memory_space<vmem>>
      %dma_wait3A_542 = arith.constant 0 : i32
      %dma_wait3A_543 = arith.constant 0 : i32
      %dma_wait3A_544 = tpu.memref_slice %arg11[%dma_wait3A_542, %dma_wait3A_543] : memref<10000x128xf32, #tpu.memory_space<vmem_shared>> -> memref<10000x128xf32, #tpu.memory_space<vmem_shared>>
      tpu.wait_indirect_dma semaphore(%arg16 : memref<!tpu.dma_semaphore, #tpu.memory_space<semaphore_mem>>) src(%arg9 : memref<80x128xf32, #tpu.memory_space<vmem>>) dst(%dma_wait3A_544 : memref<10000x128xf32, #tpu.memory_space<vmem_shared>>)
      %add3A_545 = arith.constant 4 : i32
      %add3A_546 = arith.addi %mul3A_468, %add3A_545 : i32
      %dma_start3A_547 = arith.constant 0 : i32
      %dma_start3A_548 = tpu.memref_slice %arg6[%add3A_546, %dma_start3A_547] : memref<125x80xi32, #tpu.memory_space<vmem>> -> memref<1x80xi32, #tpu.memory_space<vmem>>
      %dma_start3A_549 = tpu.memref_squeeze %dma_start3A_548 : memref<1x80xi32, #tpu.memory_space<vmem>> -> memref<80xi32, #tpu.memory_space<vmem>>
      %dma_start3A_550 = arith.constant 0 : i32
      %dma_start3A_551 = arith.constant 0 : i32
      %dma_start3A_552 = tpu.memref_slice %arg2[%dma_start3A_550, %dma_start3A_551] : memref<10000x128xf32, #tpu.memory_space<hbm>> -> memref<10000x128xf32, #tpu.memory_space<hbm>>
      tpu.enqueue_indirect_dma source(%dma_start3A_552 : memref<10000x128xf32, #tpu.memory_space<hbm>>) target(%arg9 : memref<80x128xf32, #tpu.memory_space<vmem>>) offsets(%dma_start3A_549 : memref<80xi32, #tpu.memory_space<vmem>>) semaphore(%arg13 : memref<!tpu.dma_semaphore, #tpu.memory_space<semaphore_mem>>)
    }
    %scan3A_412 = arith.constant 41 : i32
    %dma_wait3A = arith.constant 123 : i32
    %dma_wait3A_413 = arith.constant 0 : i32
    %dma_wait3A_414 = tpu.memref_slice %arg6[%dma_wait3A, %dma_wait3A_413] : memref<125x80xi32, #tpu.memory_space<vmem>> -> memref<1x80xi32, #tpu.memory_space<vmem>>
    %dma_wait3A_415 = tpu.memref_squeeze %dma_wait3A_414 : memref<1x80xi32, #tpu.memory_space<vmem>> -> memref<80xi32, #tpu.memory_space<vmem>>
    %dma_wait3A_416 = arith.constant 0 : i32
    %dma_wait3A_417 = arith.constant 0 : i32
    %dma_wait3A_418 = tpu.memref_slice %arg2[%dma_wait3A_416, %dma_wait3A_417] : memref<10000x128xf32, #tpu.memory_space<hbm>> -> memref<10000x128xf32, #tpu.memory_space<hbm>>
    tpu.wait_indirect_dma semaphore(%arg12 : memref<!tpu.dma_semaphore, #tpu.memory_space<semaphore_mem>>) src(%dma_wait3A_418 : memref<10000x128xf32, #tpu.memory_space<hbm>>) dst(%arg8 : memref<80x128xf32, #tpu.memory_space<vmem>>)
    %dma_start3A_419 = arith.constant 123 : i32
    %dma_start3A_420 = arith.constant 0 : i32
    %dma_start3A_421 = tpu.memref_slice %arg7[%dma_start3A_419, %dma_start3A_420] : memref<125x80xi32, #tpu.memory_space<vmem>> -> memref<1x80xi32, #tpu.memory_space<vmem>>
    %dma_start3A_422 = tpu.memref_squeeze %dma_start3A_421 : memref<1x80xi32, #tpu.memory_space<vmem>> -> memref<80xi32, #tpu.memory_space<vmem>>
    %dma_start3A_423 = arith.constant 0 : i32
    %dma_start3A_424 = arith.constant 0 : i32
    %dma_start3A_425 = tpu.memref_slice %arg11[%dma_start3A_423, %dma_start3A_424] : memref<10000x128xf32, #tpu.memory_space<vmem_shared>> -> memref<10000x128xf32, #tpu.memory_space<vmem_shared>>
    tpu.enqueue_indirect_dma source(%arg8 : memref<80x128xf32, #tpu.memory_space<vmem>>) target(%dma_start3A_425 : memref<10000x128xf32, #tpu.memory_space<vmem_shared>>) offsets(%dma_start3A_422 : memref<80xi32, #tpu.memory_space<vmem>>) semaphore(%arg15 : memref<!tpu.dma_semaphore, #tpu.memory_space<semaphore_mem>>) {add = true}
    %dma_wait3A_426 = arith.constant 124 : i32
    %dma_wait3A_427 = arith.constant 0 : i32
    %dma_wait3A_428 = tpu.memref_slice %arg6[%dma_wait3A_426, %dma_wait3A_427] : memref<125x80xi32, #tpu.memory_space<vmem>> -> memref<1x80xi32, #tpu.memory_space<vmem>>
    %dma_wait3A_429 = tpu.memref_squeeze %dma_wait3A_428 : memref<1x80xi32, #tpu.memory_space<vmem>> -> memref<80xi32, #tpu.memory_space<vmem>>
    %dma_wait3A_430 = arith.constant 0 : i32
    %dma_wait3A_431 = arith.constant 0 : i32
    %dma_wait3A_432 = tpu.memref_slice %arg2[%dma_wait3A_430, %dma_wait3A_431] : memref<10000x128xf32, #tpu.memory_space<hbm>> -> memref<10000x128xf32, #tpu.memory_space<hbm>>
    tpu.wait_indirect_dma semaphore(%arg13 : memref<!tpu.dma_semaphore, #tpu.memory_space<semaphore_mem>>) src(%dma_wait3A_432 : memref<10000x128xf32, #tpu.memory_space<hbm>>) dst(%arg9 : memref<80x128xf32, #tpu.memory_space<vmem>>)
    %dma_start3A_433 = arith.constant 124 : i32
    %dma_start3A_434 = arith.constant 0 : i32
    %dma_start3A_435 = tpu.memref_slice %arg7[%dma_start3A_433, %dma_start3A_434] : memref<125x80xi32, #tpu.memory_space<vmem>> -> memref<1x80xi32, #tpu.memory_space<vmem>>
    %dma_start3A_436 = tpu.memref_squeeze %dma_start3A_435 : memref<1x80xi32, #tpu.memory_space<vmem>> -> memref<80xi32, #tpu.memory_space<vmem>>
    %dma_start3A_437 = arith.constant 0 : i32
    %dma_start3A_438 = arith.constant 0 : i32
    %dma_start3A_439 = tpu.memref_slice %arg11[%dma_start3A_437, %dma_start3A_438] : memref<10000x128xf32, #tpu.memory_space<vmem_shared>> -> memref<10000x128xf32, #tpu.memory_space<vmem_shared>>
    tpu.enqueue_indirect_dma source(%arg9 : memref<80x128xf32, #tpu.memory_space<vmem>>) target(%dma_start3A_439 : memref<10000x128xf32, #tpu.memory_space<vmem_shared>>) offsets(%dma_start3A_436 : memref<80xi32, #tpu.memory_space<vmem>>) semaphore(%arg16 : memref<!tpu.dma_semaphore, #tpu.memory_space<semaphore_mem>>) {add = true}
    %dma_wait3A_440 = arith.constant 0 : i32
    %dma_wait3A_441 = arith.constant 0 : i32
    %dma_wait3A_442 = tpu.memref_slice %arg7[%dma_wait3A_440, %dma_wait3A_441] : memref<125x80xi32, #tpu.memory_space<vmem>> -> memref<1x80xi32, #tpu.memory_space<vmem>>
    %dma_wait3A_443 = tpu.memref_squeeze %dma_wait3A_442 : memref<1x80xi32, #tpu.memory_space<vmem>> -> memref<80xi32, #tpu.memory_space<vmem>>
    %dma_wait3A_444 = arith.constant 0 : i32
    %dma_wait3A_445 = arith.constant 0 : i32
    %dma_wait3A_446 = tpu.memref_slice %arg11[%dma_wait3A_444, %dma_wait3A_445] : memref<10000x128xf32, #tpu.memory_space<vmem_shared>> -> memref<10000x128xf32, #tpu.memory_space<vmem_shared>>
    tpu.wait_indirect_dma semaphore(%arg17 : memref<!tpu.dma_semaphore, #tpu.memory_space<semaphore_mem>>) src(%arg10 : memref<80x128xf32, #tpu.memory_space<vmem>>) dst(%dma_wait3A_446 : memref<10000x128xf32, #tpu.memory_space<vmem_shared>>)
    %dma_wait3A_447 = arith.constant 0 : i32
    %dma_wait3A_448 = arith.constant 0 : i32
    %dma_wait3A_449 = tpu.memref_slice %arg7[%dma_wait3A_447, %dma_wait3A_448] : memref<125x80xi32, #tpu.memory_space<vmem>> -> memref<1x80xi32, #tpu.memory_space<vmem>>
    %dma_wait3A_450 = tpu.memref_squeeze %dma_wait3A_449 : memref<1x80xi32, #tpu.memory_space<vmem>> -> memref<80xi32, #tpu.memory_space<vmem>>
    %dma_wait3A_451 = arith.constant 0 : i32
    %dma_wait3A_452 = arith.constant 0 : i32
    %dma_wait3A_453 = tpu.memref_slice %arg11[%dma_wait3A_451, %dma_wait3A_452] : memref<10000x128xf32, #tpu.memory_space<vmem_shared>> -> memref<10000x128xf32, #tpu.memory_space<vmem_shared>>
    tpu.wait_indirect_dma semaphore(%arg15 : memref<!tpu.dma_semaphore, #tpu.memory_space<semaphore_mem>>) src(%arg8 : memref<80x128xf32, #tpu.memory_space<vmem>>) dst(%dma_wait3A_453 : memref<10000x128xf32, #tpu.memory_space<vmem_shared>>)
    %dma_wait3A_454 = arith.constant 0 : i32
    %dma_wait3A_455 = arith.constant 0 : i32
    %dma_wait3A_456 = tpu.memref_slice %arg7[%dma_wait3A_454, %dma_wait3A_455] : memref<125x80xi32, #tpu.memory_space<vmem>> -> memref<1x80xi32, #tpu.memory_space<vmem>>
    %dma_wait3A_457 = tpu.memref_squeeze %dma_wait3A_456 : memref<1x80xi32, #tpu.memory_space<vmem>> -> memref<80xi32, #tpu.memory_space<vmem>>
    %dma_wait3A_458 = arith.constant 0 : i32
    %dma_wait3A_459 = arith.constant 0 : i32
    %dma_wait3A_460 = tpu.memref_slice %arg11[%dma_wait3A_458, %dma_wait3A_459] : memref<10000x128xf32, #tpu.memory_space<vmem_shared>> -> memref<10000x128xf32, #tpu.memory_space<vmem_shared>>
    tpu.wait_indirect_dma semaphore(%arg16 : memref<!tpu.dma_semaphore, #tpu.memory_space<semaphore_mem>>) src(%arg9 : memref<80x128xf32, #tpu.memory_space<vmem>>) dst(%dma_wait3A_460 : memref<10000x128xf32, #tpu.memory_space<vmem_shared>>)
    %barrier3A_461 = arith.constant 0 : index
    tpu.barrier barrier_id(%barrier3A_461)
    %mul3A_462 = arith.constant 625 : i32
    %mul3A_463 = arith.muli %arg1, %mul3A_462 : i32
    %mul3A_464 = arith.constant 625 : i32
    %mul3A_465 = arith.muli %arg1, %mul3A_464 : i32
    "tpu.region"() ({
      %run_scoped3A = tpu.sem_alloc : memref<!tpu.dma_semaphore, #tpu.memory_space<semaphore_mem>>
      %dma_start3A_466 = arith.constant 0 : i32
      %dma_start3A_467 = tpu.memref_slice %arg5[%arg0, %mul3A_465, %dma_start3A_466] : memref<2x10000x128xf32, #tpu.memory_space<hbm>> -> memref<1x625x128xf32, #tpu.memory_space<hbm>>
      %dma_start3A_468 = tpu.memref_squeeze %dma_start3A_467 : memref<1x625x128xf32, #tpu.memory_space<hbm>> -> memref<625x128xf32, #tpu.memory_space<hbm>>
      %dma_start3A_469 = arith.constant 0 : i32
      %dma_start3A_470 = tpu.memref_slice %arg11[%mul3A_463, %dma_start3A_469] : memref<10000x128xf32, #tpu.memory_space<vmem_shared>> -> memref<625x128xf32, #tpu.memory_space<vmem_shared>>
      tpu.enqueue_dma source(%dma_start3A_470 : memref<625x128xf32, #tpu.memory_space<vmem_shared>>) target(%dma_start3A_468 : memref<625x128xf32, #tpu.memory_space<hbm>>) target_semaphore(%run_scoped3A : memref<!tpu.dma_semaphore, #tpu.memory_space<semaphore_mem>>)
      %dma_wait3A_471 = arith.constant 0 : i32
      %dma_wait3A_472 = tpu.memref_slice %arg5[%arg0, %mul3A_465, %dma_wait3A_471] : memref<2x10000x128xf32, #tpu.memory_space<hbm>> -> memref<1x625x128xf32, #tpu.memory_space<hbm>>
      %dma_wait3A_473 = tpu.memref_squeeze %dma_wait3A_472 : memref<1x625x128xf32, #tpu.memory_space<hbm>> -> memref<625x128xf32, #tpu.memory_space<hbm>>
      %dma_wait3A_474 = arith.constant 0 : i32
      %dma_wait3A_475 = tpu.memref_slice %arg11[%mul3A_463, %dma_wait3A_474] : memref<10000x128xf32, #tpu.memory_space<vmem_shared>> -> memref<625x128xf32, #tpu.memory_space<vmem_shared>>
      tpu.wait_dma2 semaphore(%run_scoped3A : memref<!tpu.dma_semaphore, #tpu.memory_space<semaphore_mem>>) src(%dma_wait3A_475 : memref<625x128xf32, #tpu.memory_space<vmem_shared>>) dst(%dma_wait3A_473 : memref<625x128xf32, #tpu.memory_space<hbm>>)
      tpu.yield
    }) : () -> ()
    return
  }
}

module attributes {stable_mosaic.version = 14 : i64} {
  func.func @_g1_body(%arg0: i32, %arg1: memref<2x2000x16xf32, #tpu.memory_space<vmem>>, %arg2: memref<2000x128xf32, #tpu.memory_space<vmem>>, %arg3: memref<128x128xf32, #tpu.memory_space<vmem>>, %arg4: memref<2000x128xf32, #tpu.memory_space<vmem>>, %arg5: memref<2000x1xf32, #tpu.memory_space<vmem>>) attributes {dimension_semantics = [#tpu.dimension_semantics<arbitrary>], iteration_bounds = array<i64: 5>, scalar_prefetch = 0 : i64, scratch_operands = 0 : i64, tpu.core_type = #tpu.core_type<tc>, window_params = [{transform_indices = @transform_0, window_bounds = array<i64: 2, 2000, 16>}, {transform_indices = @transform_1, window_bounds = array<i64: 2000, 128>}, {pipeline_mode = #tpu.pipeline_mode<synchronous>, transform_indices = @transform_2, window_bounds = array<i64: 128, 128>}, {transform_indices = @transform_3, window_bounds = array<i64: 2000, 128>}, {transform_indices = @transform_4, window_bounds = array<i64: 2000, 1>}]} {
    %get3A = arith.constant 0 : index
    %get3A_0 = arith.constant 0 : index
    %get3A_1 = arith.constant 0 : index
    %get3A_2 = vector.load %arg1[%get3A, %get3A_0, %get3A_1] : memref<2x2000x16xf32, #tpu.memory_space<vmem>>, vector<1x2000x1xf32>
    %get3A_3 = vector.shape_cast %get3A_2 : vector<1x2000x1xf32> to vector<2000x1xf32>
    %get3A_4 = arith.constant 1 : index
    %get3A_5 = arith.constant 0 : index
    %get3A_6 = arith.constant 0 : index
    %get3A_7 = vector.load %arg1[%get3A_4, %get3A_5, %get3A_6] : memref<2x2000x16xf32, #tpu.memory_space<vmem>>, vector<1x2000x1xf32>
    %get3A_8 = vector.shape_cast %get3A_7 : vector<1x2000x1xf32> to vector<2000x1xf32>
    %add3A = arith.addf %get3A_3, %get3A_8 : vector<2000x1xf32>
    %add3A_9 = arith.constant 1.000000e+00 : f32
    %add3A_10 = vector.broadcast %add3A_9 : f32 to vector<2000x1xf32>
    %add3A_11 = arith.addf %add3A, %add3A_10 : vector<2000x1xf32>
    %rsqrt3A = math.rsqrt %add3A_11 : vector<2000x1xf32>
    %get3A_12 = arith.constant 0 : index
    %get3A_13 = arith.constant 0 : index
    %get3A_14 = vector.load %arg2[%get3A_12, %get3A_13] : memref<2000x128xf32, #tpu.memory_space<vmem>>, vector<2000x128xf32>
    %get3A_15 = arith.constant 0 : index
    %get3A_16 = arith.constant 0 : index
    %get3A_17 = vector.load %arg3[%get3A_15, %get3A_16] : memref<128x128xf32, #tpu.memory_space<vmem>>, vector<128x128xf32>
    %dot_general3A = arith.constant dense<0.000000e+00> : vector<2000x128xf32>
    %dot_general3A_18 = tpu.matmul %get3A_14, %get3A_17, %dot_general3A {dimension_numbers = #tpu.dot_dimension_numbers<[1], [0], [0], [1], [0, 0, 1, 1], [], []>, transpose_lhs_hint = false} : vector<2000x128xf32>, vector<128x128xf32>, vector<2000x128xf32> -> vector<2000x128xf32>
    %mul3A = vector.broadcast %rsqrt3A : vector<2000x1xf32> to vector<2000x128xf32>
    %mul3A_19 = arith.mulf %dot_general3A_18, %mul3A : vector<2000x128xf32>
    %swap3A = arith.constant 0 : index
    %swap3A_20 = arith.constant 0 : index
    %swap3A_21 = vector.load %arg4[%swap3A, %swap3A_20] : memref<2000x128xf32, #tpu.memory_space<vmem>>, vector<2000x128xf32>
    tpu.vector_store %arg4[%swap3A, %swap3A_20], %mul3A_19 {strides = array<i32>} : memref<2000x128xf32, #tpu.memory_space<vmem>>, vector<2000x128xf32>,
    %swap3A_22 = arith.constant 0 : index
    %swap3A_23 = arith.constant 0 : index
    %swap3A_24 = vector.load %arg5[%swap3A_22, %swap3A_23] : memref<2000x1xf32, #tpu.memory_space<vmem>>, vector<2000x1xf32>
    tpu.vector_store %arg5[%swap3A_22, %swap3A_23], %rsqrt3A {strides = array<i32>} : memref<2000x1xf32, #tpu.memory_space<vmem>>, vector<2000x1xf32>,
    return
  }
  func.func @transform_0(%arg0: i32) -> (i32, i32, i32) {
    %c0_i32 = arith.constant 0 : i32
    %c0_i32_0 = arith.constant 0 : i32
    %c0_i32_1 = arith.constant 0 : i32
    return %c0_i32, %arg0, %c0_i32_0 : i32, i32, i32
  }
  func.func @transform_1(%arg0: i32) -> (i32, i32) {
    %c0_i32 = arith.constant 0 : i32
    %c0_i32_0 = arith.constant 0 : i32
    return %arg0, %c0_i32 : i32, i32
  }
  func.func @transform_2(%arg0: i32) -> (i32, i32) {
    %c0_i32 = arith.constant 0 : i32
    %c0_i32_0 = arith.constant 0 : i32
    %c0_i32_1 = arith.constant 0 : i32
    return %c0_i32, %c0_i32_0 : i32, i32
  }
  func.func @transform_3(%arg0: i32) -> (i32, i32) {
    %c0_i32 = arith.constant 0 : i32
    %c0_i32_0 = arith.constant 0 : i32
    return %arg0, %c0_i32 : i32, i32
  }
  func.func @transform_4(%arg0: i32) -> (i32, i32) {
    %c0_i32 = arith.constant 0 : i32
    %c0_i32_0 = arith.constant 0 : i32
    return %arg0, %c0_i32 : i32, i32
  }
}

module attributes {stable_mosaic.version = 14 : i64} {
  func.func @_layer2_body(%arg0: i32, %arg1: memref<2x2000x128xf32, #tpu.memory_space<vmem>>, %arg2: memref<2000x128xf32, #tpu.memory_space<vmem>>, %arg3: memref<2000x1xf32, #tpu.memory_space<vmem>>, %arg4: memref<1x128xf32, #tpu.memory_space<vmem>>, %arg5: memref<128x64xf32, #tpu.memory_space<vmem>>, %arg6: memref<2000x64xf32, #tpu.memory_space<vmem>>) attributes {dimension_semantics = [#tpu.dimension_semantics<arbitrary>], iteration_bounds = array<i64: 5>, scalar_prefetch = 0 : i64, scratch_operands = 0 : i64, tpu.core_type = #tpu.core_type<tc>, window_params = [{transform_indices = @transform_0, window_bounds = array<i64: 2, 2000, 128>}, {transform_indices = @transform_1, window_bounds = array<i64: 2000, 128>}, {transform_indices = @transform_2, window_bounds = array<i64: 2000, 1>}, {pipeline_mode = #tpu.pipeline_mode<synchronous>, transform_indices = @transform_3, window_bounds = array<i64: 1, 128>}, {pipeline_mode = #tpu.pipeline_mode<synchronous>, transform_indices = @transform_4, window_bounds = array<i64: 128, 64>}, {transform_indices = @transform_5, window_bounds = array<i64: 2000, 64>}]} {
    %get3A = arith.constant 0 : index
    %get3A_0 = arith.constant 0 : index
    %get3A_1 = arith.constant 0 : index
    %get3A_2 = vector.load %arg1[%get3A, %get3A_0, %get3A_1] : memref<2x2000x128xf32, #tpu.memory_space<vmem>>, vector<1x2000x128xf32>
    %get3A_3 = vector.shape_cast %get3A_2 : vector<1x2000x128xf32> to vector<2000x128xf32>
    %get3A_4 = arith.constant 1 : index
    %get3A_5 = arith.constant 0 : index
    %get3A_6 = arith.constant 0 : index
    %get3A_7 = vector.load %arg1[%get3A_4, %get3A_5, %get3A_6] : memref<2x2000x128xf32, #tpu.memory_space<vmem>>, vector<1x2000x128xf32>
    %get3A_8 = vector.shape_cast %get3A_7 : vector<1x2000x128xf32> to vector<2000x128xf32>
    %add3A = arith.addf %get3A_3, %get3A_8 : vector<2000x128xf32>
    %get3A_9 = arith.constant 0 : index
    %get3A_10 = arith.constant 0 : index
    %get3A_11 = vector.load %arg2[%get3A_9, %get3A_10] : memref<2000x128xf32, #tpu.memory_space<vmem>>, vector<2000x128xf32>
    %add3A_12 = arith.addf %add3A, %get3A_11 : vector<2000x128xf32>
    %get3A_13 = arith.constant 0 : index
    %get3A_14 = arith.constant 0 : index
    %get3A_15 = vector.load %arg3[%get3A_13, %get3A_14] : memref<2000x1xf32, #tpu.memory_space<vmem>>, vector<2000x1xf32>
    %mul3A = vector.broadcast %get3A_15 : vector<2000x1xf32> to vector<2000x128xf32>
    %mul3A_16 = arith.mulf %add3A_12, %mul3A : vector<2000x128xf32>
    %get3A_17 = arith.constant 0 : index
    %get3A_18 = arith.constant 0 : index
    %get3A_19 = vector.load %arg4[%get3A_17, %get3A_18] : memref<1x128xf32, #tpu.memory_space<vmem>>, vector<1x128xf32>
    %add3A_20 = vector.broadcast %get3A_19 : vector<1x128xf32> to vector<2000x128xf32>
    %add3A_21 = arith.addf %mul3A_16, %add3A_20 : vector<2000x128xf32>
    %max3A = arith.constant 0.000000e+00 : f32
    %max3A_22 = vector.broadcast %max3A : f32 to vector<2000x128xf32>
    %max3A_23 = arith.maximumf %add3A_21, %max3A_22 : vector<2000x128xf32>
    %get3A_24 = arith.constant 0 : index
    %get3A_25 = arith.constant 0 : index
    %get3A_26 = vector.load %arg5[%get3A_24, %get3A_25] : memref<128x64xf32, #tpu.memory_space<vmem>>, vector<128x64xf32>
    %dot_general3A = arith.constant dense<0.000000e+00> : vector<2000x64xf32>
    %dot_general3A_27 = tpu.matmul %max3A_23, %get3A_26, %dot_general3A {dimension_numbers = #tpu.dot_dimension_numbers<[1], [0], [0], [1], [0, 0, 1, 1], [], []>, transpose_lhs_hint = false} : vector<2000x128xf32>, vector<128x64xf32>, vector<2000x64xf32> -> vector<2000x64xf32>
    %get3A_28 = arith.constant 0 : index
    %get3A_29 = arith.constant 0 : index
    %get3A_30 = vector.load %arg3[%get3A_28, %get3A_29] : memref<2000x1xf32, #tpu.memory_space<vmem>>, vector<2000x1xf32>
    %mul3A_31 = vector.broadcast %get3A_30 : vector<2000x1xf32> to vector<2000x64xf32>
    %mul3A_32 = arith.mulf %dot_general3A_27, %mul3A_31 : vector<2000x64xf32>
    %swap3A = arith.constant 0 : index
    %swap3A_33 = arith.constant 0 : index
    %swap3A_34 = vector.load %arg6[%swap3A, %swap3A_33] : memref<2000x64xf32, #tpu.memory_space<vmem>>, vector<2000x64xf32>
    tpu.vector_store %arg6[%swap3A, %swap3A_33], %mul3A_32 {strides = array<i32>} : memref<2000x64xf32, #tpu.memory_space<vmem>>, vector<2000x64xf32>,
    return
  }
  func.func @transform_0(%arg0: i32) -> (i32, i32, i32) {
    %c0_i32 = arith.constant 0 : i32
    %c0_i32_0 = arith.constant 0 : i32
    %c0_i32_1 = arith.constant 0 : i32
    return %c0_i32, %arg0, %c0_i32_0 : i32, i32, i32
  }
  func.func @transform_1(%arg0: i32) -> (i32, i32) {
    %c0_i32 = arith.constant 0 : i32
    %c0_i32_0 = arith.constant 0 : i32
    return %arg0, %c0_i32 : i32, i32
  }
  func.func @transform_2(%arg0: i32) -> (i32, i32) {
    %c0_i32 = arith.constant 0 : i32
    %c0_i32_0 = arith.constant 0 : i32
    return %arg0, %c0_i32 : i32, i32
  }
  func.func @transform_3(%arg0: i32) -> (i32, i32) {
    %c0_i32 = arith.constant 0 : i32
    %c0_i32_0 = arith.constant 0 : i32
    %c0_i32_1 = arith.constant 0 : i32
    return %c0_i32, %c0_i32_0 : i32, i32
  }
  func.func @transform_4(%arg0: i32) -> (i32, i32) {
    %c0_i32 = arith.constant 0 : i32
    %c0_i32_0 = arith.constant 0 : i32
    %c0_i32_1 = arith.constant 0 : i32
    return %c0_i32, %c0_i32_0 : i32, i32
  }
  func.func @transform_5(%arg0: i32) -> (i32, i32) {
    %c0_i32 = arith.constant 0 : i32
    %c0_i32_0 = arith.constant 0 : i32
    return %arg0, %c0_i32 : i32, i32
  }
}

module attributes {stable_mosaic.version = 14 : i64} {
  func.func @_pool_body(%arg0: i32, %arg1: memref<2x2000x64xf32, #tpu.memory_space<vmem>>, %arg2: memref<2000x64xf32, #tpu.memory_space<vmem>>, %arg3: memref<2000x1xf32, #tpu.memory_space<vmem>>, %arg4: memref<1x64xf32, #tpu.memory_space<vmem>>, %arg5: memref<1x1x2000xi32, #tpu.memory_space<vmem>>, %arg6: memref<64x10xf32, #tpu.memory_space<vmem>>, %arg7: memref<1x10xf32, #tpu.memory_space<vmem>>, %arg8: memref<64x10xf32, #tpu.memory_space<vmem>>, %arg9: memref<64x64xf32, #tpu.memory_space<vmem>>, %arg10: memref<64x1xf32, #tpu.memory_space<vmem>>) attributes {dimension_semantics = [#tpu.dimension_semantics<arbitrary>], iteration_bounds = array<i64: 5>, scalar_prefetch = 0 : i64, scratch_operands = 2 : i64, tpu.core_type = #tpu.core_type<tc>, window_params = [{transform_indices = @transform_0, window_bounds = array<i64: 2, 2000, 64>}, {transform_indices = @transform_1, window_bounds = array<i64: 2000, 64>}, {transform_indices = @transform_2, window_bounds = array<i64: 2000, 1>}, {pipeline_mode = #tpu.pipeline_mode<synchronous>, transform_indices = @transform_3, window_bounds = array<i64: 1, 64>}, {transform_indices = @transform_4, window_bounds = array<i64: 1, 1, 2000>}, {pipeline_mode = #tpu.pipeline_mode<synchronous>, transform_indices = @transform_5, window_bounds = array<i64: 64, 10>}, {pipeline_mode = #tpu.pipeline_mode<synchronous>, transform_indices = @transform_6, window_bounds = array<i64: 1, 10>}, {pipeline_mode = #tpu.pipeline_mode<synchronous>, transform_indices = @transform_7, window_bounds = array<i64: 64, 10>}]} {
    %eq3A = arith.constant 0 : i32
    %eq3A_0 = arith.cmpi eq, %arg0, %eq3A : i32
    %convert_element_type3A = arith.extui %eq3A_0 : i1 to i32
    %cond3A = arith.constant 0 : i32
    %cond3A_1 = arith.cmpi ne, %convert_element_type3A, %cond3A : i32
    scf.if %cond3A_1 {
      %broadcast_in_dim3A_54 = arith.constant 0.000000e+00 : f32
      %broadcast_in_dim3A_55 = vector.broadcast %broadcast_in_dim3A_54 : f32 to vector<64x64xf32>
      %swap3A_56 = arith.constant 0 : index
      %swap3A_57 = arith.constant 0 : index
      %swap3A_58 = vector.load %arg9[%swap3A_56, %swap3A_57] : memref<64x64xf32, #tpu.memory_space<vmem>>, vector<64x64xf32>
      tpu.vector_store %arg9[%swap3A_56, %swap3A_57], %broadcast_in_dim3A_55 {strides = array<i32>} : memref<64x64xf32, #tpu.memory_space<vmem>>, vector<64x64xf32>,
      %broadcast_in_dim3A_59 = arith.constant 0.000000e+00 : f32
      %broadcast_in_dim3A_60 = vector.broadcast %broadcast_in_dim3A_59 : f32 to vector<64x1xf32>
      %swap3A_61 = arith.constant 0 : index
      %swap3A_62 = arith.constant 0 : index
      %swap3A_63 = vector.load %arg10[%swap3A_61, %swap3A_62] : memref<64x1xf32, #tpu.memory_space<vmem>>, vector<64x1xf32>
      tpu.vector_store %arg10[%swap3A_61, %swap3A_62], %broadcast_in_dim3A_60 {strides = array<i32>} : memref<64x1xf32, #tpu.memory_space<vmem>>, vector<64x1xf32>,
    } else {
    }
    %get3A = arith.constant 0 : index
    %get3A_2 = arith.constant 0 : index
    %get3A_3 = arith.constant 0 : index
    %get3A_4 = vector.load %arg1[%get3A, %get3A_2, %get3A_3] : memref<2x2000x64xf32, #tpu.memory_space<vmem>>, vector<1x2000x64xf32>
    %get3A_5 = vector.shape_cast %get3A_4 : vector<1x2000x64xf32> to vector<2000x64xf32>
    %get3A_6 = arith.constant 1 : index
    %get3A_7 = arith.constant 0 : index
    %get3A_8 = arith.constant 0 : index
    %get3A_9 = vector.load %arg1[%get3A_6, %get3A_7, %get3A_8] : memref<2x2000x64xf32, #tpu.memory_space<vmem>>, vector<1x2000x64xf32>
    %get3A_10 = vector.shape_cast %get3A_9 : vector<1x2000x64xf32> to vector<2000x64xf32>
    %add3A = arith.addf %get3A_5, %get3A_10 : vector<2000x64xf32>
    %get3A_11 = arith.constant 0 : index
    %get3A_12 = arith.constant 0 : index
    %get3A_13 = vector.load %arg2[%get3A_11, %get3A_12] : memref<2000x64xf32, #tpu.memory_space<vmem>>, vector<2000x64xf32>
    %add3A_14 = arith.addf %add3A, %get3A_13 : vector<2000x64xf32>
    %get3A_15 = arith.constant 0 : index
    %get3A_16 = arith.constant 0 : index
    %get3A_17 = vector.load %arg3[%get3A_15, %get3A_16] : memref<2000x1xf32, #tpu.memory_space<vmem>>, vector<2000x1xf32>
    %mul3A = vector.broadcast %get3A_17 : vector<2000x1xf32> to vector<2000x64xf32>
    %mul3A_18 = arith.mulf %add3A_14, %mul3A : vector<2000x64xf32>
    %get3A_19 = arith.constant 0 : index
    %get3A_20 = arith.constant 0 : index
    %get3A_21 = vector.load %arg4[%get3A_19, %get3A_20] : memref<1x64xf32, #tpu.memory_space<vmem>>, vector<1x64xf32>
    %add3A_22 = vector.broadcast %get3A_21 : vector<1x64xf32> to vector<2000x64xf32>
    %add3A_23 = arith.addf %mul3A_18, %add3A_22 : vector<2000x64xf32>
    %iota3A = tpu.iota {dimensions = array<i32: 0>} : vector<64x2000xi32>
    %get3A_24 = arith.constant 0 : index
    %get3A_25 = arith.constant 0 : index
    %get3A_26 = arith.constant 0 : index
    %get3A_27 = vector.load %arg5[%get3A_24, %get3A_25, %get3A_26] : memref<1x1x2000xi32, #tpu.memory_space<vmem>>, vector<1x1x2000xi32>
    %get3A_28 = vector.shape_cast %get3A_27 : vector<1x1x2000xi32> to vector<1x2000xi32>
    %eq3A_29 = vector.broadcast %get3A_28 : vector<1x2000xi32> to vector<64x2000xi32>
    %eq3A_30 = arith.cmpi eq, %iota3A, %eq3A_29 : vector<64x2000xi32>
    %jit3A = arith.constant 1.000000e+00 : f32
    %jit3A_31 = arith.constant 0.000000e+00 : f32
    %broadcast_in_dim3A = vector.broadcast %jit3A : f32 to vector<64x2000xf32>
    %broadcast_in_dim3A_32 = vector.broadcast %jit3A_31 : f32 to vector<64x2000xf32>
    %select_n3A = arith.select %eq3A_30, %broadcast_in_dim3A, %broadcast_in_dim3A_32 : vector<64x2000xi1>, vector<64x2000xf32>
    %get3A_33 = arith.constant 0 : index
    %get3A_34 = arith.constant 0 : index
    %get3A_35 = vector.load %arg9[%get3A_33, %get3A_34] : memref<64x64xf32, #tpu.memory_space<vmem>>, vector<64x64xf32>
    %dot_general3A = arith.constant dense<0.000000e+00> : vector<64x64xf32>
    %dot_general3A_36 = tpu.matmul %select_n3A, %add3A_23, %dot_general3A {dimension_numbers = #tpu.dot_dimension_numbers<[1], [0], [0], [1], [0, 0, 1, 1], [], []>, transpose_lhs_hint = false} : vector<64x2000xf32>, vector<2000x64xf32>, vector<64x64xf32> -> vector<64x64xf32>
    %add3A_37 = arith.addf %get3A_35, %dot_general3A_36 : vector<64x64xf32>
    %swap3A = arith.constant 0 : index
    %swap3A_38 = arith.constant 0 : index
    %swap3A_39 = vector.load %arg9[%swap3A, %swap3A_38] : memref<64x64xf32, #tpu.memory_space<vmem>>, vector<64x64xf32>
    tpu.vector_store %arg9[%swap3A, %swap3A_38], %add3A_37 {strides = array<i32>} : memref<64x64xf32, #tpu.memory_space<vmem>>, vector<64x64xf32>,
    %get3A_40 = arith.constant 0 : index
    %get3A_41 = arith.constant 0 : index
    %get3A_42 = vector.load %arg10[%get3A_40, %get3A_41] : memref<64x1xf32, #tpu.memory_space<vmem>>, vector<64x1xf32>
    %reduce_sum3A = arith.constant dense<0.000000e+00> : vector<64xf32>
    %reduce_sum3A_43 = vector.multi_reduction <add>, %select_n3A, %reduce_sum3A [1] : vector<64x2000xf32> to vector<64xf32>
    %broadcast_in_dim3A_44 = vector.shape_cast %reduce_sum3A_43 : vector<64xf32> to vector<64x1xf32>
    %add3A_45 = arith.addf %get3A_42, %broadcast_in_dim3A_44 : vector<64x1xf32>
    %swap3A_46 = arith.constant 0 : index
    %swap3A_47 = arith.constant 0 : index
    %swap3A_48 = vector.load %arg10[%swap3A_46, %swap3A_47] : memref<64x1xf32, #tpu.memory_space<vmem>>, vector<64x1xf32>
    tpu.vector_store %arg10[%swap3A_46, %swap3A_47], %add3A_45 {strides = array<i32>} : memref<64x1xf32, #tpu.memory_space<vmem>>, vector<64x1xf32>,
    %eq3A_49 = arith.constant 4 : i32
    %eq3A_50 = arith.cmpi eq, %arg0, %eq3A_49 : i32
    %convert_element_type3A_51 = arith.extui %eq3A_50 : i1 to i32
    %cond3A_52 = arith.constant 0 : i32
    %cond3A_53 = arith.cmpi ne, %convert_element_type3A_51, %cond3A_52 : i32
    scf.if %cond3A_53 {
      %get3A_54 = arith.constant 0 : index
      %get3A_55 = arith.constant 0 : index
      %get3A_56 = vector.load %arg9[%get3A_54, %get3A_55] : memref<64x64xf32, #tpu.memory_space<vmem>>, vector<64x64xf32>
      %get3A_57 = arith.constant 0 : index
      %get3A_58 = arith.constant 0 : index
      %get3A_59 = vector.load %arg10[%get3A_57, %get3A_58] : memref<64x1xf32, #tpu.memory_space<vmem>>, vector<64x1xf32>
      %max3A = arith.constant 1.000000e+00 : f32
      %max3A_60 = vector.broadcast %max3A : f32 to vector<64x1xf32>
      %max3A_61 = arith.maximumf %get3A_59, %max3A_60 : vector<64x1xf32>
      %div3A = vector.broadcast %max3A_61 : vector<64x1xf32> to vector<64x64xf32>
      %div3A_62 = arith.divf %get3A_56, %div3A : vector<64x64xf32>
      %get3A_63 = arith.constant 0 : index
      %get3A_64 = arith.constant 0 : index
      %get3A_65 = vector.load %arg6[%get3A_63, %get3A_64] : memref<64x10xf32, #tpu.memory_space<vmem>>, vector<64x10xf32>
      %dot_general3A_66 = arith.constant dense<0.000000e+00> : vector<64x10xf32>
      %dot_general3A_67 = tpu.matmul %div3A_62, %get3A_65, %dot_general3A_66 {dimension_numbers = #tpu.dot_dimension_numbers<[1], [0], [0], [1], [0, 0, 1, 1], [], []>, transpose_lhs_hint = false} : vector<64x64xf32>, vector<64x10xf32>, vector<64x10xf32> -> vector<64x10xf32>
      %get3A_68 = arith.constant 0 : index
      %get3A_69 = arith.constant 0 : index
      %get3A_70 = vector.load %arg7[%get3A_68, %get3A_69] : memref<1x10xf32, #tpu.memory_space<vmem>>, vector<1x10xf32>
      %add3A_71 = vector.broadcast %get3A_70 : vector<1x10xf32> to vector<64x10xf32>
      %add3A_72 = arith.addf %dot_general3A_67, %add3A_71 : vector<64x10xf32>
      %swap3A_73 = arith.constant 0 : index
      %swap3A_74 = arith.constant 0 : index
      %swap3A_75 = vector.load %arg8[%swap3A_73, %swap3A_74] : memref<64x10xf32, #tpu.memory_space<vmem>>, vector<64x10xf32>
      tpu.vector_store %arg8[%swap3A_73, %swap3A_74], %add3A_72 {strides = array<i32>} : memref<64x10xf32, #tpu.memory_space<vmem>>, vector<64x10xf32>,
    } else {
    }
    return
  }
  func.func @transform_0(%arg0: i32) -> (i32, i32, i32) {
    %c0_i32 = arith.constant 0 : i32
    %c0_i32_0 = arith.constant 0 : i32
    %c0_i32_1 = arith.constant 0 : i32
    return %c0_i32, %arg0, %c0_i32_0 : i32, i32, i32
  }
  func.func @transform_1(%arg0: i32) -> (i32, i32) {
    %c0_i32 = arith.constant 0 : i32
    %c0_i32_0 = arith.constant 0 : i32
    return %arg0, %c0_i32 : i32, i32
  }
  func.func @transform_2(%arg0: i32) -> (i32, i32) {
    %c0_i32 = arith.constant 0 : i32
    %c0_i32_0 = arith.constant 0 : i32
    return %arg0, %c0_i32 : i32, i32
  }
  func.func @transform_3(%arg0: i32) -> (i32, i32) {
    %c0_i32 = arith.constant 0 : i32
    %c0_i32_0 = arith.constant 0 : i32
    %c0_i32_1 = arith.constant 0 : i32
    return %c0_i32, %c0_i32_0 : i32, i32
  }
  func.func @transform_4(%arg0: i32) -> (i32, i32, i32) {
    %c0_i32 = arith.constant 0 : i32
    %c0_i32_0 = arith.constant 0 : i32
    %c0_i32_1 = arith.constant 0 : i32
    return %arg0, %c0_i32, %c0_i32_0 : i32, i32, i32
  }
  func.func @transform_5(%arg0: i32) -> (i32, i32) {
    %c0_i32 = arith.constant 0 : i32
    %c0_i32_0 = arith.constant 0 : i32
    %c0_i32_1 = arith.constant 0 : i32
    return %c0_i32, %c0_i32_0 : i32, i32
  }
  func.func @transform_6(%arg0: i32) -> (i32, i32) {
    %c0_i32 = arith.constant 0 : i32
    %c0_i32_0 = arith.constant 0 : i32
    %c0_i32_1 = arith.constant 0 : i32
    return %c0_i32, %c0_i32_0 : i32, i32
  }
  func.func @transform_7(%arg0: i32) -> (i32, i32) {
    %c0_i32 = arith.constant 0 : i32
    %c0_i32_0 = arith.constant 0 : i32
    %c0_i32_1 = arith.constant 0 : i32
    return %c0_i32, %c0_i32_0 : i32, i32
  }
}

</mosaic_0001>

<sc_bundles>
// kernel: kernel.11.cloned.1.call-start
scs
__scs_entry_jumppad:
0x0: {  	(pc) =	sbr.rel $0x88, $3  }
0x1: {  	(tag) =	ssettag $0x0;
	lr =	simm.s32 $0x1  }
0x2: {  	[smem:$0x3F98] =	sst lr;
	_ =	strace $0xD0000000  }
0x3: {  	_ = 	snop  }
0x4: {  	_ = 	snop  }
0x5: {  	_ = 	snop  }
0x6: {  	_ = 	snop  }
0x7: {  	_ = 	snop  }
__scs_overlays_trampoline_lowered:
0x8: {  	[smem:$0x3FA7] =	sst s0  }
0x9: {  	[smem:$0x3FA8] =	sst s1  }
0xa: {  	[smem:$0x3FA9] =	sst s2  }
0xb: {  	[smem:$0x3FAA] =	sst s3  }
0xc: {  	[smem:$0x3FAB] =	sst s4  }
0xd: {  	[smem:$0x3FAC] =	sst s5  }
0xe: {  	[smem:$0x3FAD] =	sst s6  }
0xf: {  	[smem:$0x3FAE] =	sst s7  }
0x10: {  	[smem:$0x3FAF] =	sst s8  }
0x11: {  	[smem:$0x3FB0] =	sst s9;
	s0 =	simm.s32 @!p0 $0x0  }
0x12: {  	s1 =	sld [smem:$0x3F96];
	s0 =	simm.s32 @p0 $0x1  }
0x13: {  	[smem:$0x3FB1] =	sst s0;
	s0 =	simm.s32 @!p1 $0x0  }
0x14: {  	s2 =	sld [smem:$0x3F95];
	s0 =	simm.s32 @p1 $0x1  }
0x15: {  	[smem:$0x3FB2] =	sst s0;
	s0 =	simm.s32 @!p2 $0x0  }
0x16: {  	s3 =	sld [smem:$0x3FDB];
	s0 =	simm.s32 @p2 $0x1  }
0x17: {  	s4 =	simm.s32 $0x1BF5;
	[smem:$0x3FB4] =	sst s0  }
0x18: {  	s0 =	sld [smem:$0x3F97];
	_ =	swait.ge [sflag:s4], $0x0  }
0x19: {  	s7 =	sld [smem:$0x3F98]  }
0x1a: {  	s8 =	sadd.s32 $0xFFFFE003, lr  }
0x1b: {  	s9 =	sadd.s32 $0xFFFFFEF7, lr;
	s5 =	simm.s32 $0xFFFFFFFF;
	p2 =	slt.u32 s8, $0xFFFFF086  }
0x1c: {  	p1 =	slt.u32 s9, $0xF7A;
	s5 =	simm.s32 @!p2 $0x0  }
0x1d: {  	s5 =	simm.s32 @p1 $0x1;
	p0 =	seq.s32 s7, s2  }
0x1e: {  	s7 =	smul.u32 @!p0 $0xF7A, s2;
	p2 =	seq.s32 @!p0 s5, $0x0  }
0x1f: {  	s9 =	smul.u32 $0xF7A, s1;
	s8 =	simm.s32 @!p0 $0x1BF5;
	p2 =	por !p2, p0  }
0x20: {  	[sflag:s8] =	ssyncset.s32 @!p0 $0xFFFFF086;
	s6 =	sadd.s32 @!p0 s3, s7;
	s7 =	simm.s32 @!p0 $0x108  }
0x21: {  	s3 =	sadd.s32 s3, s9;
	s6 =	sadd.s32 @!p0 $0x88, s6;
	s7 =	simm.s32 @p2 $0x1082  }
0x22: {  	[simem:s7], [sflag:s8] =	dma.local @!p0 [hbm:s6], $0xF7A  }
0x23: {  	s9 =	sor.u32 $0xD0000000, s2;
	s6 =	simm.s32 $0x108;
	_ =	swait.ge @!p0 [sflag:s8], $0x0  }
0x24: {  	s3 =	sadd.s32 $0x88, s3;
	s6 =	simm.s32 @!p1 $0x1082;
	[sflag:s4] =	ssyncset.s32 $0xFFFFF086  }
0x25: {  	[simem:s6], [sflag:s4] =	dma.local [hbm:s3], $0xF7A  }
0x26: {  	[smem:$0x3F98] =	sst s1;
	(tag) =	ssettag s2;
	_ =	strace s9  }
0x27: {  	s1 =	sld [smem:$0x3FA8]  }
0x28: {  	s2 =	sld [smem:$0x3FA9]  }
0x29: {  	s4 =	sld [smem:$0x3FAB]  }
0x2a: {  	p0 =	seq.s32 s5, $0x0;
	s5 =	sld [smem:$0x3FAC]  }
0x2b: {  	s6 =	sld [smem:$0x3FAD]  }
0x2c: {  	s7 =	sld [smem:$0x3FAE]  }
0x2d: {  	s3 =	simm.s32 $0x108;
	s8 =	sld [smem:$0x3FAF]  }
0x2e: {  	s3 =	simm.s32 @!p0 $0x1082;
	s9 =	sld [smem:$0x3FB0]  }
0x2f: {  	lr =	sadd.s32 s0, s3;
	s0 =	sld [smem:$0x3FA7]  }
0x30: {  	s3 =	sld [smem:$0x3FAA]  }
0x31: {  	[smem:$0x3FB3] =	sst s10  }
0x32: {  	s10 =	sld [smem:$0x3FB1];
	_ =	sdelay $0x3  }
0x33: {  	p0 =	seq.s32 s10, $0x1;
	s10 =	sld [smem:$0x3FB3];
	_ =	sdelay $0x3  }
0x34: {  	[smem:$0x3FB3] =	sst s10  }
0x35: {  	s10 =	sld [smem:$0x3FB2];
	_ =	sdelay $0x3  }
0x36: {  	p1 =	seq.s32 s10, $0x1;
	s10 =	sld [smem:$0x3FB3];
	_ =	sdelay $0x3  }
0x37: {  	[smem:$0x3FB3] =	sst s10  }
0x38: {  	s10 =	sld [smem:$0x3FB4]  }
0x39: {  	_ = 	snop;
	(pc) =	sbr.ind lr, $3  }
0x3a: {  	_ = 	snop  }
0x3b: {  	_ = 	snop  }
0x3c: {  	p2 =	seq.s32 s10, $0x1;
	s10 =	sld [smem:$0x3FB3]  }
0x3d: {  	_ =	shalt  }
0x3e: {  	_ =	shalt  }
0x3f: {  	_ =	shalt  }
0x40: {  	_ =	shalt  }
0x41: {  	_ =	shalt  }
0x42: {  	_ =	shalt  }
0x43: {  	_ =	shalt  }
0x44: {  	_ =	shalt  }
0x45: {  	_ =	shalt  }
0x46: {  	_ =	shalt  }
0x47: {  	_ =	shalt  }
0x48: {  	_ =	shalt  }
0x49: {  	_ =	shalt  }
0x4a: {  	_ =	shalt  }
0x4b: {  	_ =	shalt  }
0x4c: {  	_ =	shalt  }
0x4d: {  	_ =	shalt  }
0x4e: {  	_ =	shalt  }
0x4f: {  	_ =	shalt  }
0x50: {  	_ =	shalt  }
0x51: {  	_ =	shalt  }
0x52: {  	_ =	shalt  }
0x53: {  	_ =	shalt  }
0x54: {  	_ =	shalt  }
0x55: {  	_ =	shalt  }
0x56: {  	_ =	shalt  }
0x57: {  	_ =	shalt  }
0x58: {  	_ =	shalt  }
0x59: {  	_ =	shalt  }
0x5a: {  	_ =	shalt  }
0x5b: {  	_ =	shalt  }
0x5c: {  	_ =	shalt  }
0x5d: {  	_ =	shalt  }
0x5e: {  	_ =	shalt  }
0x5f: {  	_ =	shalt  }
0x60: {  	_ =	shalt  }
0x61: {  	_ =	shalt  }
0x62: {  	_ =	shalt  }
0x63: {  	_ =	shalt  }
0x64: {  	_ =	shalt  }
0x65: {  	_ =	shalt  }
0x66: {  	_ =	shalt  }
0x67: {  	_ =	shalt  }
0x68: {  	_ =	shalt  }
0x69: {  	_ =	shalt  }
0x6a: {  	_ =	shalt  }
0x6b: {  	_ =	shalt  }
0x6c: {  	_ =	shalt  }
0x6d: {  	_ =	shalt  }
0x6e: {  	_ =	shalt  }
0x6f: {  	_ =	shalt  }
0x70: {  	_ =	shalt  }
0x71: {  	_ =	shalt  }
0x72: {  	_ =	shalt  }
0x73: {  	_ =	shalt  }
0x74: {  	_ =	shalt  }
0x75: {  	_ =	shalt  }
0x76: {  	_ =	shalt  }
0x77: {  	_ =	shalt  }
0x78: {  	_ =	shalt  }
0x79: {  	_ =	shalt  }
0x7a: {  	_ =	shalt  }
0x7b: {  	_ =	shalt  }
0x7c: {  	_ =	shalt  }
0x7d: {  	_ =	shalt  }
0x7e: {  	_ =	shalt  }
0x7f: {  	_ =	shalt  }
0x80: {  	_ =	shalt  }
0x81: {  	_ =	shalt  }
0x82: {  	_ =	shalt  }
0x83: {  	_ =	shalt  }
0x84: {  	_ =	shalt  }
0x85: {  	_ =	shalt  }
0x86: {  	_ =	shalt  }
0x87: {  	_ =	shalt  }
.Lfunc_end0:
.L_simem_size_0:
called_computation.1_lowered:
.L_overlay_start_0:
0x88: {  	s2 =	sld [smem:$0x3FD9]  }
0x89: {  	s3 =	sld [smem:$0x3FFE];
	_ =	sdelay $0x1  }
0x8a: {  	s1 =	srdreg.scid  }
0x8b: {  	s0 =	sand.u32 $0x1, s1  }
0x8c: {  	s16 =	sshll.u32 s0, $0xA;
	s2 =	sadd.s32 s3, s2  }
0x8d: {  	s2 =	sadd.s32 s2, s16  }
0x8e: {  	[smem:$0x3FBF] =	sst s2  }
0x8f: {  	_ = 	snop  }
0x90: {  	(tm) =	ssettm $0x1  }
0x91: {  	s17 =	sld [smem:$0x3FFB];
	_ =	sdelay $0x3  }
0x92: {  	_ =	strace s17  }
0x93: {  	s2 =	sld [smem:$0x3FFC];
	_ =	sdelay $0x3  }
0x94: {  	_ =	strace s2  }
0x95: {  	s2 =	sld [smem:$0x3FFD];
	_ =	sdelay $0x3  }
0x96: {  	_ =	strace s2  }
0x97: {  	_ =	strace $0x8FFFFFFF  }
0x98: {  	s18 =	sld [smem:$0x3FDB];
	_ =	sdelay $0x1  }
0x99: {  	s19 =	simm.s32 $_scs_section_size  }
0x9a: {  	s4 =	simm.s32 $_size__tile_overlayer_lowered;
	s5 =	simm.s32 $_tile_overlayer_lowered  }
0x9b: {  	s22 =	simm.s32 $0x1BFF;
	s21 =	sshll.u32 s5, $0x1;
	s2 =	sadd.s32 s19, s18  }
0x9c: {  	s6 =	simm.s32 $0x0;
	s20 =	sshll.u32 s4, $0x1;
	s4 =	sadd.s32 s21, s2  }
0x9d: {  	[timem:s6], [sflag:s22] =	dma.local [hbm:s4], s20  }
0x9e: {  	_ =	swait.ge [sflag:s22], s20  }
0x9f: {  	s3 =	ssub.s32 $0x0, s20;
	[sflag:s22] =	ssyncset.done $0x0  }
0xa0: {  	[sflag:s22] =	ssyncadd.s32 s3;
	_ =	sdelay $0x1  }
0xa1: {  	s23 =	simm.s32 $0x1B8B  }
0xa2: {  	_ =	swait.ge [sflag:s23], $0x1  }
0xa3: {  	[sflag:s23] =	ssyncset.done $0x0  }
0xa4: {  	s25 =	simm.s32 $0x1B8E;
	s24 =	sld [smem:$0x3FFE];
	[sflag:s23] =	ssyncadd.s32 $0xFFFFFFFF  }
0xa5: {  	s26 =	simm.s32 $execute0_lowered;
	[smem:$0x3FD2] =	sst s25  }
0xa6: {  	s4 =	sshll.u32 s26, $0x1;
	_ =	strace $0x80000049;
	[dreg:$0x1] =	wrdreg $0xFFFFFFFF  }
0xa7: {  	s28 =	simm.s32 $_size_execute0_lowered;
	s2 =	sadd.s32 s2, s4;
	[dreg:$0x0] =	wrdreg $0x0  }
0xa8: {  	s4 =	sshll.u32 s28, $0x1;
	[dreg:$0x2] =	wrdreg s2  }
0xa9: {  	[dreg:$0x3] =	wrdreg s4  }
0xaa: {  	[dreg:$0x4] =	wrdreg $0xC0  }
0xab: {  	_ =	task [dreg:s6], $0x5FFFF  }
0xac: {  	[dreg:$0x1] =	wrdreg $0xFFFFFFFF  }
0xad: {  	[dreg:$0x0] =	wrdreg $0x60  }
0xae: {  	[dreg:$0x2] =	wrdreg s24  }
0xaf: {  	[dreg:$0x3] =	wrdreg $0xC6200  }
0xb0: {  	[dreg:$0x4] =	wrdreg $0x9  }
0xb1: {  	_ =	task.clear_ibuf [dreg:s6], $0x5FFFF;
	_ =	strace $0x90000049  }
0xb2: {  	s29 =	simm.s32 $0x9;
	_ =	strace $0x8000004B  }
0xb3: {  	_ =	swait.ge [sflag:s29], $0x1  }
0xb4: {  	[sflag:s29] =	ssyncadd.s32 $0xFFFFFFFF  }
0xb5: {  	_ =	strace $0x9000004B  }
0xb6: {  	_ =	sfence  }
0xb7: {  	s30 =	sld [smem:$0x0];
	_ =	sdelay $0x2  }
0xb8: {  	s31 =	sshll.u32 s1, $0xD;
	s1 =	sshrl.u32 s1, $0x2  }
0xb9: {  	s3 =	sand.u32 $0x4000, s31;
	s1 =	sadd.s32 s1, s30  }
0xba: {  	s0 =	sor.u32 s3, s0;
	s1 =	sshll.u32 s1, $0x11  }
0xbb: {  	s0 =	sor.u32 s1, s0  }
0xbc: {  	s0 =	sadd.s32 $0x8F2B, s0  }
0xbd: {  	[sflag:s0] =	ssyncadd.remote.s32 $0x1  }
0xbe: {  	_ =	sfence.sel $0xFFFF  }
0xbf: {  	[dreg:$0x0] =	wrdreg $0xFFFFFFFF;
	(pc) =	sbr.abs _section_cstart, $3  }
0xc0: {  	[dreg:$0x1] =	wrdreg $0xFFFFFFFF  }
0xc1: {  	_ =	task.clear_ibuf [dreg:s6], $0x2FFFF;
	_ =	strace $0x9FFFFFFF  }
0xc2: {  	(tm) =	ssettm $0x7FFFFFFF  }
0xc3: {  	_ =	shalt  }
tec
execute0_lowered:
.L_overlay_start_1:
0x0: {  	(tag) =	ssettag $0x1  }
0x1: {  	s0 =	srdreg.scid;
	s5 =	rddreg [dreg:$0x0]  }
0x2: {  	s4 =	stileid.u32;
	s2 =	rddreg [dreg:$0x1]  }
0x3: {  	s3 =	simm.s32 $0x0;
	s11 =	simm.s32 $0x4E20;
	s12 =	simm.s32 $0x7  }
0x4: {  	s13 =	simm.s32 $0x2710;
	s14 =	simm.s32 $0x50;
	s15 =	simm.s32 $0x7620  }
0x5: {  	s16 =	simm.s32 $0x1;
	s18 =	simm.s32 $0x9E20;
	s19 =	simm.s32 $0x2  }
0x6: {  	s20 =	simm.s32 $0x2760;
	s21 =	simm.s32 $0x4;
	s22 =	simm.s32 $0xF0  }
0x7: {  	s23 =	simm.s32 $0x3;
	s24 =	simm.s32 $0x27B0;
	s28 =	simm.s32 $0x140  }
0x8: {  	s29 =	simm.s32 $0x6;
	s30 =	simm.s32 $0x4D80;
	s31 =	simm.s32 $0x4DD0  }
0x9: {  	s0 =	sand.u32 $0x1, s0;
	s1 =	sshll.u32 s4, $0x1;
	s10 =	smul.u32 $0x13880, s4  }
0xa: {  	[smem:$0x7FF] =	sst s3;
	s7 =	smul.u32 $0x4E200, s4;
	s4 =	sadd.s32 $0x16200, s5  }
0xb: {  	s1 =	sor.u32 s0, s1;
	s6 =	smul.u32 $0x138800, s0;
	_ =	strace $0x8000004A  }
0xc: {  	s0 =	ssub.s32 $0x2, s0;
	s1 =	smul.u32 $0x4E2, s1;
	s7 =	sshrl.u32 s7, $0x2  }
0xd: {  	s25 =	sshrl.u32 s0, $0x1;
	s26 =	sadd.s32 s10, s2;
	s6 =	sadd.s32 s10, s6  }
0xe: {  	s0 =	ssub.s32 s0, s25;
	s25 =	sshrl.u32 s26, $0x3;
	s26 =	simm.s32 $0x5  }
0xf: {  	s1 =	sadd.s32 s1, s5;
	s6 =	sshrl.u32 s6, $0x3;
	s10 =	smax.u32 s0, $0x1  }
0x10: {  	s9 =	sadd.s32 s6, s5;
	s5 =	sadd.s32 s7, s2;
	s7 =	sadd.s32 $0x2600, s1  }
0x11: {  	v0 =	vimm.f32 $0.0e+00;
	s8 =	sadd.s32 $0xC400, s1;
	s6 =	sadd.s32 $0x13800, s5;
	s9 =	sadd.s32 $0x3D400, s9  }
.LBB2_1:
0x12: {  	[tilespmem:$0x4E20] =	vst v0  }
0x13: {  	[tilespmem:$0x4E30] =	vst v0  }
0x14: {  	[tilespmem:$0x4E40] =	vst v0  }
0x15: {  	[tilespmem:$0x4E50] =	vst v0  }
0x16: {  	[tilespmem:$0x4E60] =	vst v0  }
0x17: {  	[tilespmem:$0x4E70] =	vst v0  }
0x18: {  	[tilespmem:$0x4E80] =	vst v0  }
0x19: {  	[tilespmem:$0x4E90] =	vst v0  }
0x1a: {  	[tilespmem:$0x4EA0] =	vst v0  }
0x1b: {  	[tilespmem:$0x4EB0] =	vst v0  }
0x1c: {  	[tilespmem:$0x4EC0] =	vst v0  }
0x1d: {  	[tilespmem:$0x4ED0] =	vst v0  }
0x1e: {  	[tilespmem:$0x4EE0] =	vst v0  }
0x1f: {  	[tilespmem:$0x4EF0] =	vst v0  }
0x20: {  	[tilespmem:$0x4F00] =	vst v0  }
0x21: {  	[tilespmem:$0x4F10] =	vst v0  }
0x22: {  	[tilespmem:$0x4F20] =	vst v0  }
0x23: {  	[tilespmem:$0x4F30] =	vst v0  }
0x24: {  	[tilespmem:$0x4F40] =	vst v0  }
0x25: {  	[tilespmem:$0x4F50] =	vst v0  }
0x26: {  	[tilespmem:$0x4F60] =	vst v0  }
0x27: {  	[tilespmem:$0x4F70] =	vst v0  }
0x28: {  	[tilespmem:$0x4F80] =	vst v0  }
0x29: {  	[tilespmem:$0x4F90] =	vst v0  }
0x2a: {  	[tilespmem:$0x4FA0] =	vst v0  }
0x2b: {  	[tilespmem:$0x4FB0] =	vst v0  }
0x2c: {  	[tilespmem:$0x4FC0] =	vst v0  }
0x2d: {  	[tilespmem:$0x4FD0] =	vst v0  }
0x2e: {  	[tilespmem:$0x4FE0] =	vst v0  }
0x2f: {  	[tilespmem:$0x4FF0] =	vst v0  }
0x30: {  	[tilespmem:$0x5000] =	vst v0  }
0x31: {  	[tilespmem:$0x5010] =	vst v0  }
0x32: {  	[tilespmem:$0x5020] =	vst v0  }
0x33: {  	[tilespmem:$0x5030] =	vst v0  }
0x34: {  	[tilespmem:$0x5040] =	vst v0  }
0x35: {  	[tilespmem:$0x5050] =	vst v0  }
0x36: {  	[tilespmem:$0x5060] =	vst v0  }
0x37: {  	[tilespmem:$0x5070] =	vst v0  }
0x38: {  	[tilespmem:$0x5080] =	vst v0  }
0x39: {  	[tilespmem:$0x5090] =	vst v0  }
0x3a: {  	[tilespmem:$0x50A0] =	vst v0  }
0x3b: {  	[tilespmem:$0x50B0] =	vst v0  }
0x3c: {  	[tilespmem:$0x50C0] =	vst v0  }
0x3d: {  	[tilespmem:$0x50D0] =	vst v0  }
0x3e: {  	[tilespmem:$0x50E0] =	vst v0  }
0x3f: {  	[tilespmem:$0x50F0] =	vst v0  }
0x40: {  	[tilespmem:$0x5100] =	vst v0  }
0x41: {  	[tilespmem:$0x5110] =	vst v0  }
0x42: {  	[tilespmem:$0x5120] =	vst v0  }
0x43: {  	[tilespmem:$0x5130] =	vst v0  }
0x44: {  	[tilespmem:$0x5140] =	vst v0  }
0x45: {  	[tilespmem:$0x5150] =	vst v0  }
0x46: {  	[tilespmem:$0x5160] =	vst v0  }
0x47: {  	[tilespmem:$0x5170] =	vst v0  }
0x48: {  	[tilespmem:$0x5180] =	vst v0  }
0x49: {  	[tilespmem:$0x5190] =	vst v0  }
0x4a: {  	[tilespmem:$0x51A0] =	vst v0  }
0x4b: {  	[tilespmem:$0x51B0] =	vst v0  }
0x4c: {  	[tilespmem:$0x51C0] =	vst v0  }
0x4d: {  	[tilespmem:$0x51D0] =	vst v0  }
0x4e: {  	[tilespmem:$0x51E0] =	vst v0  }
0x4f: {  	[tilespmem:$0x51F0] =	vst v0  }
0x50: {  	[tilespmem:$0x5200] =	vst v0  }
0x51: {  	[tilespmem:$0x5210] =	vst v0;
	s0 =	sadd.s32 $0x0, s5  }
0x52: {  	[spmem:s0] =	stream.linear.scatter [tilespmem:s11], [sflag:$0x7], $0x400, $0x38;
	[tilespmem:$0x1FEA0] =	vst v63  }
0x53: {  	s1 =	simm.s32 $0x1000;
	_ =	swait.ge [sflag:s12], $0x400  }
.LBB2_2:
0x54: {  	s0 =	sshra.s32 s1, $0x2;
	[sflag:s12] =	ssyncset.done $0x0;
	p0 =	sne.s32 s1, $0x4D000  }
.Ltmp0:
0x55: {  	s0 =	sadd.s32 s0, s5;
	[sflag:s12] =	ssyncadd.s32 $0xFFFFFC00;
	(pc) =	sbr.rel @p0 .LBB2_2-.Ltmp0, $3  }
0x56: {  	[spmem:s0] =	stream.linear.scatter [tilespmem:s11], [sflag:$0x7], $0x400, $0x38;
	[tilespmem:$0x1FEA0] =	vst v63  }
0x57: {  	s1 =	sadd.s32 $0x1000, s1;
	_ =	sdelay $0x1  }
0x58: {  	_ =	swait.ge [sflag:s12], $0x400  }
0x59: {  	[sflag:s12] =	ssyncset.done $0x0  }
0x5a: {  	[sflag:s12] =	ssyncadd.s32 $0xFFFFFC00  }
0x5b: {  	[spmem:s6] =	stream.linear.scatter [tilespmem:s11], [sflag:$0x7], $0x80, $0x38;
	[tilespmem:$0x1FEA0] =	vst v63  }
0x5c: {  	_ =	swait.ge [sflag:s12], $0x80  }
0x5d: {  	[sflag:s12] =	ssyncset.done $0x0  }
0x5e: {  	s0 =	simm.s32 $0x0;
	[sflag:s12] =	ssyncadd.s32 $0xFFFFFF80  }
0x5f: {  	[tilespmem:s0], [sflag:$0x7] =	stream.linear.gather [hbm4b:s7+s0], $0x2710, $0x38;
	[tilespmem:$0x1FEA0] =	vst v63  }
0x60: {  	_ =	swait.ge [sflag:s12], $0x2710  }
0x61: {  	[sflag:s12] =	ssyncset.done $0x0  }
0x62: {  	[sflag:s12] =	ssyncadd.s32 $0xFFFFD8F0  }
0x63: {  	[tilespmem:s13], [sflag:$0x7] =	stream.linear.gather [hbm4b:s8+s0], $0x2710, $0x38;
	[tilespmem:$0x1FEA0] =	vst v63  }
0x64: {  	_ =	swait.ge [sflag:s12], $0x2710  }
0x65: {  	[sflag:s12] =	ssyncset.done $0x0  }
0x66: {  	[sflag:s12] =	ssyncadd.s32 $0xFFFFD8F0  }
0x67: {  	[bflag:$0x0] =	sbarrier.arrive $0xFFFF  }
0x68: {  	[tilespmem:s11], [sflag:$0x1] =	stream.indirect.gather [hbm4b:s4+s14], $0x80, s0, s14, $0xb8;
	[tilespmem:$0x1FEA0] =	vst v63  }
0x69: {  	_ = 	snop  }
0x6a: {  	[tilespmem:s15], [sflag:$0x2] =	stream.indirect.gather [hbm4b:s4+s14], $0x80, s14, s14, $0xb8;
	[tilespmem:$0x1FEA0] =	vst v63  }
0x6b: {  	_ =	swait.ge [sflag:s16], $0x2800  }
0x6c: {  	[sflag:s16] =	ssyncset.done $0x0  }
0x6d: {  	[sflag:s16] =	ssyncadd.s32 $0xFFFFD800  }
0x6e: {  	[spmem:s2] =	stream.indirect.scatter.add.f32 [tilespmem:s11], [sflag:$0x4], $0x80, s13, s14, $0xb8;
	[tilespmem:$0x1FEA0] =	vst v63  }
0x6f: {  	s1 =	simm.s32 $0xA0  }
0x70: {  	[tilespmem:s18], [sflag:$0x3] =	stream.indirect.gather [hbm4b:s4+s14], $0x80, s1, s14, $0xb8;
	[tilespmem:$0x1FEA0] =	vst v63  }
0x71: {  	_ =	swait.ge [sflag:s19], $0x2800  }
0x72: {  	[sflag:s19] =	ssyncset.done $0x0  }
0x73: {  	[sflag:s19] =	ssyncadd.s32 $0xFFFFD800  }
0x74: {  	[spmem:s2] =	stream.indirect.scatter.add.f32 [tilespmem:s15], [sflag:$0x5], $0x80, s20, s14, $0xb8;
	[tilespmem:$0x1FEA0] =	vst v63  }
0x75: {  	_ =	swait.ge [sflag:s21], $0x2800  }
0x76: {  	[sflag:s21] =	ssyncset.done $0x0  }
0x77: {  	[sflag:s21] =	ssyncadd.s32 $0xFFFFD800  }
0x78: {  	[tilespmem:s11], [sflag:$0x1] =	stream.indirect.gather [hbm4b:s4+s14], $0x80, s22, s14, $0xb8;
	[tilespmem:$0x1FEA0] =	vst v63  }
0x79: {  	_ =	swait.ge [sflag:s23], $0x2800  }
0x7a: {  	[sflag:s23] =	ssyncset.done $0x0  }
0x7b: {  	[sflag:s23] =	ssyncadd.s32 $0xFFFFD800  }
0x7c: {  	[spmem:s2] =	stream.indirect.scatter.add.f32 [tilespmem:s18], [sflag:$0x6], $0x80, s24, s14, $0xb8;
	[tilespmem:$0x1FEA0] =	vst v63  }
0x7d: {  	_ =	swait.ge [sflag:s26], $0x2800  }
0x7e: {  	[sflag:s26] =	ssyncset.done $0x0  }
0x7f: {  	[sflag:s26] =	ssyncadd.s32 $0xFFFFD800  }
0x80: {  	[tilespmem:s15], [sflag:$0x2] =	stream.indirect.gather [hbm4b:s4+s14], $0x80, s28, s14, $0xb8;
	[tilespmem:$0x1FEA0] =	vst v63  }
0x81: {  	_ =	swait.ge [sflag:s16], $0x2800  }
0x82: {  	[sflag:s16] =	ssyncset.done $0x0  }
0x83: {  	s17 =	simm.s32 $0x2800;
	[sflag:s16] =	ssyncadd.s32 $0xFFFFD800  }
0x84: {  	[spmem:s2] =	stream.indirect.scatter.add.f32 [tilespmem:s11], [sflag:$0x4], $0x80, s17, s14, $0xb8;
	[tilespmem:$0x1FEA0] =	vst v63  }
0x85: {  	_ =	swait.ge [sflag:s29], $0x2800  }
0x86: {  	[sflag:s29] =	ssyncset.done $0x0  }
0x87: {  	s1 =	simm.s32 $0x190;
	[sflag:s29] =	ssyncadd.s32 $0xFFFFD800  }
0x88: {  	[tilespmem:s18], [sflag:$0x3] =	stream.indirect.gather [hbm4b:s4+s14], $0x80, s1, s14, $0xb8;
	[tilespmem:$0x1FEA0] =	vst v63  }
0x89: {  	_ =	swait.ge [sflag:s19], $0x2800  }
0x8a: {  	[sflag:s19] =	ssyncset.done $0x0  }
0x8b: {  	s17 =	simm.s32 $0x2850;
	[sflag:s19] =	ssyncadd.s32 $0xFFFFD800  }
0x8c: {  	[spmem:s2] =	stream.indirect.scatter.add.f32 [tilespmem:s15], [sflag:$0x5], $0x80, s17, s14, $0xb8;
	[tilespmem:$0x1FEA0] =	vst v63  }
0x8d: {  	_ =	swait.ge [sflag:s21], $0x2800  }
0x8e: {  	[sflag:s21] =	ssyncset.done $0x0  }
0x8f: {  	s1 =	simm.s32 $0x1E0;
	[sflag:s21] =	ssyncadd.s32 $0xFFFFD800  }
0x90: {  	[tilespmem:s11], [sflag:$0x1] =	stream.indirect.gather [hbm4b:s4+s14], $0x80, s1, s14, $0xb8;
	[tilespmem:$0x1FEA0] =	vst v63  }
0x91: {  	_ =	swait.ge [sflag:s23], $0x2800  }
0x92: {  	[sflag:s23] =	ssyncset.done $0x0  }
0x93: {  	s17 =	simm.s32 $0x28A0;
	[sflag:s23] =	ssyncadd.s32 $0xFFFFD800  }
0x94: {  	[spmem:s2] =	stream.indirect.scatter.add.f32 [tilespmem:s18], [sflag:$0x6], $0x80, s17, s14, $0xb8;
	[tilespmem:$0x1FEA0] =	vst v63  }
0x95: {  	_ =	swait.ge [sflag:s26], $0x2800  }
0x96: {  	[sflag:s26] =	ssyncset.done $0x0  }
0x97: {  	s0 =	simm.s32 $0x230;
	s1 =	simm.s32 $0x3C0;
	[sflag:s26] =	ssyncadd.s32 $0xFFFFD800  }
.LBB2_4:
0x98: {  	[tilespmem:s15], [sflag:$0x2] =	stream.indirect.gather [hbm4b:s4+s14], $0x80, s0, s14, $0xb8;
	[tilespmem:$0x1FEA0] =	vst v63  }
0x99: {  	s0 =	smov.u32 s1  }
0x9a: {  	p0 =	sne.s32 s1, $0x9240;
	s1 =	sadd.s32 $0x3C0, s1;
	_ =	swait.ge [sflag:s16], $0x2800  }
0x9b: {  	s0 =	sshra.s32 s0, $0x2;
	[sflag:s16] =	ssyncset.done $0x0  }
0x9c: {  	s17 =	sadd.s32 $0x2800, s0;
	[sflag:s16] =	ssyncadd.s32 $0xFFFFD800  }
0x9d: {  	[spmem:s2] =	stream.indirect.scatter.add.f32 [tilespmem:s11], [sflag:$0x4], $0x80, s17, s14, $0xb8;
	[tilespmem:$0x1FEA0] =	vst v63  }
0x9e: {  	_ =	swait.ge [sflag:s29], $0x2800  }
0x9f: {  	[sflag:s29] =	ssyncset.done $0x0  }
0xa0: {  	s17 =	sadd.s32 $0x190, s0;
	[sflag:s29] =	ssyncadd.s32 $0xFFFFD800  }
0xa1: {  	[tilespmem:s18], [sflag:$0x3] =	stream.indirect.gather [hbm4b:s4+s14], $0x80, s17, s14, $0xb8;
	[tilespmem:$0x1FEA0] =	vst v63  }
0xa2: {  	_ =	swait.ge [sflag:s19], $0x2800  }
0xa3: {  	[sflag:s19] =	ssyncset.done $0x0  }
0xa4: {  	s17 =	sadd.s32 $0x2850, s0;
	[sflag:s19] =	ssyncadd.s32 $0xFFFFD800  }
0xa5: {  	[spmem:s2] =	stream.indirect.scatter.add.f32 [tilespmem:s15], [sflag:$0x5], $0x80, s17, s14, $0xb8;
	[tilespmem:$0x1FEA0] =	vst v63  }
0xa6: {  	_ =	swait.ge [sflag:s21], $0x2800  }
0xa7: {  	[sflag:s21] =	ssyncset.done $0x0  }
0xa8: {  	s17 =	sadd.s32 $0x1E0, s0;
	[sflag:s21] =	ssyncadd.s32 $0xFFFFD800  }
0xa9: {  	[tilespmem:s11], [sflag:$0x1] =	stream.indirect.gather [hbm4b:s4+s14], $0x80, s17, s14, $0xb8;
	[tilespmem:$0x1FEA0] =	vst v63  }
0xaa: {  	_ =	swait.ge [sflag:s23], $0x2800  }
0xab: {  	[sflag:s23] =	ssyncset.done $0x0  }
.Ltmp1:
0xac: {  	s17 =	sadd.s32 $0x28A0, s0;
	[sflag:s23] =	ssyncadd.s32 $0xFFFFD800;
	(pc) =	sbr.rel @p0 .LBB2_4-.Ltmp1, $4  }
0xad: {  	[spmem:s2] =	stream.indirect.scatter.add.f32 [tilespmem:s18], [sflag:$0x6], $0x80, s17, s14, $0xb8;
	[tilespmem:$0x1FEA0] =	vst v63  }
0xae: {  	_ =	swait.ge [sflag:s26], $0x2800  }
0xaf: {  	[sflag:s26] =	ssyncset.done $0x0  }
0xb0: {  	s0 =	sadd.s32 $0x230, s0;
	[sflag:s26] =	ssyncadd.s32 $0xFFFFD800  }
0xb1: {  	[tilespmem:s15], [sflag:$0x2] =	stream.indirect.gather [hbm4b:s4+s14], $0x80, s0, s14, $0xb8;
	[tilespmem:$0x1FEA0] =	vst v63  }
0xb2: {  	_ =	swait.ge [sflag:s16], $0x2800  }
0xb3: {  	[sflag:s16] =	ssyncset.done $0x0  }
0xb4: {  	[sflag:s16] =	ssyncadd.s32 $0xFFFFD800  }
0xb5: {  	[spmem:s2] =	stream.indirect.scatter.add.f32 [tilespmem:s11], [sflag:$0x4], $0x80, s30, s14, $0xb8;
	[tilespmem:$0x1FEA0] =	vst v63  }
0xb6: {  	_ =	swait.ge [sflag:s19], $0x2800  }
0xb7: {  	[sflag:s19] =	ssyncset.done $0x0  }
0xb8: {  	[sflag:s19] =	ssyncadd.s32 $0xFFFFD800  }
0xb9: {  	[spmem:s2] =	stream.indirect.scatter.add.f32 [tilespmem:s15], [sflag:$0x5], $0x80, s31, s14, $0xb8;
	[tilespmem:$0x1FEA0] =	vst v63  }
0xba: {  	_ =	swait.ge [sflag:s29], $0x2800  }
0xbb: {  	[sflag:s29] =	ssyncset.done $0x0  }
0xbc: {  	[sflag:s29] =	ssyncadd.s32 $0xFFFFD800  }
0xbd: {  	_ =	swait.ge [sflag:s21], $0x2800  }
0xbe: {  	[sflag:s21] =	ssyncset.done $0x0  }
0xbf: {  	[sflag:s21] =	ssyncadd.s32 $0xFFFFD800  }
0xc0: {  	_ =	swait.ge [sflag:s26], $0x2800  }
0xc1: {  	s17 =	stileid.u32;
	s3 =	sadd.s32 $0x1, s3;
	[sflag:s26] =	ssyncset.done $0x0  }
0xc2: {  	s0 =	sshll.u32 s17, $0x6;
	p0 =	sne.s32 s3, s10;
	[sflag:s26] =	ssyncadd.s32 $0xFFFFD800  }
.Ltmp2:
0xc3: {  	s0 =	sor.u32 $0x1C07, s0;
	[bflag:$0x0] =	sbarrier.arrive $0xFFFF;
	(pc) =	sbr.rel @p0 .LBB2_1-.Ltmp2, $4  }
0xc4: {  	[hbm:s9], [sflag:s0] =	dma.local [spmem:s25], $0x2710  }
0xc5: {  	_ =	swait.ge [sflag:s12], $0x2710  }
0xc6: {  	[sflag:s12] =	ssyncset.done $0x0  }
0xc7: {  	[sflag:s12] =	ssyncadd.s32 $0xFFFFD8F0  }
0xc8: {  	_ =	sfence.sel $0x180000  }
0xc9: {  	[bflag:$0x0] =	sbarrier.arrive $0xFFFF  }
0xca: {  	_ =	strace $0x9000004A  }
0xcb: {  	s0 =	stileid.u32;
	[bflag:$0x2] =	sbarrier.arrive $0xFFFF  }
0xcc: {  	p0 =	sne.s32 s0, $0x0;
	s0 =	rddreg [dreg:$0x2]  }
0xcd: {  	s0 =	sadd.s32 @!p0 $0x100000, s0  }
0xce: {  	[sflag:s0] =	ssyncadd.tile.s32 @!p0 $0x1;
	_ =	shalt  }
.Lfunc_end2:
_tile_overlayer_lowered:
.L_overlay_start_2:
0xcf: {  	(tag) =	ssettag $0x2  }
0xd0: {  	s0 =	rddreg [dreg:$0x0];
	s2 =	stileid.u32  }
0xd1: {  	s1 =	rddreg [dreg:$0x1];
	p0 =	sne.s32 s2, $0x0  }
0xd2: {  	s3 =	rddreg [dreg:$0x2];
	[bflag:$0x3] =	sbarrier.arrive $0xFFFF;
	s2 =	simm.s32 @!p0 $0x1C07  }
0xd3: {  	[timem:s3], [sflag:s2] =	dma.local @!p0 [hbm:s0], s1  }
0xd4: {  	s0 =	simm.s32 @!p0 $0x7  }
0xd5: {  	_ =	swait.ge @!p0 [sflag:s0], s1  }
0xd6: {  	s1 =	ssub.s32 @!p0 $0x0, s1;
	[sflag:s0] =	ssyncset.done @!p0 $0x0  }
0xd7: {  	[sflag:s0] =	ssyncadd.s32 @!p0 s1  }
0xd8: {  	[bflag:$0x3] =	sbarrier.arrive $0xFFFF  }
0xd9: {  	_ =	shalt  }

// kernel: kernel.14.cloned.1.call-start
scs
__scs_entry_jumppad:
0x0: {  	(pc) =	sbr.rel $0x88, $3  }
0x1: {  	(tag) =	ssettag $0x0;
	lr =	simm.s32 $0x1  }
0x2: {  	[smem:$0x3F98] =	sst lr;
	_ =	strace $0xD0000000  }
0x3: {  	_ = 	snop  }
0x4: {  	_ = 	snop  }
0x5: {  	_ = 	snop  }
0x6: {  	_ = 	snop  }
0x7: {  	_ = 	snop  }
__scs_overlays_trampoline_lowered:
0x8: {  	[smem:$0x3FA7] =	sst s0  }
0x9: {  	[smem:$0x3FA8] =	sst s1  }
0xa: {  	[smem:$0x3FA9] =	sst s2  }
0xb: {  	[smem:$0x3FAA] =	sst s3  }
0xc: {  	[smem:$0x3FAB] =	sst s4  }
0xd: {  	[smem:$0x3FAC] =	sst s5  }
0xe: {  	[smem:$0x3FAD] =	sst s6  }
0xf: {  	[smem:$0x3FAE] =	sst s7  }
0x10: {  	[smem:$0x3FAF] =	sst s8  }
0x11: {  	[smem:$0x3FB0] =	sst s9;
	s0 =	simm.s32 @!p0 $0x0  }
0x12: {  	s1 =	sld [smem:$0x3F96];
	s0 =	simm.s32 @p0 $0x1  }
0x13: {  	[smem:$0x3FB1] =	sst s0;
	s0 =	simm.s32 @!p1 $0x0  }
0x14: {  	s2 =	sld [smem:$0x3F95];
	s0 =	simm.s32 @p1 $0x1  }
0x15: {  	[smem:$0x3FB2] =	sst s0;
	s0 =	simm.s32 @!p2 $0x0  }
0x16: {  	s3 =	sld [smem:$0x3FDB];
	s0 =	simm.s32 @p2 $0x1  }
0x17: {  	s4 =	simm.s32 $0x1BF5;
	[smem:$0x3FB4] =	sst s0  }
0x18: {  	s0 =	sld [smem:$0x3F97];
	_ =	swait.ge [sflag:s4], $0x0  }
0x19: {  	s7 =	sld [smem:$0x3F98]  }
0x1a: {  	s8 =	sadd.s32 $0xFFFFE003, lr  }
0x1b: {  	s9 =	sadd.s32 $0xFFFFFEF7, lr;
	s5 =	simm.s32 $0xFFFFFFFF;
	p2 =	slt.u32 s8, $0xFFFFF086  }
0x1c: {  	p1 =	slt.u32 s9, $0xF7A;
	s5 =	simm.s32 @!p2 $0x0  }
0x1d: {  	s5 =	simm.s32 @p1 $0x1;
	p0 =	seq.s32 s7, s2  }
0x1e: {  	s7 =	smul.u32 @!p0 $0xF7A, s2;
	p2 =	seq.s32 @!p0 s5, $0x0  }
0x1f: {  	s9 =	smul.u32 $0xF7A, s1;
	s8 =	simm.s32 @!p0 $0x1BF5;
	p2 =	por !p2, p0  }
0x20: {  	[sflag:s8] =	ssyncset.s32 @!p0 $0xFFFFF086;
	s6 =	sadd.s32 @!p0 s3, s7;
	s7 =	simm.s32 @!p0 $0x108  }
0x21: {  	s3 =	sadd.s32 s3, s9;
	s6 =	sadd.s32 @!p0 $0x88, s6;
	s7 =	simm.s32 @p2 $0x1082  }
0x22: {  	[simem:s7], [sflag:s8] =	dma.local @!p0 [hbm:s6], $0xF7A  }
0x23: {  	s9 =	sor.u32 $0xD0000000, s2;
	s6 =	simm.s32 $0x108;
	_ =	swait.ge @!p0 [sflag:s8], $0x0  }
0x24: {  	s3 =	sadd.s32 $0x88, s3;
	s6 =	simm.s32 @!p1 $0x1082;
	[sflag:s4] =	ssyncset.s32 $0xFFFFF086  }
0x25: {  	[simem:s6], [sflag:s4] =	dma.local [hbm:s3], $0xF7A  }
0x26: {  	[smem:$0x3F98] =	sst s1;
	(tag) =	ssettag s2;
	_ =	strace s9  }
0x27: {  	s1 =	sld [smem:$0x3FA8]  }
0x28: {  	s2 =	sld [smem:$0x3FA9]  }
0x29: {  	s4 =	sld [smem:$0x3FAB]  }
0x2a: {  	p0 =	seq.s32 s5, $0x0;
	s5 =	sld [smem:$0x3FAC]  }
0x2b: {  	s6 =	sld [smem:$0x3FAD]  }
0x2c: {  	s7 =	sld [smem:$0x3FAE]  }
0x2d: {  	s3 =	simm.s32 $0x108;
	s8 =	sld [smem:$0x3FAF]  }
0x2e: {  	s3 =	simm.s32 @!p0 $0x1082;
	s9 =	sld [smem:$0x3FB0]  }
0x2f: {  	lr =	sadd.s32 s0, s3;
	s0 =	sld [smem:$0x3FA7]  }
0x30: {  	s3 =	sld [smem:$0x3FAA]  }
0x31: {  	[smem:$0x3FB3] =	sst s10  }
0x32: {  	s10 =	sld [smem:$0x3FB1];
	_ =	sdelay $0x3  }
0x33: {  	p0 =	seq.s32 s10, $0x1;
	s10 =	sld [smem:$0x3FB3];
	_ =	sdelay $0x3  }
0x34: {  	[smem:$0x3FB3] =	sst s10  }
0x35: {  	s10 =	sld [smem:$0x3FB2];
	_ =	sdelay $0x3  }
0x36: {  	p1 =	seq.s32 s10, $0x1;
	s10 =	sld [smem:$0x3FB3];
	_ =	sdelay $0x3  }
0x37: {  	[smem:$0x3FB3] =	sst s10  }
0x38: {  	s10 =	sld [smem:$0x3FB4]  }
0x39: {  	_ = 	snop;
	(pc) =	sbr.ind lr, $3  }
0x3a: {  	_ = 	snop  }
0x3b: {  	_ = 	snop  }
0x3c: {  	p2 =	seq.s32 s10, $0x1;
	s10 =	sld [smem:$0x3FB3]  }
0x3d: {  	_ =	shalt  }
0x3e: {  	_ =	shalt  }
0x3f: {  	_ =	shalt  }
0x40: {  	_ =	shalt  }
0x41: {  	_ =	shalt  }
0x42: {  	_ =	shalt  }
0x43: {  	_ =	shalt  }
0x44: {  	_ =	shalt  }
0x45: {  	_ =	shalt  }
0x46: {  	_ =	shalt  }
0x47: {  	_ =	shalt  }
0x48: {  	_ =	shalt  }
0x49: {  	_ =	shalt  }
0x4a: {  	_ =	shalt  }
0x4b: {  	_ =	shalt  }
0x4c: {  	_ =	shalt  }
0x4d: {  	_ =	shalt  }
0x4e: {  	_ =	shalt  }
0x4f: {  	_ =	shalt  }
0x50: {  	_ =	shalt  }
0x51: {  	_ =	shalt  }
0x52: {  	_ =	shalt  }
0x53: {  	_ =	shalt  }
0x54: {  	_ =	shalt  }
0x55: {  	_ =	shalt  }
0x56: {  	_ =	shalt  }
0x57: {  	_ =	shalt  }
0x58: {  	_ =	shalt  }
0x59: {  	_ =	shalt  }
0x5a: {  	_ =	shalt  }
0x5b: {  	_ =	shalt  }
0x5c: {  	_ =	shalt  }
0x5d: {  	_ =	shalt  }
0x5e: {  	_ =	shalt  }
0x5f: {  	_ =	shalt  }
0x60: {  	_ =	shalt  }
0x61: {  	_ =	shalt  }
0x62: {  	_ =	shalt  }
0x63: {  	_ =	shalt  }
0x64: {  	_ =	shalt  }
0x65: {  	_ =	shalt  }
0x66: {  	_ =	shalt  }
0x67: {  	_ =	shalt  }
0x68: {  	_ =	shalt  }
0x69: {  	_ =	shalt  }
0x6a: {  	_ =	shalt  }
0x6b: {  	_ =	shalt  }
0x6c: {  	_ =	shalt  }
0x6d: {  	_ =	shalt  }
0x6e: {  	_ =	shalt  }
0x6f: {  	_ =	shalt  }
0x70: {  	_ =	shalt  }
0x71: {  	_ =	shalt  }
0x72: {  	_ =	shalt  }
0x73: {  	_ =	shalt  }
0x74: {  	_ =	shalt  }
0x75: {  	_ =	shalt  }
0x76: {  	_ =	shalt  }
0x77: {  	_ =	shalt  }
0x78: {  	_ =	shalt  }
0x79: {  	_ =	shalt  }
0x7a: {  	_ =	shalt  }
0x7b: {  	_ =	shalt  }
0x7c: {  	_ =	shalt  }
0x7d: {  	_ =	shalt  }
0x7e: {  	_ =	shalt  }
0x7f: {  	_ =	shalt  }
0x80: {  	_ =	shalt  }
0x81: {  	_ =	shalt  }
0x82: {  	_ =	shalt  }
0x83: {  	_ =	shalt  }
0x84: {  	_ =	shalt  }
0x85: {  	_ =	shalt  }
0x86: {  	_ =	shalt  }
0x87: {  	_ =	shalt  }
.Lfunc_end0:
.L_simem_size_0:
called_computation.2_lowered:
.L_overlay_start_0:
0x88: {  	s2 =	sld [smem:$0x3FD9]  }
0x89: {  	s3 =	sld [smem:$0x3FFE];
	_ =	sdelay $0x1  }
0x8a: {  	s1 =	srdreg.scid  }
0x8b: {  	s0 =	sand.u32 $0x1, s1  }
0x8c: {  	s16 =	sshll.u32 s0, $0xA;
	s2 =	sadd.s32 s3, s2  }
0x8d: {  	s2 =	sadd.s32 s2, s16  }
0x8e: {  	[smem:$0x3FBF] =	sst s2  }
0x8f: {  	_ = 	snop  }
0x90: {  	(tm) =	ssettm $0x1  }
0x91: {  	s17 =	sld [smem:$0x3FFB];
	_ =	sdelay $0x3  }
0x92: {  	_ =	strace s17  }
0x93: {  	s2 =	sld [smem:$0x3FFC];
	_ =	sdelay $0x3  }
0x94: {  	_ =	strace s2  }
0x95: {  	s2 =	sld [smem:$0x3FFD];
	_ =	sdelay $0x3  }
0x96: {  	_ =	strace s2  }
0x97: {  	_ =	strace $0x8FFFFFFF  }
0x98: {  	s18 =	sld [smem:$0x3FDB];
	_ =	sdelay $0x1  }
0x99: {  	s19 =	simm.s32 $_scs_section_size  }
0x9a: {  	s4 =	simm.s32 $_size__tile_overlayer_lowered;
	s5 =	simm.s32 $_tile_overlayer_lowered  }
0x9b: {  	s22 =	simm.s32 $0x1BFF;
	s21 =	sshll.u32 s5, $0x1;
	s2 =	sadd.s32 s19, s18  }
0x9c: {  	s6 =	simm.s32 $0x0;
	s20 =	sshll.u32 s4, $0x1;
	s4 =	sadd.s32 s21, s2  }
0x9d: {  	[timem:s6], [sflag:s22] =	dma.local [hbm:s4], s20  }
0x9e: {  	_ =	swait.ge [sflag:s22], s20  }
0x9f: {  	s3 =	ssub.s32 $0x0, s20;
	[sflag:s22] =	ssyncset.done $0x0  }
0xa0: {  	[sflag:s22] =	ssyncadd.s32 s3;
	_ =	sdelay $0x1  }
0xa1: {  	s23 =	simm.s32 $0x1B8B  }
0xa2: {  	_ =	swait.ge [sflag:s23], $0x1  }
0xa3: {  	[sflag:s23] =	ssyncset.done $0x0  }
0xa4: {  	s25 =	simm.s32 $0x1B8E;
	s24 =	sld [smem:$0x3FFE];
	[sflag:s23] =	ssyncadd.s32 $0xFFFFFFFF  }
0xa5: {  	s26 =	simm.s32 $execute0_lowered;
	[smem:$0x3FD2] =	sst s25  }
0xa6: {  	s4 =	sshll.u32 s26, $0x1;
	_ =	strace $0x8000004C;
	[dreg:$0x1] =	wrdreg $0xFFFFFFFF  }
0xa7: {  	s28 =	simm.s32 $_size_execute0_lowered;
	s2 =	sadd.s32 s2, s4;
	[dreg:$0x0] =	wrdreg $0x0  }
0xa8: {  	s4 =	sshll.u32 s28, $0x1;
	[dreg:$0x2] =	wrdreg s2  }
0xa9: {  	[dreg:$0x3] =	wrdreg s4  }
0xaa: {  	[dreg:$0x4] =	wrdreg $0xC0  }
0xab: {  	_ =	task [dreg:s6], $0x5FFFF  }
0xac: {  	[dreg:$0x1] =	wrdreg $0xFFFFFFFF  }
0xad: {  	[dreg:$0x0] =	wrdreg $0x60  }
0xae: {  	[dreg:$0x2] =	wrdreg s24  }
0xaf: {  	[dreg:$0x3] =	wrdreg $0x8A200  }
0xb0: {  	[dreg:$0x4] =	wrdreg $0x9  }
0xb1: {  	_ =	task.clear_ibuf [dreg:s6], $0x5FFFF;
	_ =	strace $0x9000004C  }
0xb2: {  	s29 =	simm.s32 $0x9;
	_ =	strace $0x8000004E  }
0xb3: {  	_ =	swait.ge [sflag:s29], $0x1  }
0xb4: {  	[sflag:s29] =	ssyncadd.s32 $0xFFFFFFFF  }
0xb5: {  	_ =	strace $0x9000004E  }
0xb6: {  	_ =	sfence  }
0xb7: {  	s30 =	sld [smem:$0x0];
	_ =	sdelay $0x2  }
0xb8: {  	s31 =	sshll.u32 s1, $0xD;
	s1 =	sshrl.u32 s1, $0x2  }
0xb9: {  	s3 =	sand.u32 $0x4000, s31;
	s1 =	sadd.s32 s1, s30  }
0xba: {  	s0 =	sor.u32 s3, s0;
	s1 =	sshll.u32 s1, $0x11  }
0xbb: {  	s0 =	sor.u32 s1, s0  }
0xbc: {  	s0 =	sadd.s32 $0x8F2B, s0  }
0xbd: {  	[sflag:s0] =	ssyncadd.remote.s32 $0x1  }
0xbe: {  	_ =	sfence.sel $0xFFFF  }
0xbf: {  	[dreg:$0x0] =	wrdreg $0xFFFFFFFF;
	(pc) =	sbr.abs _section_cstart, $3  }
0xc0: {  	[dreg:$0x1] =	wrdreg $0xFFFFFFFF  }
0xc1: {  	_ =	task.clear_ibuf [dreg:s6], $0x2FFFF;
	_ =	strace $0x9FFFFFFF  }
0xc2: {  	(tm) =	ssettm $0x7FFFFFFF  }
0xc3: {  	_ =	shalt  }
tec
execute0_lowered:
.L_overlay_start_1:
0x0: {  	(tag) =	ssettag $0x1  }
0x1: {  	s0 =	srdreg.scid;
	s5 =	rddreg [dreg:$0x0]  }
0x2: {  	s4 =	stileid.u32;
	s2 =	rddreg [dreg:$0x1]  }
0x3: {  	s3 =	simm.s32 $0x0;
	s11 =	simm.s32 $0x4E20;
	s12 =	simm.s32 $0x7  }
0x4: {  	s13 =	simm.s32 $0x2710;
	s14 =	simm.s32 $0x50;
	s15 =	simm.s32 $0x6220  }
0x5: {  	s16 =	simm.s32 $0x1;
	s18 =	simm.s32 $0x7620;
	s19 =	simm.s32 $0x2  }
0x6: {  	s20 =	simm.s32 $0x2760;
	s21 =	simm.s32 $0x4;
	s22 =	simm.s32 $0xF0  }
0x7: {  	s23 =	simm.s32 $0x3;
	s24 =	simm.s32 $0x27B0;
	s28 =	simm.s32 $0x140  }
0x8: {  	s29 =	simm.s32 $0x6;
	s30 =	simm.s32 $0x4D80;
	s31 =	simm.s32 $0x4DD0  }
0x9: {  	s0 =	sand.u32 $0x1, s0;
	s1 =	sshll.u32 s4, $0x1;
	s10 =	smul.u32 $0x9C40, s4  }
0xa: {  	[smem:$0x7FF] =	sst s3;
	s7 =	smul.u32 $0x27100, s4;
	s4 =	sadd.s32 $0x16200, s5  }
0xb: {  	s1 =	sor.u32 s0, s1;
	s6 =	smul.u32 $0x9C400, s0;
	_ =	strace $0x8000004D  }
0xc: {  	s0 =	ssub.s32 $0x2, s0;
	s1 =	smul.u32 $0x4E2, s1;
	s7 =	sshrl.u32 s7, $0x2  }
0xd: {  	s25 =	sshrl.u32 s0, $0x1;
	s26 =	sadd.s32 s10, s2;
	s6 =	sadd.s32 s10, s6  }
0xe: {  	s0 =	ssub.s32 s0, s25;
	s25 =	sshrl.u32 s26, $0x3;
	s26 =	simm.s32 $0x5  }
0xf: {  	s1 =	sadd.s32 s1, s5;
	s6 =	sshrl.u32 s6, $0x3;
	s10 =	smax.u32 s0, $0x1  }
0x10: {  	s9 =	sadd.s32 s6, s5;
	s5 =	sadd.s32 s7, s2;
	s7 =	sadd.s32 $0x2600, s1  }
0x11: {  	v0 =	vimm.f32 $0.0e+00;
	s8 =	sadd.s32 $0xC400, s1;
	s6 =	sadd.s32 $0x9C00, s5;
	s9 =	sadd.s32 $0x29C00, s9  }
.LBB2_1:
0x12: {  	[tilespmem:$0x4E20] =	vst v0  }
0x13: {  	[tilespmem:$0x4E30] =	vst v0  }
0x14: {  	[tilespmem:$0x4E40] =	vst v0  }
0x15: {  	[tilespmem:$0x4E50] =	vst v0  }
0x16: {  	[tilespmem:$0x4E60] =	vst v0  }
0x17: {  	[tilespmem:$0x4E70] =	vst v0  }
0x18: {  	[tilespmem:$0x4E80] =	vst v0  }
0x19: {  	[tilespmem:$0x4E90] =	vst v0  }
0x1a: {  	[tilespmem:$0x4EA0] =	vst v0  }
0x1b: {  	[tilespmem:$0x4EB0] =	vst v0  }
0x1c: {  	[tilespmem:$0x4EC0] =	vst v0  }
0x1d: {  	[tilespmem:$0x4ED0] =	vst v0  }
0x1e: {  	[tilespmem:$0x4EE0] =	vst v0  }
0x1f: {  	[tilespmem:$0x4EF0] =	vst v0  }
0x20: {  	[tilespmem:$0x4F00] =	vst v0  }
0x21: {  	[tilespmem:$0x4F10] =	vst v0  }
0x22: {  	[tilespmem:$0x4F20] =	vst v0  }
0x23: {  	[tilespmem:$0x4F30] =	vst v0  }
0x24: {  	[tilespmem:$0x4F40] =	vst v0  }
0x25: {  	[tilespmem:$0x4F50] =	vst v0  }
0x26: {  	[tilespmem:$0x4F60] =	vst v0  }
0x27: {  	[tilespmem:$0x4F70] =	vst v0  }
0x28: {  	[tilespmem:$0x4F80] =	vst v0  }
0x29: {  	[tilespmem:$0x4F90] =	vst v0  }
0x2a: {  	[tilespmem:$0x4FA0] =	vst v0  }
0x2b: {  	[tilespmem:$0x4FB0] =	vst v0  }
0x2c: {  	[tilespmem:$0x4FC0] =	vst v0  }
0x2d: {  	[tilespmem:$0x4FD0] =	vst v0  }
0x2e: {  	[tilespmem:$0x4FE0] =	vst v0  }
0x2f: {  	[tilespmem:$0x4FF0] =	vst v0  }
0x30: {  	[tilespmem:$0x5000] =	vst v0  }
0x31: {  	[tilespmem:$0x5010] =	vst v0;
	s0 =	sadd.s32 $0x0, s5  }
0x32: {  	[spmem:s0] =	stream.linear.scatter [tilespmem:s11], [sflag:$0x7], $0x200, $0x38;
	[tilespmem:$0x12660] =	vst v63  }
0x33: {  	s1 =	simm.s32 $0x800;
	_ =	swait.ge [sflag:s12], $0x200  }
.LBB2_2:
0x34: {  	s0 =	sshra.s32 s1, $0x2;
	[sflag:s12] =	ssyncset.done $0x0;
	p0 =	sne.s32 s1, $0x26800  }
.Ltmp0:
0x35: {  	s0 =	sadd.s32 s0, s5;
	[sflag:s12] =	ssyncadd.s32 $0xFFFFFE00;
	(pc) =	sbr.rel @p0 .LBB2_2-.Ltmp0, $3  }
0x36: {  	[spmem:s0] =	stream.linear.scatter [tilespmem:s11], [sflag:$0x7], $0x200, $0x38;
	[tilespmem:$0x12660] =	vst v63  }
0x37: {  	s1 =	sadd.s32 $0x800, s1;
	_ =	sdelay $0x1  }
0x38: {  	_ =	swait.ge [sflag:s12], $0x200  }
0x39: {  	[sflag:s12] =	ssyncset.done $0x0  }
0x3a: {  	[sflag:s12] =	ssyncadd.s32 $0xFFFFFE00  }
0x3b: {  	[spmem:s6] =	stream.linear.scatter [tilespmem:s11], [sflag:$0x7], $0x40, $0x38;
	[tilespmem:$0x12660] =	vst v63  }
0x3c: {  	_ =	swait.ge [sflag:s12], $0x40  }
0x3d: {  	[sflag:s12] =	ssyncset.done $0x0  }
0x3e: {  	s0 =	simm.s32 $0x0;
	[sflag:s12] =	ssyncadd.s32 $0xFFFFFFC0  }
0x3f: {  	[tilespmem:s0], [sflag:$0x7] =	stream.linear.gather [hbm4b:s7+s0], $0x2710, $0x38;
	[tilespmem:$0x12660] =	vst v63  }
0x40: {  	_ =	swait.ge [sflag:s12], $0x2710  }
0x41: {  	[sflag:s12] =	ssyncset.done $0x0  }
0x42: {  	[sflag:s12] =	ssyncadd.s32 $0xFFFFD8F0  }
0x43: {  	[tilespmem:s13], [sflag:$0x7] =	stream.linear.gather [hbm4b:s8+s0], $0x2710, $0x38;
	[tilespmem:$0x12660] =	vst v63  }
0x44: {  	_ =	swait.ge [sflag:s12], $0x2710  }
0x45: {  	[sflag:s12] =	ssyncset.done $0x0  }
0x46: {  	[sflag:s12] =	ssyncadd.s32 $0xFFFFD8F0  }
0x47: {  	[bflag:$0x0] =	sbarrier.arrive $0xFFFF  }
0x48: {  	[tilespmem:s11], [sflag:$0x1] =	stream.indirect.gather [hbm4b:s4+s14], $0x40, s0, s14, $0xb8;
	[tilespmem:$0x12660] =	vst v63  }
0x49: {  	_ = 	snop  }
0x4a: {  	[tilespmem:s15], [sflag:$0x2] =	stream.indirect.gather [hbm4b:s4+s14], $0x40, s14, s14, $0xb8;
	[tilespmem:$0x12660] =	vst v63  }
0x4b: {  	_ =	swait.ge [sflag:s16], $0x1400  }
0x4c: {  	[sflag:s16] =	ssyncset.done $0x0  }
0x4d: {  	[sflag:s16] =	ssyncadd.s32 $0xFFFFEC00  }
0x4e: {  	[spmem:s2] =	stream.indirect.scatter.add.f32 [tilespmem:s11], [sflag:$0x4], $0x40, s13, s14, $0xb8;
	[tilespmem:$0x12660] =	vst v63  }
0x4f: {  	s1 =	simm.s32 $0xA0  }
0x50: {  	[tilespmem:s18], [sflag:$0x3] =	stream.indirect.gather [hbm4b:s4+s14], $0x40, s1, s14, $0xb8;
	[tilespmem:$0x12660] =	vst v63  }
0x51: {  	_ =	swait.ge [sflag:s19], $0x1400  }
0x52: {  	[sflag:s19] =	ssyncset.done $0x0  }
0x53: {  	[sflag:s19] =	ssyncadd.s32 $0xFFFFEC00  }
0x54: {  	[spmem:s2] =	stream.indirect.scatter.add.f32 [tilespmem:s15], [sflag:$0x5], $0x40, s20, s14, $0xb8;
	[tilespmem:$0x12660] =	vst v63  }
0x55: {  	_ =	swait.ge [sflag:s21], $0x1400  }
0x56: {  	[sflag:s21] =	ssyncset.done $0x0  }
0x57: {  	[sflag:s21] =	ssyncadd.s32 $0xFFFFEC00  }
0x58: {  	[tilespmem:s11], [sflag:$0x1] =	stream.indirect.gather [hbm4b:s4+s14], $0x40, s22, s14, $0xb8;
	[tilespmem:$0x12660] =	vst v63  }
0x59: {  	_ =	swait.ge [sflag:s23], $0x1400  }
0x5a: {  	[sflag:s23] =	ssyncset.done $0x0  }
0x5b: {  	[sflag:s23] =	ssyncadd.s32 $0xFFFFEC00  }
0x5c: {  	[spmem:s2] =	stream.indirect.scatter.add.f32 [tilespmem:s18], [sflag:$0x6], $0x40, s24, s14, $0xb8;
	[tilespmem:$0x12660] =	vst v63  }
0x5d: {  	_ =	swait.ge [sflag:s26], $0x1400  }
0x5e: {  	[sflag:s26] =	ssyncset.done $0x0  }
0x5f: {  	[sflag:s26] =	ssyncadd.s32 $0xFFFFEC00  }
0x60: {  	[tilespmem:s15], [sflag:$0x2] =	stream.indirect.gather [hbm4b:s4+s14], $0x40, s28, s14, $0xb8;
	[tilespmem:$0x12660] =	vst v63  }
0x61: {  	_ =	swait.ge [sflag:s16], $0x1400  }
0x62: {  	[sflag:s16] =	ssyncset.done $0x0  }
0x63: {  	s17 =	simm.s32 $0x2800;
	[sflag:s16] =	ssyncadd.s32 $0xFFFFEC00  }
0x64: {  	[spmem:s2] =	stream.indirect.scatter.add.f32 [tilespmem:s11], [sflag:$0x4], $0x40, s17, s14, $0xb8;
	[tilespmem:$0x12660] =	vst v63  }
0x65: {  	_ =	swait.ge [sflag:s29], $0x1400  }
0x66: {  	[sflag:s29] =	ssyncset.done $0x0  }
0x67: {  	s1 =	simm.s32 $0x190;
	[sflag:s29] =	ssyncadd.s32 $0xFFFFEC00  }
0x68: {  	[tilespmem:s18], [sflag:$0x3] =	stream.indirect.gather [hbm4b:s4+s14], $0x40, s1, s14, $0xb8;
	[tilespmem:$0x12660] =	vst v63  }
0x69: {  	_ =	swait.ge [sflag:s19], $0x1400  }
0x6a: {  	[sflag:s19] =	ssyncset.done $0x0  }
0x6b: {  	s17 =	simm.s32 $0x2850;
	[sflag:s19] =	ssyncadd.s32 $0xFFFFEC00  }
0x6c: {  	[spmem:s2] =	stream.indirect.scatter.add.f32 [tilespmem:s15], [sflag:$0x5], $0x40, s17, s14, $0xb8;
	[tilespmem:$0x12660] =	vst v63  }
0x6d: {  	_ =	swait.ge [sflag:s21], $0x1400  }
0x6e: {  	[sflag:s21] =	ssyncset.done $0x0  }
0x6f: {  	s1 =	simm.s32 $0x1E0;
	[sflag:s21] =	ssyncadd.s32 $0xFFFFEC00  }
0x70: {  	[tilespmem:s11], [sflag:$0x1] =	stream.indirect.gather [hbm4b:s4+s14], $0x40, s1, s14, $0xb8;
	[tilespmem:$0x12660] =	vst v63  }
0x71: {  	_ =	swait.ge [sflag:s23], $0x1400  }
0x72: {  	[sflag:s23] =	ssyncset.done $0x0  }
0x73: {  	s17 =	simm.s32 $0x28A0;
	[sflag:s23] =	ssyncadd.s32 $0xFFFFEC00  }
0x74: {  	[spmem:s2] =	stream.indirect.scatter.add.f32 [tilespmem:s18], [sflag:$0x6], $0x40, s17, s14, $0xb8;
	[tilespmem:$0x12660] =	vst v63  }
0x75: {  	_ =	swait.ge [sflag:s26], $0x1400  }
0x76: {  	[sflag:s26] =	ssyncset.done $0x0  }
0x77: {  	s0 =	simm.s32 $0x230;
	s1 =	simm.s32 $0x3C0;
	[sflag:s26] =	ssyncadd.s32 $0xFFFFEC00  }
.LBB2_4:
0x78: {  	[tilespmem:s15], [sflag:$0x2] =	stream.indirect.gather [hbm4b:s4+s14], $0x40, s0, s14, $0xb8;
	[tilespmem:$0x12660] =	vst v63  }
0x79: {  	s0 =	smov.u32 s1  }
0x7a: {  	p0 =	sne.s32 s1, $0x9240;
	s1 =	sadd.s32 $0x3C0, s1;
	_ =	swait.ge [sflag:s16], $0x1400  }
0x7b: {  	s0 =	sshra.s32 s0, $0x2;
	[sflag:s16] =	ssyncset.done $0x0  }
0x7c: {  	s17 =	sadd.s32 $0x2800, s0;
	[sflag:s16] =	ssyncadd.s32 $0xFFFFEC00  }
0x7d: {  	[spmem:s2] =	stream.indirect.scatter.add.f32 [tilespmem:s11], [sflag:$0x4], $0x40, s17, s14, $0xb8;
	[tilespmem:$0x12660] =	vst v63  }
0x7e: {  	_ =	swait.ge [sflag:s29], $0x1400  }
0x7f: {  	[sflag:s29] =	ssyncset.done $0x0  }
0x80: {  	s17 =	sadd.s32 $0x190, s0;
	[sflag:s29] =	ssyncadd.s32 $0xFFFFEC00  }
0x81: {  	[tilespmem:s18], [sflag:$0x3] =	stream.indirect.gather [hbm4b:s4+s14], $0x40, s17, s14, $0xb8;
	[tilespmem:$0x12660] =	vst v63  }
0x82: {  	_ =	swait.ge [sflag:s19], $0x1400  }
0x83: {  	[sflag:s19] =	ssyncset.done $0x0  }
0x84: {  	s17 =	sadd.s32 $0x2850, s0;
	[sflag:s19] =	ssyncadd.s32 $0xFFFFEC00  }
0x85: {  	[spmem:s2] =	stream.indirect.scatter.add.f32 [tilespmem:s15], [sflag:$0x5], $0x40, s17, s14, $0xb8;
	[tilespmem:$0x12660] =	vst v63  }
0x86: {  	_ =	swait.ge [sflag:s21], $0x1400  }
0x87: {  	[sflag:s21] =	ssyncset.done $0x0  }
0x88: {  	s17 =	sadd.s32 $0x1E0, s0;
	[sflag:s21] =	ssyncadd.s32 $0xFFFFEC00  }
0x89: {  	[tilespmem:s11], [sflag:$0x1] =	stream.indirect.gather [hbm4b:s4+s14], $0x40, s17, s14, $0xb8;
	[tilespmem:$0x12660] =	vst v63  }
0x8a: {  	_ =	swait.ge [sflag:s23], $0x1400  }
0x8b: {  	[sflag:s23] =	ssyncset.done $0x0  }
.Ltmp1:
0x8c: {  	s17 =	sadd.s32 $0x28A0, s0;
	[sflag:s23] =	ssyncadd.s32 $0xFFFFEC00;
	(pc) =	sbr.rel @p0 .LBB2_4-.Ltmp1, $4  }
0x8d: {  	[spmem:s2] =	stream.indirect.scatter.add.f32 [tilespmem:s18], [sflag:$0x6], $0x40, s17, s14, $0xb8;
	[tilespmem:$0x12660] =	vst v63  }
0x8e: {  	_ =	swait.ge [sflag:s26], $0x1400  }
0x8f: {  	[sflag:s26] =	ssyncset.done $0x0  }
0x90: {  	s0 =	sadd.s32 $0x230, s0;
	[sflag:s26] =	ssyncadd.s32 $0xFFFFEC00  }
0x91: {  	[tilespmem:s15], [sflag:$0x2] =	stream.indirect.gather [hbm4b:s4+s14], $0x40, s0, s14, $0xb8;
	[tilespmem:$0x12660] =	vst v63  }
0x92: {  	_ =	swait.ge [sflag:s16], $0x1400  }
0x93: {  	[sflag:s16] =	ssyncset.done $0x0  }
0x94: {  	[sflag:s16] =	ssyncadd.s32 $0xFFFFEC00  }
0x95: {  	[spmem:s2] =	stream.indirect.scatter.add.f32 [tilespmem:s11], [sflag:$0x4], $0x40, s30, s14, $0xb8;
	[tilespmem:$0x12660] =	vst v63  }
0x96: {  	_ =	swait.ge [sflag:s19], $0x1400  }
0x97: {  	[sflag:s19] =	ssyncset.done $0x0  }
0x98: {  	[sflag:s19] =	ssyncadd.s32 $0xFFFFEC00  }
0x99: {  	[spmem:s2] =	stream.indirect.scatter.add.f32 [tilespmem:s15], [sflag:$0x5], $0x40, s31, s14, $0xb8;
	[tilespmem:$0x12660] =	vst v63  }
0x9a: {  	_ =	swait.ge [sflag:s29], $0x1400  }
0x9b: {  	[sflag:s29] =	ssyncset.done $0x0  }
0x9c: {  	[sflag:s29] =	ssyncadd.s32 $0xFFFFEC00  }
0x9d: {  	_ =	swait.ge [sflag:s21], $0x1400  }
0x9e: {  	[sflag:s21] =	ssyncset.done $0x0  }
0x9f: {  	[sflag:s21] =	ssyncadd.s32 $0xFFFFEC00  }
0xa0: {  	_ =	swait.ge [sflag:s26], $0x1400  }
0xa1: {  	s17 =	stileid.u32;
	s3 =	sadd.s32 $0x1, s3;
	[sflag:s26] =	ssyncset.done $0x0  }
0xa2: {  	s0 =	sshll.u32 s17, $0x6;
	p0 =	sne.s32 s3, s10;
	[sflag:s26] =	ssyncadd.s32 $0xFFFFEC00  }
.Ltmp2:
0xa3: {  	s0 =	sor.u32 $0x1C07, s0;
	[bflag:$0x0] =	sbarrier.arrive $0xFFFF;
	(pc) =	sbr.rel @p0 .LBB2_1-.Ltmp2, $4  }
0xa4: {  	[hbm:s9], [sflag:s0] =	dma.local [spmem:s25], $0x1388  }
0xa5: {  	_ =	swait.ge [sflag:s12], $0x1388  }
0xa6: {  	[sflag:s12] =	ssyncset.done $0x0  }
0xa7: {  	[sflag:s12] =	ssyncadd.s32 $0xFFFFEC78  }
0xa8: {  	_ =	sfence.sel $0x180000  }
0xa9: {  	[bflag:$0x0] =	sbarrier.arrive $0xFFFF  }
0xaa: {  	_ =	strace $0x9000004D  }
0xab: {  	s0 =	stileid.u32;
	[bflag:$0x2] =	sbarrier.arrive $0xFFFF  }
0xac: {  	p0 =	sne.s32 s0, $0x0;
	s0 =	rddreg [dreg:$0x2]  }
0xad: {  	s0 =	sadd.s32 @!p0 $0x100000, s0  }
0xae: {  	[sflag:s0] =	ssyncadd.tile.s32 @!p0 $0x1;
	_ =	shalt  }
.Lfunc_end2:
_tile_overlayer_lowered:
.L_overlay_start_2:
0xaf: {  	(tag) =	ssettag $0x2  }
0xb0: {  	s0 =	rddreg [dreg:$0x0];
	s2 =	stileid.u32  }
0xb1: {  	s1 =	rddreg [dreg:$0x1];
	p0 =	sne.s32 s2, $0x0  }
0xb2: {  	s3 =	rddreg [dreg:$0x2];
	[bflag:$0x3] =	sbarrier.arrive $0xFFFF;
	s2 =	simm.s32 @!p0 $0x1C07  }
0xb3: {  	[timem:s3], [sflag:s2] =	dma.local @!p0 [hbm:s0], s1  }
0xb4: {  	s0 =	simm.s32 @!p0 $0x7  }
0xb5: {  	_ =	swait.ge @!p0 [sflag:s0], s1  }
0xb6: {  	s1 =	ssub.s32 @!p0 $0x0, s1;
	[sflag:s0] =	ssyncset.done @!p0 $0x0  }
0xb7: {  	[sflag:s0] =	ssyncadd.s32 @!p0 s1  }
0xb8: {  	[bflag:$0x3] =	sbarrier.arrive $0xFFFF  }
0xb9: {  	_ =	shalt  }

// kernel: kernel.8.cloned.1.call-start
scs
__scs_entry_jumppad:
0x0: {  	(pc) =	sbr.rel $0x88, $3  }
0x1: {  	(tag) =	ssettag $0x0;
	lr =	simm.s32 $0x1  }
0x2: {  	[smem:$0x3F98] =	sst lr;
	_ =	strace $0xD0000000  }
0x3: {  	_ = 	snop  }
0x4: {  	_ = 	snop  }
0x5: {  	_ = 	snop  }
0x6: {  	_ = 	snop  }
0x7: {  	_ = 	snop  }
__scs_overlays_trampoline_lowered:
0x8: {  	[smem:$0x3FA7] =	sst s0  }
0x9: {  	[smem:$0x3FA8] =	sst s1  }
0xa: {  	[smem:$0x3FA9] =	sst s2  }
0xb: {  	[smem:$0x3FAA] =	sst s3  }
0xc: {  	[smem:$0x3FAB] =	sst s4  }
0xd: {  	[smem:$0x3FAC] =	sst s5  }
0xe: {  	[smem:$0x3FAD] =	sst s6  }
0xf: {  	[smem:$0x3FAE] =	sst s7  }
0x10: {  	[smem:$0x3FAF] =	sst s8  }
0x11: {  	[smem:$0x3FB0] =	sst s9;
	s0 =	simm.s32 @!p0 $0x0  }
0x12: {  	s1 =	sld [smem:$0x3F96];
	s0 =	simm.s32 @p0 $0x1  }
0x13: {  	[smem:$0x3FB1] =	sst s0;
	s0 =	simm.s32 @!p1 $0x0  }
0x14: {  	s2 =	sld [smem:$0x3F95];
	s0 =	simm.s32 @p1 $0x1  }
0x15: {  	[smem:$0x3FB2] =	sst s0;
	s0 =	simm.s32 @!p2 $0x0  }
0x16: {  	s3 =	sld [smem:$0x3FDB];
	s0 =	simm.s32 @p2 $0x1  }
0x17: {  	s4 =	simm.s32 $0x1BF5;
	[smem:$0x3FB4] =	sst s0  }
0x18: {  	s0 =	sld [smem:$0x3F97];
	_ =	swait.ge [sflag:s4], $0x0  }
0x19: {  	s7 =	sld [smem:$0x3F98]  }
0x1a: {  	s8 =	sadd.s32 $0xFFFFE003, lr  }
0x1b: {  	s9 =	sadd.s32 $0xFFFFFEF7, lr;
	s5 =	simm.s32 $0xFFFFFFFF;
	p2 =	slt.u32 s8, $0xFFFFF086  }
0x1c: {  	p1 =	slt.u32 s9, $0xF7A;
	s5 =	simm.s32 @!p2 $0x0  }
0x1d: {  	s5 =	simm.s32 @p1 $0x1;
	p0 =	seq.s32 s7, s2  }
0x1e: {  	s7 =	smul.u32 @!p0 $0xF7A, s2;
	p2 =	seq.s32 @!p0 s5, $0x0  }
0x1f: {  	s9 =	smul.u32 $0xF7A, s1;
	s8 =	simm.s32 @!p0 $0x1BF5;
	p2 =	por !p2, p0  }
0x20: {  	[sflag:s8] =	ssyncset.s32 @!p0 $0xFFFFF086;
	s6 =	sadd.s32 @!p0 s3, s7;
	s7 =	simm.s32 @!p0 $0x108  }
0x21: {  	s3 =	sadd.s32 s3, s9;
	s6 =	sadd.s32 @!p0 $0x88, s6;
	s7 =	simm.s32 @p2 $0x1082  }
0x22: {  	[simem:s7], [sflag:s8] =	dma.local @!p0 [hbm:s6], $0xF7A  }
0x23: {  	s9 =	sor.u32 $0xD0000000, s2;
	s6 =	simm.s32 $0x108;
	_ =	swait.ge @!p0 [sflag:s8], $0x0  }
0x24: {  	s3 =	sadd.s32 $0x88, s3;
	s6 =	simm.s32 @!p1 $0x1082;
	[sflag:s4] =	ssyncset.s32 $0xFFFFF086  }
0x25: {  	[simem:s6], [sflag:s4] =	dma.local [hbm:s3], $0xF7A  }
0x26: {  	[smem:$0x3F98] =	sst s1;
	(tag) =	ssettag s2;
	_ =	strace s9  }
0x27: {  	s1 =	sld [smem:$0x3FA8]  }
0x28: {  	s2 =	sld [smem:$0x3FA9]  }
0x29: {  	s4 =	sld [smem:$0x3FAB]  }
0x2a: {  	p0 =	seq.s32 s5, $0x0;
	s5 =	sld [smem:$0x3FAC]  }
0x2b: {  	s6 =	sld [smem:$0x3FAD]  }
0x2c: {  	s7 =	sld [smem:$0x3FAE]  }
0x2d: {  	s3 =	simm.s32 $0x108;
	s8 =	sld [smem:$0x3FAF]  }
0x2e: {  	s3 =	simm.s32 @!p0 $0x1082;
	s9 =	sld [smem:$0x3FB0]  }
0x2f: {  	lr =	sadd.s32 s0, s3;
	s0 =	sld [smem:$0x3FA7]  }
0x30: {  	s3 =	sld [smem:$0x3FAA]  }
0x31: {  	[smem:$0x3FB3] =	sst s10  }
0x32: {  	s10 =	sld [smem:$0x3FB1];
	_ =	sdelay $0x3  }
0x33: {  	p0 =	seq.s32 s10, $0x1;
	s10 =	sld [smem:$0x3FB3];
	_ =	sdelay $0x3  }
0x34: {  	[smem:$0x3FB3] =	sst s10  }
0x35: {  	s10 =	sld [smem:$0x3FB2];
	_ =	sdelay $0x3  }
0x36: {  	p1 =	seq.s32 s10, $0x1;
	s10 =	sld [smem:$0x3FB3];
	_ =	sdelay $0x3  }
0x37: {  	[smem:$0x3FB3] =	sst s10  }
0x38: {  	s10 =	sld [smem:$0x3FB4]  }
0x39: {  	_ = 	snop;
	(pc) =	sbr.ind lr, $3  }
0x3a: {  	_ = 	snop  }
0x3b: {  	_ = 	snop  }
0x3c: {  	p2 =	seq.s32 s10, $0x1;
	s10 =	sld [smem:$0x3FB3]  }
0x3d: {  	_ =	shalt  }
0x3e: {  	_ =	shalt  }
0x3f: {  	_ =	shalt  }
0x40: {  	_ =	shalt  }
0x41: {  	_ =	shalt  }
0x42: {  	_ =	shalt  }
0x43: {  	_ =	shalt  }
0x44: {  	_ =	shalt  }
0x45: {  	_ =	shalt  }
0x46: {  	_ =	shalt  }
0x47: {  	_ =	shalt  }
0x48: {  	_ =	shalt  }
0x49: {  	_ =	shalt  }
0x4a: {  	_ =	shalt  }
0x4b: {  	_ =	shalt  }
0x4c: {  	_ =	shalt  }
0x4d: {  	_ =	shalt  }
0x4e: {  	_ =	shalt  }
0x4f: {  	_ =	shalt  }
0x50: {  	_ =	shalt  }
0x51: {  	_ =	shalt  }
0x52: {  	_ =	shalt  }
0x53: {  	_ =	shalt  }
0x54: {  	_ =	shalt  }
0x55: {  	_ =	shalt  }
0x56: {  	_ =	shalt  }
0x57: {  	_ =	shalt  }
0x58: {  	_ =	shalt  }
0x59: {  	_ =	shalt  }
0x5a: {  	_ =	shalt  }
0x5b: {  	_ =	shalt  }
0x5c: {  	_ =	shalt  }
0x5d: {  	_ =	shalt  }
0x5e: {  	_ =	shalt  }
0x5f: {  	_ =	shalt  }
0x60: {  	_ =	shalt  }
0x61: {  	_ =	shalt  }
0x62: {  	_ =	shalt  }
0x63: {  	_ =	shalt  }
0x64: {  	_ =	shalt  }
0x65: {  	_ =	shalt  }
0x66: {  	_ =	shalt  }
0x67: {  	_ =	shalt  }
0x68: {  	_ =	shalt  }
0x69: {  	_ =	shalt  }
0x6a: {  	_ =	shalt  }
0x6b: {  	_ =	shalt  }
0x6c: {  	_ =	shalt  }
0x6d: {  	_ =	shalt  }
0x6e: {  	_ =	shalt  }
0x6f: {  	_ =	shalt  }
0x70: {  	_ =	shalt  }
0x71: {  	_ =	shalt  }
0x72: {  	_ =	shalt  }
0x73: {  	_ =	shalt  }
0x74: {  	_ =	shalt  }
0x75: {  	_ =	shalt  }
0x76: {  	_ =	shalt  }
0x77: {  	_ =	shalt  }
0x78: {  	_ =	shalt  }
0x79: {  	_ =	shalt  }
0x7a: {  	_ =	shalt  }
0x7b: {  	_ =	shalt  }
0x7c: {  	_ =	shalt  }
0x7d: {  	_ =	shalt  }
0x7e: {  	_ =	shalt  }
0x7f: {  	_ =	shalt  }
0x80: {  	_ =	shalt  }
0x81: {  	_ =	shalt  }
0x82: {  	_ =	shalt  }
0x83: {  	_ =	shalt  }
0x84: {  	_ =	shalt  }
0x85: {  	_ =	shalt  }
0x86: {  	_ =	shalt  }
0x87: {  	_ =	shalt  }
.Lfunc_end0:
.L_simem_size_0:
called_computation_lowered:
.L_overlay_start_0:
0x88: {  	s2 =	sld [smem:$0x3FD9]  }
0x89: {  	s3 =	sld [smem:$0x3FFE];
	_ =	sdelay $0x1  }
0x8a: {  	s1 =	srdreg.scid  }
0x8b: {  	s0 =	sand.u32 $0x1, s1  }
0x8c: {  	s17 =	sshll.u32 s0, $0xA;
	s2 =	sadd.s32 s3, s2  }
0x8d: {  	s2 =	sadd.s32 s2, s17  }
0x8e: {  	[smem:$0x3FBF] =	sst s2  }
0x8f: {  	_ = 	snop  }
0x90: {  	s2 =	sld [smem:$0x3FD0];
	(tm) =	ssettm $0x1  }
0x91: {  	s18 =	sld [smem:$0x3FFB];
	_ =	sdelay $0x3  }
0x92: {  	_ =	strace s18  }
0x93: {  	s3 =	sld [smem:$0x3FFC];
	_ =	sdelay $0x3  }
0x94: {  	_ =	strace s3  }
0x95: {  	s3 =	sld [smem:$0x3FFD];
	_ =	sdelay $0x3  }
0x96: {  	_ =	strace s3  }
0x97: {  	_ =	strace $0x8FFFFFFF  }
0x98: {  	s19 =	sld [smem:$0x3FDB];
	_ =	sdelay $0x1  }
0x99: {  	s4 =	simm.s32 $_scs_section_size  }
0x9a: {  	s5 =	simm.s32 $_size__tile_overlayer_lowered;
	s6 =	simm.s32 $_tile_overlayer_lowered  }
0x9b: {  	s22 =	simm.s32 $0x1BFF;
	s21 =	sshll.u32 s6, $0x1;
	s3 =	sadd.s32 s4, s19  }
0x9c: {  	s7 =	simm.s32 $0x0;
	s20 =	sshll.u32 s5, $0x1;
	s5 =	sadd.s32 s21, s3  }
0x9d: {  	[timem:s7], [sflag:s22] =	dma.local [hbm:s5], s20  }
0x9e: {  	_ =	swait.ge [sflag:s22], s20  }
0x9f: {  	s4 =	ssub.s32 $0x0, s20;
	[sflag:s22] =	ssyncset.done $0x0  }
0xa0: {  	[sflag:s22] =	ssyncadd.s32 s4;
	_ =	sdelay $0x1  }
0xa1: {  	s23 =	simm.s32 $0x1B8B  }
0xa2: {  	_ =	swait.ge [sflag:s23], $0x1  }
0xa3: {  	[sflag:s23] =	ssyncset.done $0x0  }
0xa4: {  	s25 =	simm.s32 $0x1B8E;
	s24 =	sld [smem:$0x3FFE];
	[sflag:s23] =	ssyncadd.s32 $0xFFFFFFFF  }
0xa5: {  	s26 =	simm.s32 $execute0_lowered;
	[smem:$0x3FD2] =	sst s25  }
0xa6: {  	s5 =	sshll.u32 s26, $0x1;
	_ =	strace $0x80000046;
	[dreg:$0x1] =	wrdreg $0xFFFFFFFF  }
0xa7: {  	s28 =	simm.s32 $_size_execute0_lowered;
	s3 =	sadd.s32 s3, s5;
	[dreg:$0x0] =	wrdreg $0x0  }
0xa8: {  	s5 =	sshll.u32 s28, $0x1;
	[dreg:$0x2] =	wrdreg s3  }
0xa9: {  	[dreg:$0x3] =	wrdreg s5  }
0xaa: {  	[dreg:$0x4] =	wrdreg $0xC0  }
0xab: {  	_ =	task [dreg:s7], $0x5FFFF  }
0xac: {  	[dreg:$0x1] =	wrdreg $0xFFFFFFFF  }
0xad: {  	[dreg:$0x0] =	wrdreg $0x60  }
0xae: {  	[dreg:$0x2] =	wrdreg s24  }
0xaf: {  	[dreg:$0x3] =	wrdreg s2  }
0xb0: {  	[dreg:$0x4] =	wrdreg $0x2C100  }
0xb1: {  	[dreg:$0x5] =	wrdreg $0x9  }
0xb2: {  	_ =	task.clear_ibuf [dreg:s7], $0x6FFFF;
	_ =	strace $0x90000046  }
0xb3: {  	s29 =	simm.s32 $0x9;
	_ =	strace $0x80000048  }
0xb4: {  	_ =	swait.ge [sflag:s29], $0x1  }
0xb5: {  	[sflag:s29] =	ssyncadd.s32 $0xFFFFFFFF  }
0xb6: {  	_ =	strace $0x90000048  }
0xb7: {  	_ =	sfence  }
0xb8: {  	s30 =	sld [smem:$0x0];
	_ =	sdelay $0x2  }
0xb9: {  	s31 =	sshll.u32 s1, $0xD;
	s1 =	sshrl.u32 s1, $0x2  }
0xba: {  	s3 =	sand.u32 $0x4000, s31;
	s1 =	sadd.s32 s1, s30  }
0xbb: {  	s0 =	sor.u32 s3, s0;
	s1 =	sshll.u32 s1, $0x11  }
0xbc: {  	s0 =	sor.u32 s1, s0  }
0xbd: {  	s0 =	sadd.s32 $0x8F2B, s0  }
0xbe: {  	[sflag:s0] =	ssyncadd.remote.s32 $0x1  }
0xbf: {  	_ =	sfence.sel $0xFFFF  }
0xc0: {  	[dreg:$0x0] =	wrdreg $0xFFFFFFFF;
	(pc) =	sbr.abs _section_cstart, $3  }
0xc1: {  	[dreg:$0x1] =	wrdreg $0xFFFFFFFF  }
0xc2: {  	_ =	task.clear_ibuf [dreg:s7], $0x2FFFF;
	_ =	strace $0x9FFFFFFF  }
0xc3: {  	(tm) =	ssettm $0x7FFFFFFF  }
tec
execute0_lowered:
.L_overlay_start_1:
0x0: {  	(tag) =	ssettag $0x1  }
0x1: {  	s5 =	rddreg [dreg:$0x0]  }
0x2: {  	s2 =	rddreg [dreg:$0x1];
	s0 =	srdreg.scid  }
0x3: {  	s3 =	rddreg [dreg:$0x2];
	s1 =	stileid.u32  }
0x4: {  	s4 =	simm.s32 $0x0;
	s12 =	simm.s32 $0x50;
	s13 =	simm.s32 $0x1  }
0x5: {  	s16 =	simm.s32 $0x0;
	s6 =	sand.u32 $0x1, s0;
	s9 =	smul.u32 $0x2710, s1  }
0x6: {  	s0 =	rddreg [dreg:$0x3];
	s7 =	sshll.u32 s1, $0x1;
	s10 =	smul.u32 $0x9C40, s1  }
0x7: {  	[smem:$0x7FF] =	sst s4;
	s14 =	sshll.u32 s1, $0x6;
	s8 =	smul.u32 $0x27100, s6  }
0x8: {  	s7 =	sor.u32 s6, s7;
	_ =	strace $0x80000047;
	s6 =	ssub.s32 $0x2, s6  }
0x9: {  	s14 =	sor.u32 $0x1C02, s14;
	s7 =	smul.u32 $0x4E2, s7;
	s31 =	sshrl.u32 s6, $0x1  }
0xa: {  	s10 =	sshrl.u32 s10, $0x2;
	s15 =	sadd.s32 s9, s3;
	s8 =	sadd.s32 s9, s8  }
0xb: {  	s11 =	ssub.s32 s6, s31;
	s6 =	sadd.s32 s10, s3;
	s10 =	simm.s32 $0x2  }
0xc: {  	s15 =	sshrl.u32 s15, $0x3;
	s7 =	sadd.s32 s7, s5;
	s8 =	sshrl.u32 s8, $0x3  }
0xd: {  	s9 =	smax.u32 s11, $0x1;
	s11 =	simm.s32 $0x2710;
	s8 =	sadd.s32 s8, s5  }
0xe: {  	v0 =	vimm.f32 $0.0e+00;
	s5 =	sadd.s32 $0xC400, s7;
	s7 =	sadd.s32 $0x2700, s6;
	s8 =	sadd.s32 $0x16200, s8  }
.LBB2_1:
0xf: {  	[tilespmem:s4], [sflag:$0x2] =	stream.linear.gather [hbm4b:s5+s4], $0x2710, $0x38;
	[tilespmem:$0x5320] =	vst v63  }
0x10: {  	_ =	swait.ge [sflag:s10], $0x2710  }
0x11: {  	[sflag:s10] =	ssyncset.done $0x0  }
0x12: {  	[sflag:s10] =	ssyncadd.s32 $0xFFFFD8F0  }
0x13: {  	[tilespmem:s11], [sflag:$0x2] =	stream.linear.gather [hbm4b:s2+s4], $0x500, $0x38;
	[tilespmem:$0x5320] =	vst v63  }
0x14: {  	_ =	swait.ge [sflag:s10], $0x500  }
0x15: {  	[sflag:s10] =	ssyncset.done $0x0  }
0x16: {  	[sflag:s10] =	ssyncadd.s32 $0xFFFFFB00  }
0x17: {  	[tilespmem:$0x2710] =	vst v0  }
0x18: {  	[tilespmem:$0x2720] =	vst v0  }
0x19: {  	[tilespmem:$0x2730] =	vst v0  }
0x1a: {  	[tilespmem:$0x2740] =	vst v0  }
0x1b: {  	[tilespmem:$0x2750] =	vst v0  }
0x1c: {  	[tilespmem:$0x2760] =	vst v0  }
0x1d: {  	[tilespmem:$0x2770] =	vst v0  }
0x1e: {  	s17 =	sadd.s32 $0x0, s6;
	[tilespmem:$0x2780] =	vst v0  }
0x1f: {  	[spmem:s17] =	stream.linear.scatter [tilespmem:s11], [sflag:$0x2], $0x80, $0x38;
	[tilespmem:$0x5320] =	vst v63  }
0x20: {  	s17 =	simm.s32 $0x200;
	_ =	swait.ge [sflag:s10], $0x80  }
.LBB2_2:
0x21: {  	s18 =	sshra.s32 s17, $0x2;
	[sflag:s10] =	ssyncset.done $0x0;
	p0 =	sne.s32 s17, $0x9A00  }
.Ltmp0:
0x22: {  	s18 =	sadd.s32 s18, s6;
	[sflag:s10] =	ssyncadd.s32 $0xFFFFFF80;
	(pc) =	sbr.rel @p0 .LBB2_2-.Ltmp0, $3  }
0x23: {  	[spmem:s18] =	stream.linear.scatter [tilespmem:s11], [sflag:$0x2], $0x80, $0x38;
	[tilespmem:$0x5320] =	vst v63  }
0x24: {  	s17 =	sadd.s32 $0x200, s17;
	_ =	sdelay $0x1  }
0x25: {  	_ =	swait.ge [sflag:s10], $0x80  }
0x26: {  	[sflag:s10] =	ssyncset.done $0x0  }
0x27: {  	[sflag:s10] =	ssyncadd.s32 $0xFFFFFF80  }
0x28: {  	[spmem:s7] =	stream.linear.scatter [tilespmem:s11], [sflag:$0x2], $0x10, $0x38;
	[tilespmem:$0x5320] =	vst v63  }
0x29: {  	_ =	swait.ge [sflag:s10], $0x10  }
0x2a: {  	[sflag:s10] =	ssyncset.done $0x0  }
0x2b: {  	[sflag:s10] =	ssyncadd.s32 $0xFFFFFFF0  }
0x2c: {  	[tilespmem:s11], [sflag:$0x2] =	stream.linear.gather [hbm4b:s2+s4], $0x500, $0x38;
	[tilespmem:$0x5320] =	vst v63  }
0x2d: {  	_ =	swait.ge [sflag:s10], $0x500  }
0x2e: {  	[sflag:s10] =	ssyncset.done $0x0  }
0x2f: {  	[sflag:s10] =	ssyncadd.s32 $0xFFFFFB00  }
0x30: {  	[bflag:$0x0] =	sbarrier.arrive $0xFFFF  }
0x31: {  	[spmem:s3] =	stream.indirect.scatter.add.f32 [tilespmem:s11], [sflag:$0x1], $0x10, s4, s12, $0xb8;
	[tilespmem:$0x5320] =	vst v63  }
0x32: {  	s17 =	simm.s32 $0x50  }
0x33: {  	[spmem:s3] =	stream.indirect.scatter.add.f32 [tilespmem:s11], [sflag:$0x1], $0x10, s17, s12, $0xb8;
	[tilespmem:$0x5320] =	vst v63  }
0x34: {  	_ =	swait.ge [sflag:s13], $0x500  }
0x35: {  	s17 =	simm.s32 $0x280;
	[sflag:s13] =	ssyncset.done $0x0  }
.LBB2_4:
0x36: {  	s18 =	sshra.s32 s17, $0x2;
	[sflag:s13] =	ssyncadd.s32 $0xFFFFFB00;
	p0 =	sne.s32 s17, $0x9B00  }
0x37: {  	[spmem:s3] =	stream.indirect.scatter.add.f32 [tilespmem:s11], [sflag:$0x1], $0x10, s18, s12, $0xb8;
	[tilespmem:$0x5320] =	vst v63  }
.Ltmp1:
0x38: {  	_ = 	snop;
	(pc) =	sbr.rel @p0 .LBB2_4-.Ltmp1, $4  }
0x39: {  	_ = 	snop  }
0x3a: {  	s17 =	sadd.s32 $0x140, s17  }
0x3b: {  	_ =	swait.ge [sflag:s13], $0x500  }
0x3c: {  	[sflag:s13] =	ssyncset.done $0x0  }
0x3d: {  	[sflag:s13] =	ssyncadd.s32 $0xFFFFFB00  }
0x3e: {  	_ =	swait.ge [sflag:s13], $0x500  }
0x3f: {  	s16 =	sadd.s32 $0x1, s16;
	[sflag:s13] =	ssyncset.done $0x0  }
0x40: {  	p0 =	sne.s32 s16, s9;
	[sflag:s13] =	ssyncadd.s32 $0xFFFFFB00  }
.Ltmp2:
0x41: {  	[bflag:$0x0] =	sbarrier.arrive $0xFFFF;
	(pc) =	sbr.rel @p0 .LBB2_1-.Ltmp2, $4  }
0x42: {  	[hbm:s8], [sflag:s14] =	dma.local [spmem:s15], $0x4E2  }
0x43: {  	_ =	swait.ge [sflag:s10], $0x4E2  }
0x44: {  	[sflag:s10] =	ssyncset.done $0x0  }
0x45: {  	[sflag:s10] =	ssyncadd.s32 $0xFFFFFB1E  }
0x46: {  	_ =	sfence.sel $0x180000  }
0x47: {  	[bflag:$0x0] =	sbarrier.arrive $0xFFFF  }
0x48: {  	p0 =	sne.s32 s1, $0x0;
	_ =	strace $0x90000047  }
0x49: {  	s0 =	sadd.s32 @!p0 $0x100000, s0;
	[bflag:$0x2] =	sbarrier.arrive $0xFFFF  }
0x4a: {  	[sflag:s0] =	ssyncadd.tile.s32 @!p0 $0x1;
	_ =	shalt  }
.Lfunc_end2:
_tile_overlayer_lowered:
.L_overlay_start_2:
0x4b: {  	(tag) =	ssettag $0x2  }
0x4c: {  	s0 =	rddreg [dreg:$0x0];
	s2 =	stileid.u32  }
0x4d: {  	s1 =	rddreg [dreg:$0x1];
	p0 =	sne.s32 s2, $0x0  }
0x4e: {  	s3 =	rddreg [dreg:$0x2];
	[bflag:$0x3] =	sbarrier.arrive $0xFFFF;
	s2 =	simm.s32 @!p0 $0x1C02  }
0x4f: {  	[timem:s3], [sflag:s2] =	dma.local @!p0 [hbm:s0], s1  }
0x50: {  	s0 =	simm.s32 @!p0 $0x2  }
0x51: {  	_ =	swait.ge @!p0 [sflag:s0], s1  }
0x52: {  	s1 =	ssub.s32 @!p0 $0x0, s1;
	[sflag:s0] =	ssyncset.done @!p0 $0x0  }
0x53: {  	[sflag:s0] =	ssyncadd.s32 @!p0 s1  }
0x54: {  	[bflag:$0x3] =	sbarrier.arrive $0xFFFF  }
0x55: {  	_ =	shalt  }

</sc_bundles>
